<compile_context>
chip_gen: v7x
topology: tpu7x:2x2x1
jax: 0.10.2.dev20260603
libtpu: 0.0.44.dev20260713+nightly
codegen_flags: <defaults>
</compile_context>

<pallas_src>
import functools

import jax
import jax.numpy as jnp
from jax import lax
from jax.experimental import pallas as pl
from jax.experimental.pallas import tpu as pltpu
from jax.experimental.pallas import tpu_sc as plsc

K_NN = 20
N_PTS = 1024
BATCH = 4
HEADS = 4
DIM_HEAD = 32


def _dist_keys_into(f, key_ref):
    n = f.shape[0]
    sq = jnp.sum(f * f, axis=1, keepdims=True)
    ones = jnp.ones((n, 1), f.dtype)
    p = jnp.concatenate([f, ones], axis=1)
    q = jnp.concatenate([f, -0.5 * sq], axis=1)
    d = -2.0 * lax.dot_general(p, q, (((1,), (1,)), ((), ())))
    db = lax.bitcast_convert_type(d, jnp.int32)
    ks = jnp.where(db < 0, db ^ jnp.int32(2147483647), db)
    cols = lax.broadcasted_iota(jnp.int32, (n, n), 1)
    key_ref[...] = (ks & jnp.int32(-1024)) | cols


def _topk_into(key_ref, idx_ref, prev_ref, n, k):
    slot = lax.broadcasted_iota(jnp.int32, idx_ref.shape, 1)
    imax = jnp.int32(2147483647)

    def body(t, carry):
        keys = key_ref[...]
        prev = prev_ref[...]
        m = jnp.min(jnp.where(keys > prev, keys, imax), axis=1, keepdims=True)
        prev_ref[...] = m
        idx_ref[...] = jnp.where(slot == t, m & (n - 1), idx_ref[...])
        return carry

    m0 = jnp.min(key_ref[...], axis=1, keepdims=True)
    prev_ref[...] = m0
    idx_ref[...] = jnp.where(slot == 0, m0 & (n - 1), idx_ref[...])
    lax.fori_loop(1, k, body, 0)


def _knn1_body(x_ref, wa_ref, wb_ref, b1_ref, idx_ref, a_ref, c_ref,
               d_ref, tidx_ref, prev_ref):
    b = pl.program_id(0)
    x = x_ref[0]
    _dist_keys_into(x, d_ref)
    _topk_into(d_ref, tidx_ref, prev_ref, N_PTS, K_NN)
    idx_ref[0] = tidx_ref[:, :K_NN] + b * N_PTS
    a_ref[0] = jnp.dot(x, wa_ref[...]) + b1_ref[...]
    c_ref[0] = jnp.dot(x, wb_ref[...])


def _knn1_call(x, wa, wb, b1):
    return pl.pallas_call(
        _knn1_body,
        grid=(BATCH,),
        in_specs=[
            pl.BlockSpec((1, N_PTS, 3), lambda b: (b, 0, 0)),
            pl.BlockSpec((3, 64), lambda b: (0, 0)),
            pl.BlockSpec((3, 64), lambda b: (0, 0)),
            pl.BlockSpec((1, 64), lambda b: (0, 0)),
        ],
        out_specs=[
            pl.BlockSpec((1, N_PTS, K_NN), lambda b: (b, 0, 0)),
            pl.BlockSpec((1, N_PTS, 64), lambda b: (b, 0, 0)),
            pl.BlockSpec((1, N_PTS, 64), lambda b: (b, 0, 0)),
        ],
        out_shape=[
            jax.ShapeDtypeStruct((BATCH, N_PTS, K_NN), jnp.int32),
            jax.ShapeDtypeStruct((BATCH, N_PTS, 64), jnp.float32),
            jax.ShapeDtypeStruct((BATCH, N_PTS, 64), jnp.float32),
        ],
        scratch_shapes=[
            pltpu.VMEM((N_PTS, N_PTS), jnp.int32),
            pltpu.VMEM((N_PTS, 32), jnp.int32),
            pltpu.VMEM((N_PTS, 1), jnp.int32),
        ],
    )(x, wa, wb, b1)


def _gather_rows(table, idx):
    E = idx.shape[0]
    NW = 32
    per_w = E // NW
    CH = 160
    n_ch = per_w // CH
    mesh = plsc.VectorSubcoreMesh(core_axis_name="c", subcore_axis_name="s")

    @functools.partial(
        pl.kernel,
        out_type=jax.ShapeDtypeStruct((E, 64), jnp.float32),
        mesh=mesh,
        compiler_params=pltpu.CompilerParams(use_tc_tiling_on_sc=False),
        scratch_types=[
            pltpu.VMEM((per_w,), jnp.int32),
            pltpu.VMEM((CH, 64), jnp.float32),
            pltpu.VMEM((CH, 64), jnp.float32),
            pltpu.SemaphoreType.DMA,
            pltpu.SemaphoreType.DMA,
        ],
    )
    def k(table_hbm, idx_hbm, out_hbm, idx_v, rows0_v, rows1_v, sem0, sem1):
        wid = lax.axis_index("s") * 2 + lax.axis_index("c")
        base = wid * per_w
        pltpu.sync_copy(idx_hbm.at[pl.ds(base, per_w)], idx_v)
        bufs = (rows0_v, rows1_v)
        sems = (sem0, sem1)
        copies = []
        for i in range(n_ch):
            cp = pltpu.async_copy(
                table_hbm.at[idx_v.at[pl.ds(i * CH, CH)]], bufs[i % 2],
                sems[i % 2])
            if i >= 1:
                copies[i - 1].wait()
                pltpu.sync_copy(bufs[(i - 1) % 2],
                                out_hbm.at[pl.ds(base + (i - 1) * CH, CH)])
            copies.append(cp)
        copies[n_ch - 1].wait()
        pltpu.sync_copy(bufs[(n_ch - 1) % 2],
                        out_hbm.at[pl.ds(base + (n_ch - 1) * CH, CH)])

    return k(table, idx)


def _edge_max(a, nbr_ref, w2_ref):
    acc = None
    for t in range(K_NN):
        slab = nbr_ref[0, t * N_PTS:(t + 1) * N_PTS, :]
        h = jnp.dot(jax.nn.relu(a + slab), w2_ref[...])
        acc = h if acc is None else jnp.maximum(acc, h)
    return acc


def _conv_fin_knn2_body(a_ref, nbr_ref, w2_ref, b2_ref, wa2_ref, wb2_ref,
                        b12_ref, lf_ref, idx_ref, a2_ref, c2_ref,
                        d_ref, tidx_ref, prev_ref):
    b = pl.program_id(0)
    lf = _edge_max(a_ref[0], nbr_ref, w2_ref) + b2_ref[...]
    lf_ref[0] = lf
    _dist_keys_into(lf, d_ref)
    _topk_into(d_ref, tidx_ref, prev_ref, N_PTS, K_NN)
    idx_ref[0] = tidx_ref[:, :K_NN] + b * N_PTS
    a2_ref[0] = jnp.dot(lf, wa2_ref[...]) + b12_ref[...]
    c2_ref[0] = jnp.dot(lf, wb2_ref[...])


def _conv_fin_knn2_call(a1, nbr1, w2, b2, wa2, wb2, b12):
    return pl.pallas_call(
        _conv_fin_knn2_body,
        grid=(BATCH,),
        in_specs=[
            pl.BlockSpec((1, N_PTS, 64), lambda b: (b, 0, 0)),
            pl.BlockSpec((1, K_NN * N_PTS, 64), lambda b: (b, 0, 0)),
            pl.BlockSpec((64, 64), lambda b: (0, 0)),
            pl.BlockSpec((1, 64), lambda b: (0, 0)),
            pl.BlockSpec((64, 64), lambda b: (0, 0)),
            pl.BlockSpec((64, 64), lambda b: (0, 0)),
            pl.BlockSpec((1, 64), lambda b: (0, 0)),
        ],
        out_specs=[
            pl.BlockSpec((1, N_PTS, 64), lambda b: (b, 0, 0)),
            pl.BlockSpec((1, N_PTS, K_NN), lambda b: (b, 0, 0)),
            pl.BlockSpec((1, N_PTS, 64), lambda b: (b, 0, 0)),
            pl.BlockSpec((1, N_PTS, 64), lambda b: (b, 0, 0)),
        ],
        out_shape=[
            jax.ShapeDtypeStruct((BATCH, N_PTS, 64), jnp.float32),
            jax.ShapeDtypeStruct((BATCH, N_PTS, K_NN), jnp.int32),
            jax.ShapeDtypeStruct((BATCH, N_PTS, 64), jnp.float32),
            jax.ShapeDtypeStruct((BATCH, N_PTS, 64), jnp.float32),
        ],
        scratch_shapes=[
            pltpu.VMEM((N_PTS, N_PTS), jnp.int32),
            pltpu.VMEM((N_PTS, 32), jnp.int32),
            pltpu.VMEM((N_PTS, 1), jnp.int32),
        ],
    )(a1, nbr1, w2, b2, wa2, wb2, b12)


def _tail_body(a2_ref, nbr_ref, w2_ref, b2_ref, wqkv_ref, wo_ref, bo_ref,
               mw1_ref, mb1_ref, mw2_ref, mb2_ref, mw3_ref, mb3_ref, out_ref):
    lf = _edge_max(a2_ref[0], nbr_ref, w2_ref) + b2_ref[...]
    gf = jnp.max(lf, axis=0, keepdims=True)
    qkv = jnp.dot(lf, wqkv_ref[...])
    scale = DIM_HEAD ** -0.5
    heads = []
    for hh in range(HEADS):
        q = qkv[:, hh * DIM_HEAD:(hh + 1) * DIM_HEAD] * scale
        kk = qkv[:, 128 + hh * DIM_HEAD:128 + (hh + 1) * DIM_HEAD]
        v = qkv[:, 256 + hh * DIM_HEAD:256 + (hh + 1) * DIM_HEAD]
        e = jnp.exp(lax.dot_general(q, kk, (((1,), (1,)), ((), ()))))
        r = 1.0 / jnp.sum(e, axis=1, keepdims=True)
        heads.append(jnp.dot(e, v) * r)
    af = jnp.dot(jnp.concatenate(heads, axis=1), wo_ref[...]) + bo_ref[...]
    comb = jnp.concatenate(
        [lf, jnp.broadcast_to(gf, (N_PTS, 128)), af], axis=1)
    h1 = jax.nn.relu(jnp.dot(comb, mw1_ref[...]) + mb1_ref[...])
    h2 = jax.nn.relu(jnp.dot(h1, mw2_ref[...]) + mb2_ref[...])
    z = jnp.dot(h2, mw3_ref[...]) + mb3_ref[...]
    zm = jnp.max(z, axis=1, keepdims=True)
    zs = z - zm
    out_ref[0] = zs - jnp.log(jnp.sum(jnp.exp(zs), axis=1, keepdims=True))


def _tail_call(a2, nbr2, w2, b2, wqkv, wo, bo, mw1, mb1, mw2, mb2, mw3, mb3):
    nc = mw3.shape[1]
    full = lambda r, c: pl.BlockSpec((r, c), lambda b: (0, 0))
    return pl.pallas_call(
        _tail_body,
        grid=(BATCH,),
        in_specs=[
            pl.BlockSpec((1, N_PTS, 64), lambda b: (b, 0, 0)),
            pl.BlockSpec((1, K_NN * N_PTS, 64), lambda b: (b, 0, 0)),
            full(64, 128), full(1, 128), full(128, 384),
            full(128, 128), full(1, 128),
            full(384, 128), full(1, 128),
            full(128, 64), full(1, 64),
            full(64, nc), full(1, nc),
        ],
        out_specs=pl.BlockSpec((1, N_PTS, nc), lambda b: (b, 0, 0)),
        out_shape=jax.ShapeDtypeStruct((BATCH, N_PTS, nc), jnp.float32),
    )(a2, nbr2, w2, b2, wqkv, wo, bo, mw1, mb1, mw2, mb2, mw3, mb3)


def kernel(x, batch, ec1_w1, ec1_b1, ec1_w2, ec1_b2, ec2_w1, ec2_b1, ec2_w2,
           ec2_b2, attn_wqkv, attn_wo, attn_bo, mlp_w1, mlp_b1, mlp_w2,
           mlp_b2, mlp_w3, mlp_b3):
    wa1 = ec1_w1[:3] - ec1_w1[3:]
    wb1 = ec1_w1[3:]
    wa2 = ec2_w1[:64] - ec2_w1[64:]
    wb2 = ec2_w1[64:]

    idx1, a1, c1 = _knn1_call(x, wa1, wb1, ec1_b1.reshape(1, 64))
    flat1 = idx1.transpose(0, 2, 1).reshape(-1)
    nbr1 = _gather_rows(c1.reshape(BATCH * N_PTS, 64), flat1)

    lf1, idx2, a2, c2 = _conv_fin_knn2_call(
        a1, nbr1.reshape(BATCH, K_NN * N_PTS, 64), ec1_w2,
        ec1_b2.reshape(1, 64), wa2, wb2, ec2_b1.reshape(1, 64))
    flat2 = idx2.transpose(0, 2, 1).reshape(-1)
    nbr2 = _gather_rows(c2.reshape(BATCH * N_PTS, 64), flat2)

    return _tail_call(
        a2, nbr2.reshape(BATCH, K_NN * N_PTS, 64), ec2_w2,
        ec2_b2.reshape(1, 128), attn_wqkv, attn_wo, attn_bo.reshape(1, 128),
        mlp_w1, mlp_b1.reshape(1, 128), mlp_w2, mlp_b2.reshape(1, 64),
        mlp_w3, mlp_b3.reshape(1, 50))

# --- scband reference (transcript-rebuilt; emitter-appended) ---
"""Pipeline reference for scband-get-model-13864154431842 (READ-ONLY COPY).

The authoritative reference and input builder live on the scoring server;
editing this copy changes nothing except your own understanding.
"""

import jax, jax.numpy as jnp
import numpy as np

K_NN = 20
HEADS = 4
NUM_CLASSES = 50


def _w(key, shape):
    return jax.random.normal(key, shape, dtype=jnp.float32) * 0.05


def setup_inputs(seed: int = 0) -> dict:
    key = jax.random.key(seed)
    ks = jax.random.split(key, 20)
    inp = {}
    inp['x'] = jax.random.normal(ks[0], (4, 1024, 3), dtype=jnp.float32)
    inp['batch'] = jnp.zeros((4, 1024), dtype=jnp.int32)
    # EdgeConvBlock 1: nn.Sequential(Linear(2*3,64), ReLU, Linear(64,64))
    inp['ec1_w1'] = _w(ks[1], (6, 64));   inp['ec1_b1'] = jnp.zeros((64,), jnp.float32)
    inp['ec1_w2'] = _w(ks[2], (64, 64));  inp['ec1_b2'] = jnp.zeros((64,), jnp.float32)
    # EdgeConvBlock 2: nn.Sequential(Linear(2*64,64), ReLU, Linear(64,128))
    inp['ec2_w1'] = _w(ks[3], (128, 64)); inp['ec2_b1'] = jnp.zeros((64,), jnp.float32)
    inp['ec2_w2'] = _w(ks[4], (64, 128)); inp['ec2_b2'] = jnp.zeros((128,), jnp.float32)
    # SelfAttention(128, heads=4)
    inp['attn_wqkv'] = _w(ks[5], (128, 384))
    inp['attn_wo'] = _w(ks[6], (128, 128)); inp['attn_bo'] = jnp.zeros((128,), jnp.float32)
    # refine_mlp (input is cat of 3x128 = 384 features)
    inp['mlp_w1'] = _w(ks[7], (384, 128)); inp['mlp_b1'] = jnp.zeros((128,), jnp.float32)
    inp['mlp_w2'] = _w(ks[8], (128, 64));  inp['mlp_b2'] = jnp.zeros((64,), jnp.float32)
    inp['mlp_w3'] = _w(ks[9], (64, NUM_CLASSES)); inp['mlp_b3'] = jnp.zeros((NUM_CLASSES,), jnp.float32)
    return inp


def _knn_idx(x, k):
    # x: [B, N, D]; k nearest neighbors by squared euclidean distance (self included)
    sq = jnp.sum(x * x, axis=-1)
    d2 = sq[:, :, None] + sq[:, None, :] - 2.0 * jnp.einsum('bnd,bmd->bnm', x, x)
    _, idx = jax.lax.top_k(-d2, k)  # [B, N, k]
    return idx


def _edge_conv(x, w1, b1, w2, b2, k):
    # DynamicEdgeConv: kNN graph on x, message nn([x_i, x_j - x_i]), max aggregation
    idx = _knn_idx(x, k)
    nbr = jax.vmap(lambda xb, ib: xb[ib])(x, idx)  # gather: [B, N, k, D]
    xi = jnp.broadcast_to(x[:, :, None, :], nbr.shape)
    h = jnp.concatenate([xi, nbr - xi], axis=-1)
    h = jax.nn.relu(h @ w1 + b1) @ w2 + b2
    return jnp.max(h, axis=2)


def _attention(x, wqkv, wo, bo):
    B, N, C = x.shape
    qkv = x @ wqkv
    q, k, v = jnp.split(qkv, 3, axis=-1)
    def rs(t):
        return t.reshape(B, N, HEADS, -1).transpose(0, 2, 1, 3)
    q, k, v = rs(q), rs(k), rs(v)
    scale = 32 ** (-0.5)  # dim_head = 32
    attn = jax.nn.softmax((q @ k.transpose(0, 1, 3, 2)) * scale, axis=-1)
    out = (attn @ v).transpose(0, 2, 1, 3).reshape(B, N, C)
    return out @ wo + bo


def reference(x, batch, ec1_w1, ec1_b1, ec1_w2, ec1_b2, ec2_w1, ec2_b1, ec2_w2, ec2_b2,
              attn_wqkv, attn_wo, attn_bo, mlp_w1, mlp_b1, mlp_w2, mlp_b2, mlp_w3, mlp_b3):
    lf = _edge_conv(x, ec1_w1, ec1_b1, ec1_w2, ec1_b2, K_NN)
    lf = _edge_conv(lf, ec2_w1, ec2_b1, ec2_w2, ec2_b2, K_NN)
    gf = jnp.max(lf, axis=1, keepdims=True)
    gf = jnp.broadcast_to(gf, (lf.shape[0], x.shape[1], lf.shape[2]))
    af = _attention(lf, attn_wqkv, attn_wo, attn_bo)
    comb = jnp.concatenate([lf, gf, af], axis=-1)
    h = jax.nn.relu(comb @ mlp_w1 + mlp_b1)
    h = jax.nn.relu(h @ mlp_w2 + mlp_b2)
    out = h @ mlp_w3 + mlp_b3
    return jax.nn.log_softmax(out, axis=-1)

if __name__ == "__main__":
    import jax
    _d = setup_inputs()
    print(jax.jit(kernel)(*tuple(_d.values())))

</pallas_src>

<mosaic_0001>
#map = affine_map<(d0, d1) -> (0, 0)>
#map1 = affine_map<(d0, d1) -> (0)>
module attributes {stable_mosaic.version = 14 : i64} {
  func.func @k(%arg0: i32, %arg1: i32, %arg2: memref<4096x64xf32, #tpu.memory_space<hbm>>, %arg3: memref<81920xi32, #tpu.memory_space<hbm>>, %arg4: memref<81920x64xf32, #tpu.memory_space<hbm>>, %arg5: memref<2560xi32, #tpu.memory_space<vmem>>, %arg6: memref<160x64xf32, #tpu.memory_space<vmem>>, %arg7: memref<160x64xf32, #tpu.memory_space<vmem>>, %arg8: memref<!tpu.dma_semaphore, #tpu.memory_space<semaphore_mem>>, %arg9: memref<!tpu.dma_semaphore, #tpu.memory_space<semaphore_mem>>) attributes {dimension_semantics = [#tpu.dimension_semantics<core_parallel>, #tpu.dimension_semantics<subcore_parallel>], iteration_bounds = array<i64: 2, 16>, scalar_prefetch = 0 : i64, scratch_operands = 5 : i64, tpu.core_type = #tpu.core_type<sc_vector_subcore>, window_params = [{transform_indices = #map}, {transform_indices = #map1}, {transform_indices = #map}]} {
    %mul3A = arith.constant 2 : i32
    %mul3A_0 = arith.muli %arg1, %mul3A : i32
    %add3A = arith.addi %mul3A_0, %arg0 : i32
    %mul3A_1 = arith.constant 2560 : i32
    %mul3A_2 = arith.muli %add3A, %mul3A_1 : i32
    "tpu.region"() ({
      %run_scoped3A = tpu.sem_alloc : memref<!tpu.dma_semaphore, #tpu.memory_space<semaphore_mem>>
      %dma_start3A_193 = tpu.memref_slice %arg3[%mul3A_2] : memref<81920xi32, #tpu.memory_space<hbm>> -> memref<2560xi32, #tpu.memory_space<hbm>>
      %dma_start3A_194 = tpu.memref_slice %arg3[%mul3A_2] : memref<81920xi32, #tpu.memory_space<hbm>> -> memref<2560xi32, #tpu.memory_space<hbm>>
      tpu.enqueue_dma source(%dma_start3A_194 : memref<2560xi32, #tpu.memory_space<hbm>>) target(%arg5 : memref<2560xi32, #tpu.memory_space<vmem>>) target_semaphore(%run_scoped3A : memref<!tpu.dma_semaphore, #tpu.memory_space<semaphore_mem>>)
      %dma_wait3A_195 = tpu.memref_slice %arg3[%mul3A_2] : memref<81920xi32, #tpu.memory_space<hbm>> -> memref<2560xi32, #tpu.memory_space<hbm>>
      %dma_wait3A_196 = tpu.memref_slice %arg3[%mul3A_2] : memref<81920xi32, #tpu.memory_space<hbm>> -> memref<2560xi32, #tpu.memory_space<hbm>>
      tpu.wait_dma2 semaphore(%run_scoped3A : memref<!tpu.dma_semaphore, #tpu.memory_space<semaphore_mem>>) src(%dma_wait3A_196 : memref<2560xi32, #tpu.memory_space<hbm>>) dst(%arg5 : memref<2560xi32, #tpu.memory_space<vmem>>)
      tpu.yield
    }) : () -> ()
    %dma_start3A = arith.constant 0 : i32
    %dma_start3A_3 = tpu.memref_slice %arg5[%dma_start3A] : memref<2560xi32, #tpu.memory_space<vmem>> -> memref<160xi32, #tpu.memory_space<vmem>>
    %dma_start3A_4 = arith.constant 0 : i32
    %dma_start3A_5 = arith.constant 0 : i32
    %dma_start3A_6 = tpu.memref_slice %arg2[%dma_start3A_4, %dma_start3A_5] : memref<4096x64xf32, #tpu.memory_space<hbm>> -> memref<4096x64xf32, #tpu.memory_space<hbm>>
    tpu.enqueue_indirect_dma source(%dma_start3A_6 : memref<4096x64xf32, #tpu.memory_space<hbm>>) target(%arg6 : memref<160x64xf32, #tpu.memory_space<vmem>>) offsets(%dma_start3A_3 : memref<160xi32, #tpu.memory_space<vmem>>) semaphore(%arg8 : memref<!tpu.dma_semaphore, #tpu.memory_space<semaphore_mem>>)
    %dma_start3A_7 = arith.constant 160 : i32
    %dma_start3A_8 = tpu.memref_slice %arg5[%dma_start3A_7] : memref<2560xi32, #tpu.memory_space<vmem>> -> memref<160xi32, #tpu.memory_space<vmem>>
    %dma_start3A_9 = arith.constant 0 : i32
    %dma_start3A_10 = arith.constant 0 : i32
    %dma_start3A_11 = tpu.memref_slice %arg2[%dma_start3A_9, %dma_start3A_10] : memref<4096x64xf32, #tpu.memory_space<hbm>> -> memref<4096x64xf32, #tpu.memory_space<hbm>>
    tpu.enqueue_indirect_dma source(%dma_start3A_11 : memref<4096x64xf32, #tpu.memory_space<hbm>>) target(%arg7 : memref<160x64xf32, #tpu.memory_space<vmem>>) offsets(%dma_start3A_8 : memref<160xi32, #tpu.memory_space<vmem>>) semaphore(%arg9 : memref<!tpu.dma_semaphore, #tpu.memory_space<semaphore_mem>>)
    %dma_wait3A = arith.constant 0 : i32
    %dma_wait3A_12 = tpu.memref_slice %arg5[%dma_wait3A] : memref<2560xi32, #tpu.memory_space<vmem>> -> memref<160xi32, #tpu.memory_space<vmem>>
    %dma_wait3A_13 = arith.constant 0 : i32
    %dma_wait3A_14 = arith.constant 0 : i32
    %dma_wait3A_15 = tpu.memref_slice %arg2[%dma_wait3A_13, %dma_wait3A_14] : memref<4096x64xf32, #tpu.memory_space<hbm>> -> memref<4096x64xf32, #tpu.memory_space<hbm>>
    tpu.wait_indirect_dma semaphore(%arg8 : memref<!tpu.dma_semaphore, #tpu.memory_space<semaphore_mem>>) src(%dma_wait3A_15 : memref<4096x64xf32, #tpu.memory_space<hbm>>) dst(%arg6 : memref<160x64xf32, #tpu.memory_space<vmem>>)
    %add3A_16 = arith.constant 0 : i32
    %add3A_17 = arith.addi %mul3A_2, %add3A_16 : i32
    "tpu.region"() ({
      %run_scoped3A = tpu.sem_alloc : memref<!tpu.dma_semaphore, #tpu.memory_space<semaphore_mem>>
      %dma_start3A_193 = arith.constant 0 : i32
      %dma_start3A_194 = tpu.memref_slice %arg4[%add3A_17, %dma_start3A_193] : memref<81920x64xf32, #tpu.memory_space<hbm>> -> memref<160x64xf32, #tpu.memory_space<hbm>>
      %dma_start3A_195 = arith.constant 0 : i32
      %dma_start3A_196 = tpu.memref_slice %arg4[%add3A_17, %dma_start3A_195] : memref<81920x64xf32, #tpu.memory_space<hbm>> -> memref<160x64xf32, #tpu.memory_space<hbm>>
      tpu.enqueue_dma source(%arg6 : memref<160x64xf32, #tpu.memory_space<vmem>>) target(%dma_start3A_196 : memref<160x64xf32, #tpu.memory_space<hbm>>) target_semaphore(%run_scoped3A : memref<!tpu.dma_semaphore, #tpu.memory_space<semaphore_mem>>)
      %dma_wait3A_197 = arith.constant 0 : i32
      %dma_wait3A_198 = tpu.memref_slice %arg4[%add3A_17, %dma_wait3A_197] : memref<81920x64xf32, #tpu.memory_space<hbm>> -> memref<160x64xf32, #tpu.memory_space<hbm>>
      %dma_wait3A_199 = arith.constant 0 : i32
      %dma_wait3A_200 = tpu.memref_slice %arg4[%add3A_17, %dma_wait3A_199] : memref<81920x64xf32, #tpu.memory_space<hbm>> -> memref<160x64xf32, #tpu.memory_space<hbm>>
      tpu.wait_dma2 semaphore(%run_scoped3A : memref<!tpu.dma_semaphore, #tpu.memory_space<semaphore_mem>>) src(%arg6 : memref<160x64xf32, #tpu.memory_space<vmem>>) dst(%dma_wait3A_200 : memref<160x64xf32, #tpu.memory_space<hbm>>)
      tpu.yield
    }) : () -> ()
    %dma_start3A_18 = arith.constant 320 : i32
    %dma_start3A_19 = tpu.memref_slice %arg5[%dma_start3A_18] : memref<2560xi32, #tpu.memory_space<vmem>> -> memref<160xi32, #tpu.memory_space<vmem>>
    %dma_start3A_20 = arith.constant 0 : i32
    %dma_start3A_21 = arith.constant 0 : i32
    %dma_start3A_22 = tpu.memref_slice %arg2[%dma_start3A_20, %dma_start3A_21] : memref<4096x64xf32, #tpu.memory_space<hbm>> -> memref<4096x64xf32, #tpu.memory_space<hbm>>
    tpu.enqueue_indirect_dma source(%dma_start3A_22 : memref<4096x64xf32, #tpu.memory_space<hbm>>) target(%arg6 : memref<160x64xf32, #tpu.memory_space<vmem>>) offsets(%dma_start3A_19 : memref<160xi32, #tpu.memory_space<vmem>>) semaphore(%arg8 : memref<!tpu.dma_semaphore, #tpu.memory_space<semaphore_mem>>)
    %dma_wait3A_23 = arith.constant 160 : i32
    %dma_wait3A_24 = tpu.memref_slice %arg5[%dma_wait3A_23] : memref<2560xi32, #tpu.memory_space<vmem>> -> memref<160xi32, #tpu.memory_space<vmem>>
    %dma_wait3A_25 = arith.constant 0 : i32
    %dma_wait3A_26 = arith.constant 0 : i32
    %dma_wait3A_27 = tpu.memref_slice %arg2[%dma_wait3A_25, %dma_wait3A_26] : memref<4096x64xf32, #tpu.memory_space<hbm>> -> memref<4096x64xf32, #tpu.memory_space<hbm>>
    tpu.wait_indirect_dma semaphore(%arg9 : memref<!tpu.dma_semaphore, #tpu.memory_space<semaphore_mem>>) src(%dma_wait3A_27 : memref<4096x64xf32, #tpu.memory_space<hbm>>) dst(%arg7 : memref<160x64xf32, #tpu.memory_space<vmem>>)
    %add3A_28 = arith.constant 160 : i32
    %add3A_29 = arith.addi %mul3A_2, %add3A_28 : i32
    "tpu.region"() ({
      %run_scoped3A = tpu.sem_alloc : memref<!tpu.dma_semaphore, #tpu.memory_space<semaphore_mem>>
      %dma_start3A_193 = arith.constant 0 : i32
      %dma_start3A_194 = tpu.memref_slice %arg4[%add3A_29, %dma_start3A_193] : memref<81920x64xf32, #tpu.memory_space<hbm>> -> memref<160x64xf32, #tpu.memory_space<hbm>>
      %dma_start3A_195 = arith.constant 0 : i32
      %dma_start3A_196 = tpu.memref_slice %arg4[%add3A_29, %dma_start3A_195] : memref<81920x64xf32, #tpu.memory_space<hbm>> -> memref<160x64xf32, #tpu.memory_space<hbm>>
      tpu.enqueue_dma source(%arg7 : memref<160x64xf32, #tpu.memory_space<vmem>>) target(%dma_start3A_196 : memref<160x64xf32, #tpu.memory_space<hbm>>) target_semaphore(%run_scoped3A : memref<!tpu.dma_semaphore, #tpu.memory_space<semaphore_mem>>)
      %dma_wait3A_197 = arith.constant 0 : i32
      %dma_wait3A_198 = tpu.memref_slice %arg4[%add3A_29, %dma_wait3A_197] : memref<81920x64xf32, #tpu.memory_space<hbm>> -> memref<160x64xf32, #tpu.memory_space<hbm>>
      %dma_wait3A_199 = arith.constant 0 : i32
      %dma_wait3A_200 = tpu.memref_slice %arg4[%add3A_29, %dma_wait3A_199] : memref<81920x64xf32, #tpu.memory_space<hbm>> -> memref<160x64xf32, #tpu.memory_space<hbm>>
      tpu.wait_dma2 semaphore(%run_scoped3A : memref<!tpu.dma_semaphore, #tpu.memory_space<semaphore_mem>>) src(%arg7 : memref<160x64xf32, #tpu.memory_space<vmem>>) dst(%dma_wait3A_200 : memref<160x64xf32, #tpu.memory_space<hbm>>)
      tpu.yield
    }) : () -> ()
    %dma_start3A_30 = arith.constant 480 : i32
    %dma_start3A_31 = tpu.memref_slice %arg5[%dma_start3A_30] : memref<2560xi32, #tpu.memory_space<vmem>> -> memref<160xi32, #tpu.memory_space<vmem>>
    %dma_start3A_32 = arith.constant 0 : i32
    %dma_start3A_33 = arith.constant 0 : i32
    %dma_start3A_34 = tpu.memref_slice %arg2[%dma_start3A_32, %dma_start3A_33] : memref<4096x64xf32, #tpu.memory_space<hbm>> -> memref<4096x64xf32, #tpu.memory_space<hbm>>
    tpu.enqueue_indirect_dma source(%dma_start3A_34 : memref<4096x64xf32, #tpu.memory_space<hbm>>) target(%arg7 : memref<160x64xf32, #tpu.memory_space<vmem>>) offsets(%dma_start3A_31 : memref<160xi32, #tpu.memory_space<vmem>>) semaphore(%arg9 : memref<!tpu.dma_semaphore, #tpu.memory_space<semaphore_mem>>)
    %dma_wait3A_35 = arith.constant 320 : i32
    %dma_wait3A_36 = tpu.memref_slice %arg5[%dma_wait3A_35] : memref<2560xi32, #tpu.memory_space<vmem>> -> memref<160xi32, #tpu.memory_space<vmem>>
    %dma_wait3A_37 = arith.constant 0 : i32
    %dma_wait3A_38 = arith.constant 0 : i32
    %dma_wait3A_39 = tpu.memref_slice %arg2[%dma_wait3A_37, %dma_wait3A_38] : memref<4096x64xf32, #tpu.memory_space<hbm>> -> memref<4096x64xf32, #tpu.memory_space<hbm>>
    tpu.wait_indirect_dma semaphore(%arg8 : memref<!tpu.dma_semaphore, #tpu.memory_space<semaphore_mem>>) src(%dma_wait3A_39 : memref<4096x64xf32, #tpu.memory_space<hbm>>) dst(%arg6 : memref<160x64xf32, #tpu.memory_space<vmem>>)
    %add3A_40 = arith.constant 320 : i32
    %add3A_41 = arith.addi %mul3A_2, %add3A_40 : i32
    "tpu.region"() ({
      %run_scoped3A = tpu.sem_alloc : memref<!tpu.dma_semaphore, #tpu.memory_space<semaphore_mem>>
      %dma_start3A_193 = arith.constant 0 : i32
      %dma_start3A_194 = tpu.memref_slice %arg4[%add3A_41, %dma_start3A_193] : memref<81920x64xf32, #tpu.memory_space<hbm>> -> memref<160x64xf32, #tpu.memory_space<hbm>>
      %dma_start3A_195 = arith.constant 0 : i32
      %dma_start3A_196 = tpu.memref_slice %arg4[%add3A_41, %dma_start3A_195] : memref<81920x64xf32, #tpu.memory_space<hbm>> -> memref<160x64xf32, #tpu.memory_space<hbm>>
      tpu.enqueue_dma source(%arg6 : memref<160x64xf32, #tpu.memory_space<vmem>>) target(%dma_start3A_196 : memref<160x64xf32, #tpu.memory_space<hbm>>) target_semaphore(%run_scoped3A : memref<!tpu.dma_semaphore, #tpu.memory_space<semaphore_mem>>)
      %dma_wait3A_197 = arith.constant 0 : i32
      %dma_wait3A_198 = tpu.memref_slice %arg4[%add3A_41, %dma_wait3A_197] : memref<81920x64xf32, #tpu.memory_space<hbm>> -> memref<160x64xf32, #tpu.memory_space<hbm>>
      %dma_wait3A_199 = arith.constant 0 : i32
      %dma_wait3A_200 = tpu.memref_slice %arg4[%add3A_41, %dma_wait3A_199] : memref<81920x64xf32, #tpu.memory_space<hbm>> -> memref<160x64xf32, #tpu.memory_space<hbm>>
      tpu.wait_dma2 semaphore(%run_scoped3A : memref<!tpu.dma_semaphore, #tpu.memory_space<semaphore_mem>>) src(%arg6 : memref<160x64xf32, #tpu.memory_space<vmem>>) dst(%dma_wait3A_200 : memref<160x64xf32, #tpu.memory_space<hbm>>)
      tpu.yield
    }) : () -> ()
    %dma_start3A_42 = arith.constant 640 : i32
    %dma_start3A_43 = tpu.memref_slice %arg5[%dma_start3A_42] : memref<2560xi32, #tpu.memory_space<vmem>> -> memref<160xi32, #tpu.memory_space<vmem>>
    %dma_start3A_44 = arith.constant 0 : i32
    %dma_start3A_45 = arith.constant 0 : i32
    %dma_start3A_46 = tpu.memref_slice %arg2[%dma_start3A_44, %dma_start3A_45] : memref<4096x64xf32, #tpu.memory_space<hbm>> -> memref<4096x64xf32, #tpu.memory_space<hbm>>
    tpu.enqueue_indirect_dma source(%dma_start3A_46 : memref<4096x64xf32, #tpu.memory_space<hbm>>) target(%arg6 : memref<160x64xf32, #tpu.memory_space<vmem>>) offsets(%dma_start3A_43 : memref<160xi32, #tpu.memory_space<vmem>>) semaphore(%arg8 : memref<!tpu.dma_semaphore, #tpu.memory_space<semaphore_mem>>)
    %dma_wait3A_47 = arith.constant 480 : i32
    %dma_wait3A_48 = tpu.memref_slice %arg5[%dma_wait3A_47] : memref<2560xi32, #tpu.memory_space<vmem>> -> memref<160xi32, #tpu.memory_space<vmem>>
    %dma_wait3A_49 = arith.constant 0 : i32
    %dma_wait3A_50 = arith.constant 0 : i32
    %dma_wait3A_51 = tpu.memref_slice %arg2[%dma_wait3A_49, %dma_wait3A_50] : memref<4096x64xf32, #tpu.memory_space<hbm>> -> memref<4096x64xf32, #tpu.memory_space<hbm>>
    tpu.wait_indirect_dma semaphore(%arg9 : memref<!tpu.dma_semaphore, #tpu.memory_space<semaphore_mem>>) src(%dma_wait3A_51 : memref<4096x64xf32, #tpu.memory_space<hbm>>) dst(%arg7 : memref<160x64xf32, #tpu.memory_space<vmem>>)
    %add3A_52 = arith.constant 480 : i32
    %add3A_53 = arith.addi %mul3A_2, %add3A_52 : i32
    "tpu.region"() ({
      %run_scoped3A = tpu.sem_alloc : memref<!tpu.dma_semaphore, #tpu.memory_space<semaphore_mem>>
      %dma_start3A_193 = arith.constant 0 : i32
      %dma_start3A_194 = tpu.memref_slice %arg4[%add3A_53, %dma_start3A_193] : memref<81920x64xf32, #tpu.memory_space<hbm>> -> memref<160x64xf32, #tpu.memory_space<hbm>>
      %dma_start3A_195 = arith.constant 0 : i32
      %dma_start3A_196 = tpu.memref_slice %arg4[%add3A_53, %dma_start3A_195] : memref<81920x64xf32, #tpu.memory_space<hbm>> -> memref<160x64xf32, #tpu.memory_space<hbm>>
      tpu.enqueue_dma source(%arg7 : memref<160x64xf32, #tpu.memory_space<vmem>>) target(%dma_start3A_196 : memref<160x64xf32, #tpu.memory_space<hbm>>) target_semaphore(%run_scoped3A : memref<!tpu.dma_semaphore, #tpu.memory_space<semaphore_mem>>)
      %dma_wait3A_197 = arith.constant 0 : i32
      %dma_wait3A_198 = tpu.memref_slice %arg4[%add3A_53, %dma_wait3A_197] : memref<81920x64xf32, #tpu.memory_space<hbm>> -> memref<160x64xf32, #tpu.memory_space<hbm>>
      %dma_wait3A_199 = arith.constant 0 : i32
      %dma_wait3A_200 = tpu.memref_slice %arg4[%add3A_53, %dma_wait3A_199] : memref<81920x64xf32, #tpu.memory_space<hbm>> -> memref<160x64xf32, #tpu.memory_space<hbm>>
      tpu.wait_dma2 semaphore(%run_scoped3A : memref<!tpu.dma_semaphore, #tpu.memory_space<semaphore_mem>>) src(%arg7 : memref<160x64xf32, #tpu.memory_space<vmem>>) dst(%dma_wait3A_200 : memref<160x64xf32, #tpu.memory_space<hbm>>)
      tpu.yield
    }) : () -> ()
    %dma_start3A_54 = arith.constant 800 : i32
    %dma_start3A_55 = tpu.memref_slice %arg5[%dma_start3A_54] : memref<2560xi32, #tpu.memory_space<vmem>> -> memref<160xi32, #tpu.memory_space<vmem>>
    %dma_start3A_56 = arith.constant 0 : i32
    %dma_start3A_57 = arith.constant 0 : i32
    %dma_start3A_58 = tpu.memref_slice %arg2[%dma_start3A_56, %dma_start3A_57] : memref<4096x64xf32, #tpu.memory_space<hbm>> -> memref<4096x64xf32, #tpu.memory_space<hbm>>
    tpu.enqueue_indirect_dma source(%dma_start3A_58 : memref<4096x64xf32, #tpu.memory_space<hbm>>) target(%arg7 : memref<160x64xf32, #tpu.memory_space<vmem>>) offsets(%dma_start3A_55 : memref<160xi32, #tpu.memory_space<vmem>>) semaphore(%arg9 : memref<!tpu.dma_semaphore, #tpu.memory_space<semaphore_mem>>)
    %dma_wait3A_59 = arith.constant 640 : i32
    %dma_wait3A_60 = tpu.memref_slice %arg5[%dma_wait3A_59] : memref<2560xi32, #tpu.memory_space<vmem>> -> memref<160xi32, #tpu.memory_space<vmem>>
    %dma_wait3A_61 = arith.constant 0 : i32
    %dma_wait3A_62 = arith.constant 0 : i32
    %dma_wait3A_63 = tpu.memref_slice %arg2[%dma_wait3A_61, %dma_wait3A_62] : memref<4096x64xf32, #tpu.memory_space<hbm>> -> memref<4096x64xf32, #tpu.memory_space<hbm>>
    tpu.wait_indirect_dma semaphore(%arg8 : memref<!tpu.dma_semaphore, #tpu.memory_space<semaphore_mem>>) src(%dma_wait3A_63 : memref<4096x64xf32, #tpu.memory_space<hbm>>) dst(%arg6 : memref<160x64xf32, #tpu.memory_space<vmem>>)
    %add3A_64 = arith.constant 640 : i32
    %add3A_65 = arith.addi %mul3A_2, %add3A_64 : i32
    "tpu.region"() ({
      %run_scoped3A = tpu.sem_alloc : memref<!tpu.dma_semaphore, #tpu.memory_space<semaphore_mem>>
      %dma_start3A_193 = arith.constant 0 : i32
      %dma_start3A_194 = tpu.memref_slice %arg4[%add3A_65, %dma_start3A_193] : memref<81920x64xf32, #tpu.memory_space<hbm>> -> memref<160x64xf32, #tpu.memory_space<hbm>>
      %dma_start3A_195 = arith.constant 0 : i32
      %dma_start3A_196 = tpu.memref_slice %arg4[%add3A_65, %dma_start3A_195] : memref<81920x64xf32, #tpu.memory_space<hbm>> -> memref<160x64xf32, #tpu.memory_space<hbm>>
      tpu.enqueue_dma source(%arg6 : memref<160x64xf32, #tpu.memory_space<vmem>>) target(%dma_start3A_196 : memref<160x64xf32, #tpu.memory_space<hbm>>) target_semaphore(%run_scoped3A : memref<!tpu.dma_semaphore, #tpu.memory_space<semaphore_mem>>)
      %dma_wait3A_197 = arith.constant 0 : i32
      %dma_wait3A_198 = tpu.memref_slice %arg4[%add3A_65, %dma_wait3A_197] : memref<81920x64xf32, #tpu.memory_space<hbm>> -> memref<160x64xf32, #tpu.memory_space<hbm>>
      %dma_wait3A_199 = arith.constant 0 : i32
      %dma_wait3A_200 = tpu.memref_slice %arg4[%add3A_65, %dma_wait3A_199] : memref<81920x64xf32, #tpu.memory_space<hbm>> -> memref<160x64xf32, #tpu.memory_space<hbm>>
      tpu.wait_dma2 semaphore(%run_scoped3A : memref<!tpu.dma_semaphore, #tpu.memory_space<semaphore_mem>>) src(%arg6 : memref<160x64xf32, #tpu.memory_space<vmem>>) dst(%dma_wait3A_200 : memref<160x64xf32, #tpu.memory_space<hbm>>)
      tpu.yield
    }) : () -> ()
    %dma_start3A_66 = arith.constant 960 : i32
    %dma_start3A_67 = tpu.memref_slice %arg5[%dma_start3A_66] : memref<2560xi32, #tpu.memory_space<vmem>> -> memref<160xi32, #tpu.memory_space<vmem>>
    %dma_start3A_68 = arith.constant 0 : i32
    %dma_start3A_69 = arith.constant 0 : i32
    %dma_start3A_70 = tpu.memref_slice %arg2[%dma_start3A_68, %dma_start3A_69] : memref<4096x64xf32, #tpu.memory_space<hbm>> -> memref<4096x64xf32, #tpu.memory_space<hbm>>
    tpu.enqueue_indirect_dma source(%dma_start3A_70 : memref<4096x64xf32, #tpu.memory_space<hbm>>) target(%arg6 : memref<160x64xf32, #tpu.memory_space<vmem>>) offsets(%dma_start3A_67 : memref<160xi32, #tpu.memory_space<vmem>>) semaphore(%arg8 : memref<!tpu.dma_semaphore, #tpu.memory_space<semaphore_mem>>)
    %dma_wait3A_71 = arith.constant 800 : i32
    %dma_wait3A_72 = tpu.memref_slice %arg5[%dma_wait3A_71] : memref<2560xi32, #tpu.memory_space<vmem>> -> memref<160xi32, #tpu.memory_space<vmem>>
    %dma_wait3A_73 = arith.constant 0 : i32
    %dma_wait3A_74 = arith.constant 0 : i32
    %dma_wait3A_75 = tpu.memref_slice %arg2[%dma_wait3A_73, %dma_wait3A_74] : memref<4096x64xf32, #tpu.memory_space<hbm>> -> memref<4096x64xf32, #tpu.memory_space<hbm>>
    tpu.wait_indirect_dma semaphore(%arg9 : memref<!tpu.dma_semaphore, #tpu.memory_space<semaphore_mem>>) src(%dma_wait3A_75 : memref<4096x64xf32, #tpu.memory_space<hbm>>) dst(%arg7 : memref<160x64xf32, #tpu.memory_space<vmem>>)
    %add3A_76 = arith.constant 800 : i32
    %add3A_77 = arith.addi %mul3A_2, %add3A_76 : i32
    "tpu.region"() ({
      %run_scoped3A = tpu.sem_alloc : memref<!tpu.dma_semaphore, #tpu.memory_space<semaphore_mem>>
      %dma_start3A_193 = arith.constant 0 : i32
      %dma_start3A_194 = tpu.memref_slice %arg4[%add3A_77, %dma_start3A_193] : memref<81920x64xf32, #tpu.memory_space<hbm>> -> memref<160x64xf32, #tpu.memory_space<hbm>>
      %dma_start3A_195 = arith.constant 0 : i32
      %dma_start3A_196 = tpu.memref_slice %arg4[%add3A_77, %dma_start3A_195] : memref<81920x64xf32, #tpu.memory_space<hbm>> -> memref<160x64xf32, #tpu.memory_space<hbm>>
      tpu.enqueue_dma source(%arg7 : memref<160x64xf32, #tpu.memory_space<vmem>>) target(%dma_start3A_196 : memref<160x64xf32, #tpu.memory_space<hbm>>) target_semaphore(%run_scoped3A : memref<!tpu.dma_semaphore, #tpu.memory_space<semaphore_mem>>)
      %dma_wait3A_197 = arith.constant 0 : i32
      %dma_wait3A_198 = tpu.memref_slice %arg4[%add3A_77, %dma_wait3A_197] : memref<81920x64xf32, #tpu.memory_space<hbm>> -> memref<160x64xf32, #tpu.memory_space<hbm>>
      %dma_wait3A_199 = arith.constant 0 : i32
      %dma_wait3A_200 = tpu.memref_slice %arg4[%add3A_77, %dma_wait3A_199] : memref<81920x64xf32, #tpu.memory_space<hbm>> -> memref<160x64xf32, #tpu.memory_space<hbm>>
      tpu.wait_dma2 semaphore(%run_scoped3A : memref<!tpu.dma_semaphore, #tpu.memory_space<semaphore_mem>>) src(%arg7 : memref<160x64xf32, #tpu.memory_space<vmem>>) dst(%dma_wait3A_200 : memref<160x64xf32, #tpu.memory_space<hbm>>)
      tpu.yield
    }) : () -> ()
    %dma_start3A_78 = arith.constant 1120 : i32
    %dma_start3A_79 = tpu.memref_slice %arg5[%dma_start3A_78] : memref<2560xi32, #tpu.memory_space<vmem>> -> memref<160xi32, #tpu.memory_space<vmem>>
    %dma_start3A_80 = arith.constant 0 : i32
    %dma_start3A_81 = arith.constant 0 : i32
    %dma_start3A_82 = tpu.memref_slice %arg2[%dma_start3A_80, %dma_start3A_81] : memref<4096x64xf32, #tpu.memory_space<hbm>> -> memref<4096x64xf32, #tpu.memory_space<hbm>>
    tpu.enqueue_indirect_dma source(%dma_start3A_82 : memref<4096x64xf32, #tpu.memory_space<hbm>>) target(%arg7 : memref<160x64xf32, #tpu.memory_space<vmem>>) offsets(%dma_start3A_79 : memref<160xi32, #tpu.memory_space<vmem>>) semaphore(%arg9 : memref<!tpu.dma_semaphore, #tpu.memory_space<semaphore_mem>>)
    %dma_wait3A_83 = arith.constant 960 : i32
    %dma_wait3A_84 = tpu.memref_slice %arg5[%dma_wait3A_83] : memref<2560xi32, #tpu.memory_space<vmem>> -> memref<160xi32, #tpu.memory_space<vmem>>
    %dma_wait3A_85 = arith.constant 0 : i32
    %dma_wait3A_86 = arith.constant 0 : i32
    %dma_wait3A_87 = tpu.memref_slice %arg2[%dma_wait3A_85, %dma_wait3A_86] : memref<4096x64xf32, #tpu.memory_space<hbm>> -> memref<4096x64xf32, #tpu.memory_space<hbm>>
    tpu.wait_indirect_dma semaphore(%arg8 : memref<!tpu.dma_semaphore, #tpu.memory_space<semaphore_mem>>) src(%dma_wait3A_87 : memref<4096x64xf32, #tpu.memory_space<hbm>>) dst(%arg6 : memref<160x64xf32, #tpu.memory_space<vmem>>)
    %add3A_88 = arith.constant 960 : i32
    %add3A_89 = arith.addi %mul3A_2, %add3A_88 : i32
    "tpu.region"() ({
      %run_scoped3A = tpu.sem_alloc : memref<!tpu.dma_semaphore, #tpu.memory_space<semaphore_mem>>
      %dma_start3A_193 = arith.constant 0 : i32
      %dma_start3A_194 = tpu.memref_slice %arg4[%add3A_89, %dma_start3A_193] : memref<81920x64xf32, #tpu.memory_space<hbm>> -> memref<160x64xf32, #tpu.memory_space<hbm>>
      %dma_start3A_195 = arith.constant 0 : i32
      %dma_start3A_196 = tpu.memref_slice %arg4[%add3A_89, %dma_start3A_195] : memref<81920x64xf32, #tpu.memory_space<hbm>> -> memref<160x64xf32, #tpu.memory_space<hbm>>
      tpu.enqueue_dma source(%arg6 : memref<160x64xf32, #tpu.memory_space<vmem>>) target(%dma_start3A_196 : memref<160x64xf32, #tpu.memory_space<hbm>>) target_semaphore(%run_scoped3A : memref<!tpu.dma_semaphore, #tpu.memory_space<semaphore_mem>>)
      %dma_wait3A_197 = arith.constant 0 : i32
      %dma_wait3A_198 = tpu.memref_slice %arg4[%add3A_89, %dma_wait3A_197] : memref<81920x64xf32, #tpu.memory_space<hbm>> -> memref<160x64xf32, #tpu.memory_space<hbm>>
      %dma_wait3A_199 = arith.constant 0 : i32
      %dma_wait3A_200 = tpu.memref_slice %arg4[%add3A_89, %dma_wait3A_199] : memref<81920x64xf32, #tpu.memory_space<hbm>> -> memref<160x64xf32, #tpu.memory_space<hbm>>
      tpu.wait_dma2 semaphore(%run_scoped3A : memref<!tpu.dma_semaphore, #tpu.memory_space<semaphore_mem>>) src(%arg6 : memref<160x64xf32, #tpu.memory_space<vmem>>) dst(%dma_wait3A_200 : memref<160x64xf32, #tpu.memory_space<hbm>>)
      tpu.yield
    }) : () -> ()
    %dma_start3A_90 = arith.constant 1280 : i32
    %dma_start3A_91 = tpu.memref_slice %arg5[%dma_start3A_90] : memref<2560xi32, #tpu.memory_space<vmem>> -> memref<160xi32, #tpu.memory_space<vmem>>
    %dma_start3A_92 = arith.constant 0 : i32
    %dma_start3A_93 = arith.constant 0 : i32
    %dma_start3A_94 = tpu.memref_slice %arg2[%dma_start3A_92, %dma_start3A_93] : memref<4096x64xf32, #tpu.memory_space<hbm>> -> memref<4096x64xf32, #tpu.memory_space<hbm>>
    tpu.enqueue_indirect_dma source(%dma_start3A_94 : memref<4096x64xf32, #tpu.memory_space<hbm>>) target(%arg6 : memref<160x64xf32, #tpu.memory_space<vmem>>) offsets(%dma_start3A_91 : memref<160xi32, #tpu.memory_space<vmem>>) semaphore(%arg8 : memref<!tpu.dma_semaphore, #tpu.memory_space<semaphore_mem>>)
    %dma_wait3A_95 = arith.constant 1120 : i32
    %dma_wait3A_96 = tpu.memref_slice %arg5[%dma_wait3A_95] : memref<2560xi32, #tpu.memory_space<vmem>> -> memref<160xi32, #tpu.memory_space<vmem>>
    %dma_wait3A_97 = arith.constant 0 : i32
    %dma_wait3A_98 = arith.constant 0 : i32
    %dma_wait3A_99 = tpu.memref_slice %arg2[%dma_wait3A_97, %dma_wait3A_98] : memref<4096x64xf32, #tpu.memory_space<hbm>> -> memref<4096x64xf32, #tpu.memory_space<hbm>>
    tpu.wait_indirect_dma semaphore(%arg9 : memref<!tpu.dma_semaphore, #tpu.memory_space<semaphore_mem>>) src(%dma_wait3A_99 : memref<4096x64xf32, #tpu.memory_space<hbm>>) dst(%arg7 : memref<160x64xf32, #tpu.memory_space<vmem>>)
    %add3A_100 = arith.constant 1120 : i32
    %add3A_101 = arith.addi %mul3A_2, %add3A_100 : i32
    "tpu.region"() ({
      %run_scoped3A = tpu.sem_alloc : memref<!tpu.dma_semaphore, #tpu.memory_space<semaphore_mem>>
      %dma_start3A_193 = arith.constant 0 : i32
      %dma_start3A_194 = tpu.memref_slice %arg4[%add3A_101, %dma_start3A_193] : memref<81920x64xf32, #tpu.memory_space<hbm>> -> memref<160x64xf32, #tpu.memory_space<hbm>>
      %dma_start3A_195 = arith.constant 0 : i32
      %dma_start3A_196 = tpu.memref_slice %arg4[%add3A_101, %dma_start3A_195] : memref<81920x64xf32, #tpu.memory_space<hbm>> -> memref<160x64xf32, #tpu.memory_space<hbm>>
      tpu.enqueue_dma source(%arg7 : memref<160x64xf32, #tpu.memory_space<vmem>>) target(%dma_start3A_196 : memref<160x64xf32, #tpu.memory_space<hbm>>) target_semaphore(%run_scoped3A : memref<!tpu.dma_semaphore, #tpu.memory_space<semaphore_mem>>)
      %dma_wait3A_197 = arith.constant 0 : i32
      %dma_wait3A_198 = tpu.memref_slice %arg4[%add3A_101, %dma_wait3A_197] : memref<81920x64xf32, #tpu.memory_space<hbm>> -> memref<160x64xf32, #tpu.memory_space<hbm>>
      %dma_wait3A_199 = arith.constant 0 : i32
      %dma_wait3A_200 = tpu.memref_slice %arg4[%add3A_101, %dma_wait3A_199] : memref<81920x64xf32, #tpu.memory_space<hbm>> -> memref<160x64xf32, #tpu.memory_space<hbm>>
      tpu.wait_dma2 semaphore(%run_scoped3A : memref<!tpu.dma_semaphore, #tpu.memory_space<semaphore_mem>>) src(%arg7 : memref<160x64xf32, #tpu.memory_space<vmem>>) dst(%dma_wait3A_200 : memref<160x64xf32, #tpu.memory_space<hbm>>)
      tpu.yield
    }) : () -> ()
    %dma_start3A_102 = arith.constant 1440 : i32
    %dma_start3A_103 = tpu.memref_slice %arg5[%dma_start3A_102] : memref<2560xi32, #tpu.memory_space<vmem>> -> memref<160xi32, #tpu.memory_space<vmem>>
    %dma_start3A_104 = arith.constant 0 : i32
    %dma_start3A_105 = arith.constant 0 : i32
    %dma_start3A_106 = tpu.memref_slice %arg2[%dma_start3A_104, %dma_start3A_105] : memref<4096x64xf32, #tpu.memory_space<hbm>> -> memref<4096x64xf32, #tpu.memory_space<hbm>>
    tpu.enqueue_indirect_dma source(%dma_start3A_106 : memref<4096x64xf32, #tpu.memory_space<hbm>>) target(%arg7 : memref<160x64xf32, #tpu.memory_space<vmem>>) offsets(%dma_start3A_103 : memref<160xi32, #tpu.memory_space<vmem>>) semaphore(%arg9 : memref<!tpu.dma_semaphore, #tpu.memory_space<semaphore_mem>>)
    %dma_wait3A_107 = arith.constant 1280 : i32
    %dma_wait3A_108 = tpu.memref_slice %arg5[%dma_wait3A_107] : memref<2560xi32, #tpu.memory_space<vmem>> -> memref<160xi32, #tpu.memory_space<vmem>>
    %dma_wait3A_109 = arith.constant 0 : i32
    %dma_wait3A_110 = arith.constant 0 : i32
    %dma_wait3A_111 = tpu.memref_slice %arg2[%dma_wait3A_109, %dma_wait3A_110] : memref<4096x64xf32, #tpu.memory_space<hbm>> -> memref<4096x64xf32, #tpu.memory_space<hbm>>
    tpu.wait_indirect_dma semaphore(%arg8 : memref<!tpu.dma_semaphore, #tpu.memory_space<semaphore_mem>>) src(%dma_wait3A_111 : memref<4096x64xf32, #tpu.memory_space<hbm>>) dst(%arg6 : memref<160x64xf32, #tpu.memory_space<vmem>>)
    %add3A_112 = arith.constant 1280 : i32
    %add3A_113 = arith.addi %mul3A_2, %add3A_112 : i32
    "tpu.region"() ({
      %run_scoped3A = tpu.sem_alloc : memref<!tpu.dma_semaphore, #tpu.memory_space<semaphore_mem>>
      %dma_start3A_193 = arith.constant 0 : i32
      %dma_start3A_194 = tpu.memref_slice %arg4[%add3A_113, %dma_start3A_193] : memref<81920x64xf32, #tpu.memory_space<hbm>> -> memref<160x64xf32, #tpu.memory_space<hbm>>
      %dma_start3A_195 = arith.constant 0 : i32
      %dma_start3A_196 = tpu.memref_slice %arg4[%add3A_113, %dma_start3A_195] : memref<81920x64xf32, #tpu.memory_space<hbm>> -> memref<160x64xf32, #tpu.memory_space<hbm>>
      tpu.enqueue_dma source(%arg6 : memref<160x64xf32, #tpu.memory_space<vmem>>) target(%dma_start3A_196 : memref<160x64xf32, #tpu.memory_space<hbm>>) target_semaphore(%run_scoped3A : memref<!tpu.dma_semaphore, #tpu.memory_space<semaphore_mem>>)
      %dma_wait3A_197 = arith.constant 0 : i32
      %dma_wait3A_198 = tpu.memref_slice %arg4[%add3A_113, %dma_wait3A_197] : memref<81920x64xf32, #tpu.memory_space<hbm>> -> memref<160x64xf32, #tpu.memory_space<hbm>>
      %dma_wait3A_199 = arith.constant 0 : i32
      %dma_wait3A_200 = tpu.memref_slice %arg4[%add3A_113, %dma_wait3A_199] : memref<81920x64xf32, #tpu.memory_space<hbm>> -> memref<160x64xf32, #tpu.memory_space<hbm>>
      tpu.wait_dma2 semaphore(%run_scoped3A : memref<!tpu.dma_semaphore, #tpu.memory_space<semaphore_mem>>) src(%arg6 : memref<160x64xf32, #tpu.memory_space<vmem>>) dst(%dma_wait3A_200 : memref<160x64xf32, #tpu.memory_space<hbm>>)
      tpu.yield
    }) : () -> ()
    %dma_start3A_114 = arith.constant 1600 : i32
    %dma_start3A_115 = tpu.memref_slice %arg5[%dma_start3A_114] : memref<2560xi32, #tpu.memory_space<vmem>> -> memref<160xi32, #tpu.memory_space<vmem>>
    %dma_start3A_116 = arith.constant 0 : i32
    %dma_start3A_117 = arith.constant 0 : i32
    %dma_start3A_118 = tpu.memref_slice %arg2[%dma_start3A_116, %dma_start3A_117] : memref<4096x64xf32, #tpu.memory_space<hbm>> -> memref<4096x64xf32, #tpu.memory_space<hbm>>
    tpu.enqueue_indirect_dma source(%dma_start3A_118 : memref<4096x64xf32, #tpu.memory_space<hbm>>) target(%arg6 : memref<160x64xf32, #tpu.memory_space<vmem>>) offsets(%dma_start3A_115 : memref<160xi32, #tpu.memory_space<vmem>>) semaphore(%arg8 : memref<!tpu.dma_semaphore, #tpu.memory_space<semaphore_mem>>)
    %dma_wait3A_119 = arith.constant 1440 : i32
    %dma_wait3A_120 = tpu.memref_slice %arg5[%dma_wait3A_119] : memref<2560xi32, #tpu.memory_space<vmem>> -> memref<160xi32, #tpu.memory_space<vmem>>
    %dma_wait3A_121 = arith.constant 0 : i32
    %dma_wait3A_122 = arith.constant 0 : i32
    %dma_wait3A_123 = tpu.memref_slice %arg2[%dma_wait3A_121, %dma_wait3A_122] : memref<4096x64xf32, #tpu.memory_space<hbm>> -> memref<4096x64xf32, #tpu.memory_space<hbm>>
    tpu.wait_indirect_dma semaphore(%arg9 : memref<!tpu.dma_semaphore, #tpu.memory_space<semaphore_mem>>) src(%dma_wait3A_123 : memref<4096x64xf32, #tpu.memory_space<hbm>>) dst(%arg7 : memref<160x64xf32, #tpu.memory_space<vmem>>)
    %add3A_124 = arith.constant 1440 : i32
    %add3A_125 = arith.addi %mul3A_2, %add3A_124 : i32
    "tpu.region"() ({
      %run_scoped3A = tpu.sem_alloc : memref<!tpu.dma_semaphore, #tpu.memory_space<semaphore_mem>>
      %dma_start3A_193 = arith.constant 0 : i32
      %dma_start3A_194 = tpu.memref_slice %arg4[%add3A_125, %dma_start3A_193] : memref<81920x64xf32, #tpu.memory_space<hbm>> -> memref<160x64xf32, #tpu.memory_space<hbm>>
      %dma_start3A_195 = arith.constant 0 : i32
      %dma_start3A_196 = tpu.memref_slice %arg4[%add3A_125, %dma_start3A_195] : memref<81920x64xf32, #tpu.memory_space<hbm>> -> memref<160x64xf32, #tpu.memory_space<hbm>>
      tpu.enqueue_dma source(%arg7 : memref<160x64xf32, #tpu.memory_space<vmem>>) target(%dma_start3A_196 : memref<160x64xf32, #tpu.memory_space<hbm>>) target_semaphore(%run_scoped3A : memref<!tpu.dma_semaphore, #tpu.memory_space<semaphore_mem>>)
      %dma_wait3A_197 = arith.constant 0 : i32
      %dma_wait3A_198 = tpu.memref_slice %arg4[%add3A_125, %dma_wait3A_197] : memref<81920x64xf32, #tpu.memory_space<hbm>> -> memref<160x64xf32, #tpu.memory_space<hbm>>
      %dma_wait3A_199 = arith.constant 0 : i32
      %dma_wait3A_200 = tpu.memref_slice %arg4[%add3A_125, %dma_wait3A_199] : memref<81920x64xf32, #tpu.memory_space<hbm>> -> memref<160x64xf32, #tpu.memory_space<hbm>>
      tpu.wait_dma2 semaphore(%run_scoped3A : memref<!tpu.dma_semaphore, #tpu.memory_space<semaphore_mem>>) src(%arg7 : memref<160x64xf32, #tpu.memory_space<vmem>>) dst(%dma_wait3A_200 : memref<160x64xf32, #tpu.memory_space<hbm>>)
      tpu.yield
    }) : () -> ()
    %dma_start3A_126 = arith.constant 1760 : i32
    %dma_start3A_127 = tpu.memref_slice %arg5[%dma_start3A_126] : memref<2560xi32, #tpu.memory_space<vmem>> -> memref<160xi32, #tpu.memory_space<vmem>>
    %dma_start3A_128 = arith.constant 0 : i32
    %dma_start3A_129 = arith.constant 0 : i32
    %dma_start3A_130 = tpu.memref_slice %arg2[%dma_start3A_128, %dma_start3A_129] : memref<4096x64xf32, #tpu.memory_space<hbm>> -> memref<4096x64xf32, #tpu.memory_space<hbm>>
    tpu.enqueue_indirect_dma source(%dma_start3A_130 : memref<4096x64xf32, #tpu.memory_space<hbm>>) target(%arg7 : memref<160x64xf32, #tpu.memory_space<vmem>>) offsets(%dma_start3A_127 : memref<160xi32, #tpu.memory_space<vmem>>) semaphore(%arg9 : memref<!tpu.dma_semaphore, #tpu.memory_space<semaphore_mem>>)
    %dma_wait3A_131 = arith.constant 1600 : i32
    %dma_wait3A_132 = tpu.memref_slice %arg5[%dma_wait3A_131] : memref<2560xi32, #tpu.memory_space<vmem>> -> memref<160xi32, #tpu.memory_space<vmem>>
    %dma_wait3A_133 = arith.constant 0 : i32
    %dma_wait3A_134 = arith.constant 0 : i32
    %dma_wait3A_135 = tpu.memref_slice %arg2[%dma_wait3A_133, %dma_wait3A_134] : memref<4096x64xf32, #tpu.memory_space<hbm>> -> memref<4096x64xf32, #tpu.memory_space<hbm>>
    tpu.wait_indirect_dma semaphore(%arg8 : memref<!tpu.dma_semaphore, #tpu.memory_space<semaphore_mem>>) src(%dma_wait3A_135 : memref<4096x64xf32, #tpu.memory_space<hbm>>) dst(%arg6 : memref<160x64xf32, #tpu.memory_space<vmem>>)
    %add3A_136 = arith.constant 1600 : i32
    %add3A_137 = arith.addi %mul3A_2, %add3A_136 : i32
    "tpu.region"() ({
      %run_scoped3A = tpu.sem_alloc : memref<!tpu.dma_semaphore, #tpu.memory_space<semaphore_mem>>
      %dma_start3A_193 = arith.constant 0 : i32
      %dma_start3A_194 = tpu.memref_slice %arg4[%add3A_137, %dma_start3A_193] : memref<81920x64xf32, #tpu.memory_space<hbm>> -> memref<160x64xf32, #tpu.memory_space<hbm>>
      %dma_start3A_195 = arith.constant 0 : i32
      %dma_start3A_196 = tpu.memref_slice %arg4[%add3A_137, %dma_start3A_195] : memref<81920x64xf32, #tpu.memory_space<hbm>> -> memref<160x64xf32, #tpu.memory_space<hbm>>
      tpu.enqueue_dma source(%arg6 : memref<160x64xf32, #tpu.memory_space<vmem>>) target(%dma_start3A_196 : memref<160x64xf32, #tpu.memory_space<hbm>>) target_semaphore(%run_scoped3A : memref<!tpu.dma_semaphore, #tpu.memory_space<semaphore_mem>>)
      %dma_wait3A_197 = arith.constant 0 : i32
      %dma_wait3A_198 = tpu.memref_slice %arg4[%add3A_137, %dma_wait3A_197] : memref<81920x64xf32, #tpu.memory_space<hbm>> -> memref<160x64xf32, #tpu.memory_space<hbm>>
      %dma_wait3A_199 = arith.constant 0 : i32
      %dma_wait3A_200 = tpu.memref_slice %arg4[%add3A_137, %dma_wait3A_199] : memref<81920x64xf32, #tpu.memory_space<hbm>> -> memref<160x64xf32, #tpu.memory_space<hbm>>
      tpu.wait_dma2 semaphore(%run_scoped3A : memref<!tpu.dma_semaphore, #tpu.memory_space<semaphore_mem>>) src(%arg6 : memref<160x64xf32, #tpu.memory_space<vmem>>) dst(%dma_wait3A_200 : memref<160x64xf32, #tpu.memory_space<hbm>>)
      tpu.yield
    }) : () -> ()
    %dma_start3A_138 = arith.constant 1920 : i32
    %dma_start3A_139 = tpu.memref_slice %arg5[%dma_start3A_138] : memref<2560xi32, #tpu.memory_space<vmem>> -> memref<160xi32, #tpu.memory_space<vmem>>
    %dma_start3A_140 = arith.constant 0 : i32
    %dma_start3A_141 = arith.constant 0 : i32
    %dma_start3A_142 = tpu.memref_slice %arg2[%dma_start3A_140, %dma_start3A_141] : memref<4096x64xf32, #tpu.memory_space<hbm>> -> memref<4096x64xf32, #tpu.memory_space<hbm>>
    tpu.enqueue_indirect_dma source(%dma_start3A_142 : memref<4096x64xf32, #tpu.memory_space<hbm>>) target(%arg6 : memref<160x64xf32, #tpu.memory_space<vmem>>) offsets(%dma_start3A_139 : memref<160xi32, #tpu.memory_space<vmem>>) semaphore(%arg8 : memref<!tpu.dma_semaphore, #tpu.memory_space<semaphore_mem>>)
    %dma_wait3A_143 = arith.constant 1760 : i32
    %dma_wait3A_144 = tpu.memref_slice %arg5[%dma_wait3A_143] : memref<2560xi32, #tpu.memory_space<vmem>> -> memref<160xi32, #tpu.memory_space<vmem>>
    %dma_wait3A_145 = arith.constant 0 : i32
    %dma_wait3A_146 = arith.constant 0 : i32
    %dma_wait3A_147 = tpu.memref_slice %arg2[%dma_wait3A_145, %dma_wait3A_146] : memref<4096x64xf32, #tpu.memory_space<hbm>> -> memref<4096x64xf32, #tpu.memory_space<hbm>>
    tpu.wait_indirect_dma semaphore(%arg9 : memref<!tpu.dma_semaphore, #tpu.memory_space<semaphore_mem>>) src(%dma_wait3A_147 : memref<4096x64xf32, #tpu.memory_space<hbm>>) dst(%arg7 : memref<160x64xf32, #tpu.memory_space<vmem>>)
    %add3A_148 = arith.constant 1760 : i32
    %add3A_149 = arith.addi %mul3A_2, %add3A_148 : i32
    "tpu.region"() ({
      %run_scoped3A = tpu.sem_alloc : memref<!tpu.dma_semaphore, #tpu.memory_space<semaphore_mem>>
      %dma_start3A_193 = arith.constant 0 : i32
      %dma_start3A_194 = tpu.memref_slice %arg4[%add3A_149, %dma_start3A_193] : memref<81920x64xf32, #tpu.memory_space<hbm>> -> memref<160x64xf32, #tpu.memory_space<hbm>>
      %dma_start3A_195 = arith.constant 0 : i32
      %dma_start3A_196 = tpu.memref_slice %arg4[%add3A_149, %dma_start3A_195] : memref<81920x64xf32, #tpu.memory_space<hbm>> -> memref<160x64xf32, #tpu.memory_space<hbm>>
      tpu.enqueue_dma source(%arg7 : memref<160x64xf32, #tpu.memory_space<vmem>>) target(%dma_start3A_196 : memref<160x64xf32, #tpu.memory_space<hbm>>) target_semaphore(%run_scoped3A : memref<!tpu.dma_semaphore, #tpu.memory_space<semaphore_mem>>)
      %dma_wait3A_197 = arith.constant 0 : i32
      %dma_wait3A_198 = tpu.memref_slice %arg4[%add3A_149, %dma_wait3A_197] : memref<81920x64xf32, #tpu.memory_space<hbm>> -> memref<160x64xf32, #tpu.memory_space<hbm>>
      %dma_wait3A_199 = arith.constant 0 : i32
      %dma_wait3A_200 = tpu.memref_slice %arg4[%add3A_149, %dma_wait3A_199] : memref<81920x64xf32, #tpu.memory_space<hbm>> -> memref<160x64xf32, #tpu.memory_space<hbm>>
      tpu.wait_dma2 semaphore(%run_scoped3A : memref<!tpu.dma_semaphore, #tpu.memory_space<semaphore_mem>>) src(%arg7 : memref<160x64xf32, #tpu.memory_space<vmem>>) dst(%dma_wait3A_200 : memref<160x64xf32, #tpu.memory_space<hbm>>)
      tpu.yield
    }) : () -> ()
    %dma_start3A_150 = arith.constant 2080 : i32
    %dma_start3A_151 = tpu.memref_slice %arg5[%dma_start3A_150] : memref<2560xi32, #tpu.memory_space<vmem>> -> memref<160xi32, #tpu.memory_space<vmem>>
    %dma_start3A_152 = arith.constant 0 : i32
    %dma_start3A_153 = arith.constant 0 : i32
    %dma_start3A_154 = tpu.memref_slice %arg2[%dma_start3A_152, %dma_start3A_153] : memref<4096x64xf32, #tpu.memory_space<hbm>> -> memref<4096x64xf32, #tpu.memory_space<hbm>>
    tpu.enqueue_indirect_dma source(%dma_start3A_154 : memref<4096x64xf32, #tpu.memory_space<hbm>>) target(%arg7 : memref<160x64xf32, #tpu.memory_space<vmem>>) offsets(%dma_start3A_151 : memref<160xi32, #tpu.memory_space<vmem>>) semaphore(%arg9 : memref<!tpu.dma_semaphore, #tpu.memory_space<semaphore_mem>>)
    %dma_wait3A_155 = arith.constant 1920 : i32
    %dma_wait3A_156 = tpu.memref_slice %arg5[%dma_wait3A_155] : memref<2560xi32, #tpu.memory_space<vmem>> -> memref<160xi32, #tpu.memory_space<vmem>>
    %dma_wait3A_157 = arith.constant 0 : i32
    %dma_wait3A_158 = arith.constant 0 : i32
    %dma_wait3A_159 = tpu.memref_slice %arg2[%dma_wait3A_157, %dma_wait3A_158] : memref<4096x64xf32, #tpu.memory_space<hbm>> -> memref<4096x64xf32, #tpu.memory_space<hbm>>
    tpu.wait_indirect_dma semaphore(%arg8 : memref<!tpu.dma_semaphore, #tpu.memory_space<semaphore_mem>>) src(%dma_wait3A_159 : memref<4096x64xf32, #tpu.memory_space<hbm>>) dst(%arg6 : memref<160x64xf32, #tpu.memory_space<vmem>>)
    %add3A_160 = arith.constant 1920 : i32
    %add3A_161 = arith.addi %mul3A_2, %add3A_160 : i32
    "tpu.region"() ({
      %run_scoped3A = tpu.sem_alloc : memref<!tpu.dma_semaphore, #tpu.memory_space<semaphore_mem>>
      %dma_start3A_193 = arith.constant 0 : i32
      %dma_start3A_194 = tpu.memref_slice %arg4[%add3A_161, %dma_start3A_193] : memref<81920x64xf32, #tpu.memory_space<hbm>> -> memref<160x64xf32, #tpu.memory_space<hbm>>
      %dma_start3A_195 = arith.constant 0 : i32
      %dma_start3A_196 = tpu.memref_slice %arg4[%add3A_161, %dma_start3A_195] : memref<81920x64xf32, #tpu.memory_space<hbm>> -> memref<160x64xf32, #tpu.memory_space<hbm>>
      tpu.enqueue_dma source(%arg6 : memref<160x64xf32, #tpu.memory_space<vmem>>) target(%dma_start3A_196 : memref<160x64xf32, #tpu.memory_space<hbm>>) target_semaphore(%run_scoped3A : memref<!tpu.dma_semaphore, #tpu.memory_space<semaphore_mem>>)
      %dma_wait3A_197 = arith.constant 0 : i32
      %dma_wait3A_198 = tpu.memref_slice %arg4[%add3A_161, %dma_wait3A_197] : memref<81920x64xf32, #tpu.memory_space<hbm>> -> memref<160x64xf32, #tpu.memory_space<hbm>>
      %dma_wait3A_199 = arith.constant 0 : i32
      %dma_wait3A_200 = tpu.memref_slice %arg4[%add3A_161, %dma_wait3A_199] : memref<81920x64xf32, #tpu.memory_space<hbm>> -> memref<160x64xf32, #tpu.memory_space<hbm>>
      tpu.wait_dma2 semaphore(%run_scoped3A : memref<!tpu.dma_semaphore, #tpu.memory_space<semaphore_mem>>) src(%arg6 : memref<160x64xf32, #tpu.memory_space<vmem>>) dst(%dma_wait3A_200 : memref<160x64xf32, #tpu.memory_space<hbm>>)
      tpu.yield
    }) : () -> ()
    %dma_start3A_162 = arith.constant 2240 : i32
    %dma_start3A_163 = tpu.memref_slice %arg5[%dma_start3A_162] : memref<2560xi32, #tpu.memory_space<vmem>> -> memref<160xi32, #tpu.memory_space<vmem>>
    %dma_start3A_164 = arith.constant 0 : i32
    %dma_start3A_165 = arith.constant 0 : i32
    %dma_start3A_166 = tpu.memref_slice %arg2[%dma_start3A_164, %dma_start3A_165] : memref<4096x64xf32, #tpu.memory_space<hbm>> -> memref<4096x64xf32, #tpu.memory_space<hbm>>
    tpu.enqueue_indirect_dma source(%dma_start3A_166 : memref<4096x64xf32, #tpu.memory_space<hbm>>) target(%arg6 : memref<160x64xf32, #tpu.memory_space<vmem>>) offsets(%dma_start3A_163 : memref<160xi32, #tpu.memory_space<vmem>>) semaphore(%arg8 : memref<!tpu.dma_semaphore, #tpu.memory_space<semaphore_mem>>)
    %dma_wait3A_167 = arith.constant 2080 : i32
    %dma_wait3A_168 = tpu.memref_slice %arg5[%dma_wait3A_167] : memref<2560xi32, #tpu.memory_space<vmem>> -> memref<160xi32, #tpu.memory_space<vmem>>
    %dma_wait3A_169 = arith.constant 0 : i32
    %dma_wait3A_170 = arith.constant 0 : i32
    %dma_wait3A_171 = tpu.memref_slice %arg2[%dma_wait3A_169, %dma_wait3A_170] : memref<4096x64xf32, #tpu.memory_space<hbm>> -> memref<4096x64xf32, #tpu.memory_space<hbm>>
    tpu.wait_indirect_dma semaphore(%arg9 : memref<!tpu.dma_semaphore, #tpu.memory_space<semaphore_mem>>) src(%dma_wait3A_171 : memref<4096x64xf32, #tpu.memory_space<hbm>>) dst(%arg7 : memref<160x64xf32, #tpu.memory_space<vmem>>)
    %add3A_172 = arith.constant 2080 : i32
    %add3A_173 = arith.addi %mul3A_2, %add3A_172 : i32
    "tpu.region"() ({
      %run_scoped3A = tpu.sem_alloc : memref<!tpu.dma_semaphore, #tpu.memory_space<semaphore_mem>>
      %dma_start3A_193 = arith.constant 0 : i32
      %dma_start3A_194 = tpu.memref_slice %arg4[%add3A_173, %dma_start3A_193] : memref<81920x64xf32, #tpu.memory_space<hbm>> -> memref<160x64xf32, #tpu.memory_space<hbm>>
      %dma_start3A_195 = arith.constant 0 : i32
      %dma_start3A_196 = tpu.memref_slice %arg4[%add3A_173, %dma_start3A_195] : memref<81920x64xf32, #tpu.memory_space<hbm>> -> memref<160x64xf32, #tpu.memory_space<hbm>>
      tpu.enqueue_dma source(%arg7 : memref<160x64xf32, #tpu.memory_space<vmem>>) target(%dma_start3A_196 : memref<160x64xf32, #tpu.memory_space<hbm>>) target_semaphore(%run_scoped3A : memref<!tpu.dma_semaphore, #tpu.memory_space<semaphore_mem>>)
      %dma_wait3A_197 = arith.constant 0 : i32
      %dma_wait3A_198 = tpu.memref_slice %arg4[%add3A_173, %dma_wait3A_197] : memref<81920x64xf32, #tpu.memory_space<hbm>> -> memref<160x64xf32, #tpu.memory_space<hbm>>
      %dma_wait3A_199 = arith.constant 0 : i32
      %dma_wait3A_200 = tpu.memref_slice %arg4[%add3A_173, %dma_wait3A_199] : memref<81920x64xf32, #tpu.memory_space<hbm>> -> memref<160x64xf32, #tpu.memory_space<hbm>>
      tpu.wait_dma2 semaphore(%run_scoped3A : memref<!tpu.dma_semaphore, #tpu.memory_space<semaphore_mem>>) src(%arg7 : memref<160x64xf32, #tpu.memory_space<vmem>>) dst(%dma_wait3A_200 : memref<160x64xf32, #tpu.memory_space<hbm>>)
      tpu.yield
    }) : () -> ()
    %dma_start3A_174 = arith.constant 2400 : i32
    %dma_start3A_175 = tpu.memref_slice %arg5[%dma_start3A_174] : memref<2560xi32, #tpu.memory_space<vmem>> -> memref<160xi32, #tpu.memory_space<vmem>>
    %dma_start3A_176 = arith.constant 0 : i32
    %dma_start3A_177 = arith.constant 0 : i32
    %dma_start3A_178 = tpu.memref_slice %arg2[%dma_start3A_176, %dma_start3A_177] : memref<4096x64xf32, #tpu.memory_space<hbm>> -> memref<4096x64xf32, #tpu.memory_space<hbm>>
    tpu.enqueue_indirect_dma source(%dma_start3A_178 : memref<4096x64xf32, #tpu.memory_space<hbm>>) target(%arg7 : memref<160x64xf32, #tpu.memory_space<vmem>>) offsets(%dma_start3A_175 : memref<160xi32, #tpu.memory_space<vmem>>) semaphore(%arg9 : memref<!tpu.dma_semaphore, #tpu.memory_space<semaphore_mem>>)
    %dma_wait3A_179 = arith.constant 2240 : i32
    %dma_wait3A_180 = tpu.memref_slice %arg5[%dma_wait3A_179] : memref<2560xi32, #tpu.memory_space<vmem>> -> memref<160xi32, #tpu.memory_space<vmem>>
    %dma_wait3A_181 = arith.constant 0 : i32
    %dma_wait3A_182 = arith.constant 0 : i32
    %dma_wait3A_183 = tpu.memref_slice %arg2[%dma_wait3A_181, %dma_wait3A_182] : memref<4096x64xf32, #tpu.memory_space<hbm>> -> memref<4096x64xf32, #tpu.memory_space<hbm>>
    tpu.wait_indirect_dma semaphore(%arg8 : memref<!tpu.dma_semaphore, #tpu.memory_space<semaphore_mem>>) src(%dma_wait3A_183 : memref<4096x64xf32, #tpu.memory_space<hbm>>) dst(%arg6 : memref<160x64xf32, #tpu.memory_space<vmem>>)
    %add3A_184 = arith.constant 2240 : i32
    %add3A_185 = arith.addi %mul3A_2, %add3A_184 : i32
    "tpu.region"() ({
      %run_scoped3A = tpu.sem_alloc : memref<!tpu.dma_semaphore, #tpu.memory_space<semaphore_mem>>
      %dma_start3A_193 = arith.constant 0 : i32
      %dma_start3A_194 = tpu.memref_slice %arg4[%add3A_185, %dma_start3A_193] : memref<81920x64xf32, #tpu.memory_space<hbm>> -> memref<160x64xf32, #tpu.memory_space<hbm>>
      %dma_start3A_195 = arith.constant 0 : i32
      %dma_start3A_196 = tpu.memref_slice %arg4[%add3A_185, %dma_start3A_195] : memref<81920x64xf32, #tpu.memory_space<hbm>> -> memref<160x64xf32, #tpu.memory_space<hbm>>
      tpu.enqueue_dma source(%arg6 : memref<160x64xf32, #tpu.memory_space<vmem>>) target(%dma_start3A_196 : memref<160x64xf32, #tpu.memory_space<hbm>>) target_semaphore(%run_scoped3A : memref<!tpu.dma_semaphore, #tpu.memory_space<semaphore_mem>>)
      %dma_wait3A_197 = arith.constant 0 : i32
      %dma_wait3A_198 = tpu.memref_slice %arg4[%add3A_185, %dma_wait3A_197] : memref<81920x64xf32, #tpu.memory_space<hbm>> -> memref<160x64xf32, #tpu.memory_space<hbm>>
      %dma_wait3A_199 = arith.constant 0 : i32
      %dma_wait3A_200 = tpu.memref_slice %arg4[%add3A_185, %dma_wait3A_199] : memref<81920x64xf32, #tpu.memory_space<hbm>> -> memref<160x64xf32, #tpu.memory_space<hbm>>
      tpu.wait_dma2 semaphore(%run_scoped3A : memref<!tpu.dma_semaphore, #tpu.memory_space<semaphore_mem>>) src(%arg6 : memref<160x64xf32, #tpu.memory_space<vmem>>) dst(%dma_wait3A_200 : memref<160x64xf32, #tpu.memory_space<hbm>>)
      tpu.yield
    }) : () -> ()
    %dma_wait3A_186 = arith.constant 2400 : i32
    %dma_wait3A_187 = tpu.memref_slice %arg5[%dma_wait3A_186] : memref<2560xi32, #tpu.memory_space<vmem>> -> memref<160xi32, #tpu.memory_space<vmem>>
    %dma_wait3A_188 = arith.constant 0 : i32
    %dma_wait3A_189 = arith.constant 0 : i32
    %dma_wait3A_190 = tpu.memref_slice %arg2[%dma_wait3A_188, %dma_wait3A_189] : memref<4096x64xf32, #tpu.memory_space<hbm>> -> memref<4096x64xf32, #tpu.memory_space<hbm>>
    tpu.wait_indirect_dma semaphore(%arg9 : memref<!tpu.dma_semaphore, #tpu.memory_space<semaphore_mem>>) src(%dma_wait3A_190 : memref<4096x64xf32, #tpu.memory_space<hbm>>) dst(%arg7 : memref<160x64xf32, #tpu.memory_space<vmem>>)
    %add3A_191 = arith.constant 2400 : i32
    %add3A_192 = arith.addi %mul3A_2, %add3A_191 : i32
    "tpu.region"() ({
      %run_scoped3A = tpu.sem_alloc : memref<!tpu.dma_semaphore, #tpu.memory_space<semaphore_mem>>
      %dma_start3A_193 = arith.constant 0 : i32
      %dma_start3A_194 = tpu.memref_slice %arg4[%add3A_192, %dma_start3A_193] : memref<81920x64xf32, #tpu.memory_space<hbm>> -> memref<160x64xf32, #tpu.memory_space<hbm>>
      %dma_start3A_195 = arith.constant 0 : i32
      %dma_start3A_196 = tpu.memref_slice %arg4[%add3A_192, %dma_start3A_195] : memref<81920x64xf32, #tpu.memory_space<hbm>> -> memref<160x64xf32, #tpu.memory_space<hbm>>
      tpu.enqueue_dma source(%arg7 : memref<160x64xf32, #tpu.memory_space<vmem>>) target(%dma_start3A_196 : memref<160x64xf32, #tpu.memory_space<hbm>>) target_semaphore(%run_scoped3A : memref<!tpu.dma_semaphore, #tpu.memory_space<semaphore_mem>>)
      %dma_wait3A_197 = arith.constant 0 : i32
      %dma_wait3A_198 = tpu.memref_slice %arg4[%add3A_192, %dma_wait3A_197] : memref<81920x64xf32, #tpu.memory_space<hbm>> -> memref<160x64xf32, #tpu.memory_space<hbm>>
      %dma_wait3A_199 = arith.constant 0 : i32
      %dma_wait3A_200 = tpu.memref_slice %arg4[%add3A_192, %dma_wait3A_199] : memref<81920x64xf32, #tpu.memory_space<hbm>> -> memref<160x64xf32, #tpu.memory_space<hbm>>
      tpu.wait_dma2 semaphore(%run_scoped3A : memref<!tpu.dma_semaphore, #tpu.memory_space<semaphore_mem>>) src(%arg7 : memref<160x64xf32, #tpu.memory_space<vmem>>) dst(%dma_wait3A_200 : memref<160x64xf32, #tpu.memory_space<hbm>>)
      tpu.yield
    }) : () -> ()
    return
  }
}

#map = affine_map<(d0, d1) -> (0, 0)>
#map1 = affine_map<(d0, d1) -> (0)>
module attributes {stable_mosaic.version = 14 : i64} {
  func.func @k(%arg0: i32, %arg1: i32, %arg2: memref<4096x64xf32, #tpu.memory_space<hbm>>, %arg3: memref<81920xi32, #tpu.memory_space<hbm>>, %arg4: memref<81920x64xf32, #tpu.memory_space<hbm>>, %arg5: memref<2560xi32, #tpu.memory_space<vmem>>, %arg6: memref<160x64xf32, #tpu.memory_space<vmem>>, %arg7: memref<160x64xf32, #tpu.memory_space<vmem>>, %arg8: memref<!tpu.dma_semaphore, #tpu.memory_space<semaphore_mem>>, %arg9: memref<!tpu.dma_semaphore, #tpu.memory_space<semaphore_mem>>) attributes {dimension_semantics = [#tpu.dimension_semantics<core_parallel>, #tpu.dimension_semantics<subcore_parallel>], iteration_bounds = array<i64: 2, 16>, scalar_prefetch = 0 : i64, scratch_operands = 5 : i64, tpu.core_type = #tpu.core_type<sc_vector_subcore>, window_params = [{transform_indices = #map}, {transform_indices = #map1}, {transform_indices = #map}]} {
    %mul3A = arith.constant 2 : i32
    %mul3A_0 = arith.muli %arg1, %mul3A : i32
    %add3A = arith.addi %mul3A_0, %arg0 : i32
    %mul3A_1 = arith.constant 2560 : i32
    %mul3A_2 = arith.muli %add3A, %mul3A_1 : i32
    "tpu.region"() ({
      %run_scoped3A = tpu.sem_alloc : memref<!tpu.dma_semaphore, #tpu.memory_space<semaphore_mem>>
      %dma_start3A_193 = tpu.memref_slice %arg3[%mul3A_2] : memref<81920xi32, #tpu.memory_space<hbm>> -> memref<2560xi32, #tpu.memory_space<hbm>>
      %dma_start3A_194 = tpu.memref_slice %arg3[%mul3A_2] : memref<81920xi32, #tpu.memory_space<hbm>> -> memref<2560xi32, #tpu.memory_space<hbm>>
      tpu.enqueue_dma source(%dma_start3A_194 : memref<2560xi32, #tpu.memory_space<hbm>>) target(%arg5 : memref<2560xi32, #tpu.memory_space<vmem>>) target_semaphore(%run_scoped3A : memref<!tpu.dma_semaphore, #tpu.memory_space<semaphore_mem>>)
      %dma_wait3A_195 = tpu.memref_slice %arg3[%mul3A_2] : memref<81920xi32, #tpu.memory_space<hbm>> -> memref<2560xi32, #tpu.memory_space<hbm>>
      %dma_wait3A_196 = tpu.memref_slice %arg3[%mul3A_2] : memref<81920xi32, #tpu.memory_space<hbm>> -> memref<2560xi32, #tpu.memory_space<hbm>>
      tpu.wait_dma2 semaphore(%run_scoped3A : memref<!tpu.dma_semaphore, #tpu.memory_space<semaphore_mem>>) src(%dma_wait3A_196 : memref<2560xi32, #tpu.memory_space<hbm>>) dst(%arg5 : memref<2560xi32, #tpu.memory_space<vmem>>)
      tpu.yield
    }) : () -> ()
    %dma_start3A = arith.constant 0 : i32
    %dma_start3A_3 = tpu.memref_slice %arg5[%dma_start3A] : memref<2560xi32, #tpu.memory_space<vmem>> -> memref<160xi32, #tpu.memory_space<vmem>>
    %dma_start3A_4 = arith.constant 0 : i32
    %dma_start3A_5 = arith.constant 0 : i32
    %dma_start3A_6 = tpu.memref_slice %arg2[%dma_start3A_4, %dma_start3A_5] : memref<4096x64xf32, #tpu.memory_space<hbm>> -> memref<4096x64xf32, #tpu.memory_space<hbm>>
    tpu.enqueue_indirect_dma source(%dma_start3A_6 : memref<4096x64xf32, #tpu.memory_space<hbm>>) target(%arg6 : memref<160x64xf32, #tpu.memory_space<vmem>>) offsets(%dma_start3A_3 : memref<160xi32, #tpu.memory_space<vmem>>) semaphore(%arg8 : memref<!tpu.dma_semaphore, #tpu.memory_space<semaphore_mem>>)
    %dma_start3A_7 = arith.constant 160 : i32
    %dma_start3A_8 = tpu.memref_slice %arg5[%dma_start3A_7] : memref<2560xi32, #tpu.memory_space<vmem>> -> memref<160xi32, #tpu.memory_space<vmem>>
    %dma_start3A_9 = arith.constant 0 : i32
    %dma_start3A_10 = arith.constant 0 : i32
    %dma_start3A_11 = tpu.memref_slice %arg2[%dma_start3A_9, %dma_start3A_10] : memref<4096x64xf32, #tpu.memory_space<hbm>> -> memref<4096x64xf32, #tpu.memory_space<hbm>>
    tpu.enqueue_indirect_dma source(%dma_start3A_11 : memref<4096x64xf32, #tpu.memory_space<hbm>>) target(%arg7 : memref<160x64xf32, #tpu.memory_space<vmem>>) offsets(%dma_start3A_8 : memref<160xi32, #tpu.memory_space<vmem>>) semaphore(%arg9 : memref<!tpu.dma_semaphore, #tpu.memory_space<semaphore_mem>>)
    %dma_wait3A = arith.constant 0 : i32
    %dma_wait3A_12 = tpu.memref_slice %arg5[%dma_wait3A] : memref<2560xi32, #tpu.memory_space<vmem>> -> memref<160xi32, #tpu.memory_space<vmem>>
    %dma_wait3A_13 = arith.constant 0 : i32
    %dma_wait3A_14 = arith.constant 0 : i32
    %dma_wait3A_15 = tpu.memref_slice %arg2[%dma_wait3A_13, %dma_wait3A_14] : memref<4096x64xf32, #tpu.memory_space<hbm>> -> memref<4096x64xf32, #tpu.memory_space<hbm>>
    tpu.wait_indirect_dma semaphore(%arg8 : memref<!tpu.dma_semaphore, #tpu.memory_space<semaphore_mem>>) src(%dma_wait3A_15 : memref<4096x64xf32, #tpu.memory_space<hbm>>) dst(%arg6 : memref<160x64xf32, #tpu.memory_space<vmem>>)
    %add3A_16 = arith.constant 0 : i32
    %add3A_17 = arith.addi %mul3A_2, %add3A_16 : i32
    "tpu.region"() ({
      %run_scoped3A = tpu.sem_alloc : memref<!tpu.dma_semaphore, #tpu.memory_space<semaphore_mem>>
      %dma_start3A_193 = arith.constant 0 : i32
      %dma_start3A_194 = tpu.memref_slice %arg4[%add3A_17, %dma_start3A_193] : memref<81920x64xf32, #tpu.memory_space<hbm>> -> memref<160x64xf32, #tpu.memory_space<hbm>>
      %dma_start3A_195 = arith.constant 0 : i32
      %dma_start3A_196 = tpu.memref_slice %arg4[%add3A_17, %dma_start3A_195] : memref<81920x64xf32, #tpu.memory_space<hbm>> -> memref<160x64xf32, #tpu.memory_space<hbm>>
      tpu.enqueue_dma source(%arg6 : memref<160x64xf32, #tpu.memory_space<vmem>>) target(%dma_start3A_196 : memref<160x64xf32, #tpu.memory_space<hbm>>) target_semaphore(%run_scoped3A : memref<!tpu.dma_semaphore, #tpu.memory_space<semaphore_mem>>)
      %dma_wait3A_197 = arith.constant 0 : i32
      %dma_wait3A_198 = tpu.memref_slice %arg4[%add3A_17, %dma_wait3A_197] : memref<81920x64xf32, #tpu.memory_space<hbm>> -> memref<160x64xf32, #tpu.memory_space<hbm>>
      %dma_wait3A_199 = arith.constant 0 : i32
      %dma_wait3A_200 = tpu.memref_slice %arg4[%add3A_17, %dma_wait3A_199] : memref<81920x64xf32, #tpu.memory_space<hbm>> -> memref<160x64xf32, #tpu.memory_space<hbm>>
      tpu.wait_dma2 semaphore(%run_scoped3A : memref<!tpu.dma_semaphore, #tpu.memory_space<semaphore_mem>>) src(%arg6 : memref<160x64xf32, #tpu.memory_space<vmem>>) dst(%dma_wait3A_200 : memref<160x64xf32, #tpu.memory_space<hbm>>)
      tpu.yield
    }) : () -> ()
    %dma_start3A_18 = arith.constant 320 : i32
    %dma_start3A_19 = tpu.memref_slice %arg5[%dma_start3A_18] : memref<2560xi32, #tpu.memory_space<vmem>> -> memref<160xi32, #tpu.memory_space<vmem>>
    %dma_start3A_20 = arith.constant 0 : i32
    %dma_start3A_21 = arith.constant 0 : i32
    %dma_start3A_22 = tpu.memref_slice %arg2[%dma_start3A_20, %dma_start3A_21] : memref<4096x64xf32, #tpu.memory_space<hbm>> -> memref<4096x64xf32, #tpu.memory_space<hbm>>
    tpu.enqueue_indirect_dma source(%dma_start3A_22 : memref<4096x64xf32, #tpu.memory_space<hbm>>) target(%arg6 : memref<160x64xf32, #tpu.memory_space<vmem>>) offsets(%dma_start3A_19 : memref<160xi32, #tpu.memory_space<vmem>>) semaphore(%arg8 : memref<!tpu.dma_semaphore, #tpu.memory_space<semaphore_mem>>)
    %dma_wait3A_23 = arith.constant 160 : i32
    %dma_wait3A_24 = tpu.memref_slice %arg5[%dma_wait3A_23] : memref<2560xi32, #tpu.memory_space<vmem>> -> memref<160xi32, #tpu.memory_space<vmem>>
    %dma_wait3A_25 = arith.constant 0 : i32
    %dma_wait3A_26 = arith.constant 0 : i32
    %dma_wait3A_27 = tpu.memref_slice %arg2[%dma_wait3A_25, %dma_wait3A_26] : memref<4096x64xf32, #tpu.memory_space<hbm>> -> memref<4096x64xf32, #tpu.memory_space<hbm>>
    tpu.wait_indirect_dma semaphore(%arg9 : memref<!tpu.dma_semaphore, #tpu.memory_space<semaphore_mem>>) src(%dma_wait3A_27 : memref<4096x64xf32, #tpu.memory_space<hbm>>) dst(%arg7 : memref<160x64xf32, #tpu.memory_space<vmem>>)
    %add3A_28 = arith.constant 160 : i32
    %add3A_29 = arith.addi %mul3A_2, %add3A_28 : i32
    "tpu.region"() ({
      %run_scoped3A = tpu.sem_alloc : memref<!tpu.dma_semaphore, #tpu.memory_space<semaphore_mem>>
      %dma_start3A_193 = arith.constant 0 : i32
      %dma_start3A_194 = tpu.memref_slice %arg4[%add3A_29, %dma_start3A_193] : memref<81920x64xf32, #tpu.memory_space<hbm>> -> memref<160x64xf32, #tpu.memory_space<hbm>>
      %dma_start3A_195 = arith.constant 0 : i32
      %dma_start3A_196 = tpu.memref_slice %arg4[%add3A_29, %dma_start3A_195] : memref<81920x64xf32, #tpu.memory_space<hbm>> -> memref<160x64xf32, #tpu.memory_space<hbm>>
      tpu.enqueue_dma source(%arg7 : memref<160x64xf32, #tpu.memory_space<vmem>>) target(%dma_start3A_196 : memref<160x64xf32, #tpu.memory_space<hbm>>) target_semaphore(%run_scoped3A : memref<!tpu.dma_semaphore, #tpu.memory_space<semaphore_mem>>)
      %dma_wait3A_197 = arith.constant 0 : i32
      %dma_wait3A_198 = tpu.memref_slice %arg4[%add3A_29, %dma_wait3A_197] : memref<81920x64xf32, #tpu.memory_space<hbm>> -> memref<160x64xf32, #tpu.memory_space<hbm>>
      %dma_wait3A_199 = arith.constant 0 : i32
      %dma_wait3A_200 = tpu.memref_slice %arg4[%add3A_29, %dma_wait3A_199] : memref<81920x64xf32, #tpu.memory_space<hbm>> -> memref<160x64xf32, #tpu.memory_space<hbm>>
      tpu.wait_dma2 semaphore(%run_scoped3A : memref<!tpu.dma_semaphore, #tpu.memory_space<semaphore_mem>>) src(%arg7 : memref<160x64xf32, #tpu.memory_space<vmem>>) dst(%dma_wait3A_200 : memref<160x64xf32, #tpu.memory_space<hbm>>)
      tpu.yield
    }) : () -> ()
    %dma_start3A_30 = arith.constant 480 : i32
    %dma_start3A_31 = tpu.memref_slice %arg5[%dma_start3A_30] : memref<2560xi32, #tpu.memory_space<vmem>> -> memref<160xi32, #tpu.memory_space<vmem>>
    %dma_start3A_32 = arith.constant 0 : i32
    %dma_start3A_33 = arith.constant 0 : i32
    %dma_start3A_34 = tpu.memref_slice %arg2[%dma_start3A_32, %dma_start3A_33] : memref<4096x64xf32, #tpu.memory_space<hbm>> -> memref<4096x64xf32, #tpu.memory_space<hbm>>
    tpu.enqueue_indirect_dma source(%dma_start3A_34 : memref<4096x64xf32, #tpu.memory_space<hbm>>) target(%arg7 : memref<160x64xf32, #tpu.memory_space<vmem>>) offsets(%dma_start3A_31 : memref<160xi32, #tpu.memory_space<vmem>>) semaphore(%arg9 : memref<!tpu.dma_semaphore, #tpu.memory_space<semaphore_mem>>)
    %dma_wait3A_35 = arith.constant 320 : i32
    %dma_wait3A_36 = tpu.memref_slice %arg5[%dma_wait3A_35] : memref<2560xi32, #tpu.memory_space<vmem>> -> memref<160xi32, #tpu.memory_space<vmem>>
    %dma_wait3A_37 = arith.constant 0 : i32
    %dma_wait3A_38 = arith.constant 0 : i32
    %dma_wait3A_39 = tpu.memref_slice %arg2[%dma_wait3A_37, %dma_wait3A_38] : memref<4096x64xf32, #tpu.memory_space<hbm>> -> memref<4096x64xf32, #tpu.memory_space<hbm>>
    tpu.wait_indirect_dma semaphore(%arg8 : memref<!tpu.dma_semaphore, #tpu.memory_space<semaphore_mem>>) src(%dma_wait3A_39 : memref<4096x64xf32, #tpu.memory_space<hbm>>) dst(%arg6 : memref<160x64xf32, #tpu.memory_space<vmem>>)
    %add3A_40 = arith.constant 320 : i32
    %add3A_41 = arith.addi %mul3A_2, %add3A_40 : i32
    "tpu.region"() ({
      %run_scoped3A = tpu.sem_alloc : memref<!tpu.dma_semaphore, #tpu.memory_space<semaphore_mem>>
      %dma_start3A_193 = arith.constant 0 : i32
      %dma_start3A_194 = tpu.memref_slice %arg4[%add3A_41, %dma_start3A_193] : memref<81920x64xf32, #tpu.memory_space<hbm>> -> memref<160x64xf32, #tpu.memory_space<hbm>>
      %dma_start3A_195 = arith.constant 0 : i32
      %dma_start3A_196 = tpu.memref_slice %arg4[%add3A_41, %dma_start3A_195] : memref<81920x64xf32, #tpu.memory_space<hbm>> -> memref<160x64xf32, #tpu.memory_space<hbm>>
      tpu.enqueue_dma source(%arg6 : memref<160x64xf32, #tpu.memory_space<vmem>>) target(%dma_start3A_196 : memref<160x64xf32, #tpu.memory_space<hbm>>) target_semaphore(%run_scoped3A : memref<!tpu.dma_semaphore, #tpu.memory_space<semaphore_mem>>)
      %dma_wait3A_197 = arith.constant 0 : i32
      %dma_wait3A_198 = tpu.memref_slice %arg4[%add3A_41, %dma_wait3A_197] : memref<81920x64xf32, #tpu.memory_space<hbm>> -> memref<160x64xf32, #tpu.memory_space<hbm>>
      %dma_wait3A_199 = arith.constant 0 : i32
      %dma_wait3A_200 = tpu.memref_slice %arg4[%add3A_41, %dma_wait3A_199] : memref<81920x64xf32, #tpu.memory_space<hbm>> -> memref<160x64xf32, #tpu.memory_space<hbm>>
      tpu.wait_dma2 semaphore(%run_scoped3A : memref<!tpu.dma_semaphore, #tpu.memory_space<semaphore_mem>>) src(%arg6 : memref<160x64xf32, #tpu.memory_space<vmem>>) dst(%dma_wait3A_200 : memref<160x64xf32, #tpu.memory_space<hbm>>)
      tpu.yield
    }) : () -> ()
    %dma_start3A_42 = arith.constant 640 : i32
    %dma_start3A_43 = tpu.memref_slice %arg5[%dma_start3A_42] : memref<2560xi32, #tpu.memory_space<vmem>> -> memref<160xi32, #tpu.memory_space<vmem>>
    %dma_start3A_44 = arith.constant 0 : i32
    %dma_start3A_45 = arith.constant 0 : i32
    %dma_start3A_46 = tpu.memref_slice %arg2[%dma_start3A_44, %dma_start3A_45] : memref<4096x64xf32, #tpu.memory_space<hbm>> -> memref<4096x64xf32, #tpu.memory_space<hbm>>
    tpu.enqueue_indirect_dma source(%dma_start3A_46 : memref<4096x64xf32, #tpu.memory_space<hbm>>) target(%arg6 : memref<160x64xf32, #tpu.memory_space<vmem>>) offsets(%dma_start3A_43 : memref<160xi32, #tpu.memory_space<vmem>>) semaphore(%arg8 : memref<!tpu.dma_semaphore, #tpu.memory_space<semaphore_mem>>)
    %dma_wait3A_47 = arith.constant 480 : i32
    %dma_wait3A_48 = tpu.memref_slice %arg5[%dma_wait3A_47] : memref<2560xi32, #tpu.memory_space<vmem>> -> memref<160xi32, #tpu.memory_space<vmem>>
    %dma_wait3A_49 = arith.constant 0 : i32
    %dma_wait3A_50 = arith.constant 0 : i32
    %dma_wait3A_51 = tpu.memref_slice %arg2[%dma_wait3A_49, %dma_wait3A_50] : memref<4096x64xf32, #tpu.memory_space<hbm>> -> memref<4096x64xf32, #tpu.memory_space<hbm>>
    tpu.wait_indirect_dma semaphore(%arg9 : memref<!tpu.dma_semaphore, #tpu.memory_space<semaphore_mem>>) src(%dma_wait3A_51 : memref<4096x64xf32, #tpu.memory_space<hbm>>) dst(%arg7 : memref<160x64xf32, #tpu.memory_space<vmem>>)
    %add3A_52 = arith.constant 480 : i32
    %add3A_53 = arith.addi %mul3A_2, %add3A_52 : i32
    "tpu.region"() ({
      %run_scoped3A = tpu.sem_alloc : memref<!tpu.dma_semaphore, #tpu.memory_space<semaphore_mem>>
      %dma_start3A_193 = arith.constant 0 : i32
      %dma_start3A_194 = tpu.memref_slice %arg4[%add3A_53, %dma_start3A_193] : memref<81920x64xf32, #tpu.memory_space<hbm>> -> memref<160x64xf32, #tpu.memory_space<hbm>>
      %dma_start3A_195 = arith.constant 0 : i32
      %dma_start3A_196 = tpu.memref_slice %arg4[%add3A_53, %dma_start3A_195] : memref<81920x64xf32, #tpu.memory_space<hbm>> -> memref<160x64xf32, #tpu.memory_space<hbm>>
      tpu.enqueue_dma source(%arg7 : memref<160x64xf32, #tpu.memory_space<vmem>>) target(%dma_start3A_196 : memref<160x64xf32, #tpu.memory_space<hbm>>) target_semaphore(%run_scoped3A : memref<!tpu.dma_semaphore, #tpu.memory_space<semaphore_mem>>)
      %dma_wait3A_197 = arith.constant 0 : i32
      %dma_wait3A_198 = tpu.memref_slice %arg4[%add3A_53, %dma_wait3A_197] : memref<81920x64xf32, #tpu.memory_space<hbm>> -> memref<160x64xf32, #tpu.memory_space<hbm>>
      %dma_wait3A_199 = arith.constant 0 : i32
      %dma_wait3A_200 = tpu.memref_slice %arg4[%add3A_53, %dma_wait3A_199] : memref<81920x64xf32, #tpu.memory_space<hbm>> -> memref<160x64xf32, #tpu.memory_space<hbm>>
      tpu.wait_dma2 semaphore(%run_scoped3A : memref<!tpu.dma_semaphore, #tpu.memory_space<semaphore_mem>>) src(%arg7 : memref<160x64xf32, #tpu.memory_space<vmem>>) dst(%dma_wait3A_200 : memref<160x64xf32, #tpu.memory_space<hbm>>)
      tpu.yield
    }) : () -> ()
    %dma_start3A_54 = arith.constant 800 : i32
    %dma_start3A_55 = tpu.memref_slice %arg5[%dma_start3A_54] : memref<2560xi32, #tpu.memory_space<vmem>> -> memref<160xi32, #tpu.memory_space<vmem>>
    %dma_start3A_56 = arith.constant 0 : i32
    %dma_start3A_57 = arith.constant 0 : i32
    %dma_start3A_58 = tpu.memref_slice %arg2[%dma_start3A_56, %dma_start3A_57] : memref<4096x64xf32, #tpu.memory_space<hbm>> -> memref<4096x64xf32, #tpu.memory_space<hbm>>
    tpu.enqueue_indirect_dma source(%dma_start3A_58 : memref<4096x64xf32, #tpu.memory_space<hbm>>) target(%arg7 : memref<160x64xf32, #tpu.memory_space<vmem>>) offsets(%dma_start3A_55 : memref<160xi32, #tpu.memory_space<vmem>>) semaphore(%arg9 : memref<!tpu.dma_semaphore, #tpu.memory_space<semaphore_mem>>)
    %dma_wait3A_59 = arith.constant 640 : i32
    %dma_wait3A_60 = tpu.memref_slice %arg5[%dma_wait3A_59] : memref<2560xi32, #tpu.memory_space<vmem>> -> memref<160xi32, #tpu.memory_space<vmem>>
    %dma_wait3A_61 = arith.constant 0 : i32
    %dma_wait3A_62 = arith.constant 0 : i32
    %dma_wait3A_63 = tpu.memref_slice %arg2[%dma_wait3A_61, %dma_wait3A_62] : memref<4096x64xf32, #tpu.memory_space<hbm>> -> memref<4096x64xf32, #tpu.memory_space<hbm>>
    tpu.wait_indirect_dma semaphore(%arg8 : memref<!tpu.dma_semaphore, #tpu.memory_space<semaphore_mem>>) src(%dma_wait3A_63 : memref<4096x64xf32, #tpu.memory_space<hbm>>) dst(%arg6 : memref<160x64xf32, #tpu.memory_space<vmem>>)
    %add3A_64 = arith.constant 640 : i32
    %add3A_65 = arith.addi %mul3A_2, %add3A_64 : i32
    "tpu.region"() ({
      %run_scoped3A = tpu.sem_alloc : memref<!tpu.dma_semaphore, #tpu.memory_space<semaphore_mem>>
      %dma_start3A_193 = arith.constant 0 : i32
      %dma_start3A_194 = tpu.memref_slice %arg4[%add3A_65, %dma_start3A_193] : memref<81920x64xf32, #tpu.memory_space<hbm>> -> memref<160x64xf32, #tpu.memory_space<hbm>>
      %dma_start3A_195 = arith.constant 0 : i32
      %dma_start3A_196 = tpu.memref_slice %arg4[%add3A_65, %dma_start3A_195] : memref<81920x64xf32, #tpu.memory_space<hbm>> -> memref<160x64xf32, #tpu.memory_space<hbm>>
      tpu.enqueue_dma source(%arg6 : memref<160x64xf32, #tpu.memory_space<vmem>>) target(%dma_start3A_196 : memref<160x64xf32, #tpu.memory_space<hbm>>) target_semaphore(%run_scoped3A : memref<!tpu.dma_semaphore, #tpu.memory_space<semaphore_mem>>)
      %dma_wait3A_197 = arith.constant 0 : i32
      %dma_wait3A_198 = tpu.memref_slice %arg4[%add3A_65, %dma_wait3A_197] : memref<81920x64xf32, #tpu.memory_space<hbm>> -> memref<160x64xf32, #tpu.memory_space<hbm>>
      %dma_wait3A_199 = arith.constant 0 : i32
      %dma_wait3A_200 = tpu.memref_slice %arg4[%add3A_65, %dma_wait3A_199] : memref<81920x64xf32, #tpu.memory_space<hbm>> -> memref<160x64xf32, #tpu.memory_space<hbm>>
      tpu.wait_dma2 semaphore(%run_scoped3A : memref<!tpu.dma_semaphore, #tpu.memory_space<semaphore_mem>>) src(%arg6 : memref<160x64xf32, #tpu.memory_space<vmem>>) dst(%dma_wait3A_200 : memref<160x64xf32, #tpu.memory_space<hbm>>)
      tpu.yield
    }) : () -> ()
    %dma_start3A_66 = arith.constant 960 : i32
    %dma_start3A_67 = tpu.memref_slice %arg5[%dma_start3A_66] : memref<2560xi32, #tpu.memory_space<vmem>> -> memref<160xi32, #tpu.memory_space<vmem>>
    %dma_start3A_68 = arith.constant 0 : i32
    %dma_start3A_69 = arith.constant 0 : i32
    %dma_start3A_70 = tpu.memref_slice %arg2[%dma_start3A_68, %dma_start3A_69] : memref<4096x64xf32, #tpu.memory_space<hbm>> -> memref<4096x64xf32, #tpu.memory_space<hbm>>
    tpu.enqueue_indirect_dma source(%dma_start3A_70 : memref<4096x64xf32, #tpu.memory_space<hbm>>) target(%arg6 : memref<160x64xf32, #tpu.memory_space<vmem>>) offsets(%dma_start3A_67 : memref<160xi32, #tpu.memory_space<vmem>>) semaphore(%arg8 : memref<!tpu.dma_semaphore, #tpu.memory_space<semaphore_mem>>)
    %dma_wait3A_71 = arith.constant 800 : i32
    %dma_wait3A_72 = tpu.memref_slice %arg5[%dma_wait3A_71] : memref<2560xi32, #tpu.memory_space<vmem>> -> memref<160xi32, #tpu.memory_space<vmem>>
    %dma_wait3A_73 = arith.constant 0 : i32
    %dma_wait3A_74 = arith.constant 0 : i32
    %dma_wait3A_75 = tpu.memref_slice %arg2[%dma_wait3A_73, %dma_wait3A_74] : memref<4096x64xf32, #tpu.memory_space<hbm>> -> memref<4096x64xf32, #tpu.memory_space<hbm>>
    tpu.wait_indirect_dma semaphore(%arg9 : memref<!tpu.dma_semaphore, #tpu.memory_space<semaphore_mem>>) src(%dma_wait3A_75 : memref<4096x64xf32, #tpu.memory_space<hbm>>) dst(%arg7 : memref<160x64xf32, #tpu.memory_space<vmem>>)
    %add3A_76 = arith.constant 800 : i32
    %add3A_77 = arith.addi %mul3A_2, %add3A_76 : i32
    "tpu.region"() ({
      %run_scoped3A = tpu.sem_alloc : memref<!tpu.dma_semaphore, #tpu.memory_space<semaphore_mem>>
      %dma_start3A_193 = arith.constant 0 : i32
      %dma_start3A_194 = tpu.memref_slice %arg4[%add3A_77, %dma_start3A_193] : memref<81920x64xf32, #tpu.memory_space<hbm>> -> memref<160x64xf32, #tpu.memory_space<hbm>>
      %dma_start3A_195 = arith.constant 0 : i32
      %dma_start3A_196 = tpu.memref_slice %arg4[%add3A_77, %dma_start3A_195] : memref<81920x64xf32, #tpu.memory_space<hbm>> -> memref<160x64xf32, #tpu.memory_space<hbm>>
      tpu.enqueue_dma source(%arg7 : memref<160x64xf32, #tpu.memory_space<vmem>>) target(%dma_start3A_196 : memref<160x64xf32, #tpu.memory_space<hbm>>) target_semaphore(%run_scoped3A : memref<!tpu.dma_semaphore, #tpu.memory_space<semaphore_mem>>)
      %dma_wait3A_197 = arith.constant 0 : i32
      %dma_wait3A_198 = tpu.memref_slice %arg4[%add3A_77, %dma_wait3A_197] : memref<81920x64xf32, #tpu.memory_space<hbm>> -> memref<160x64xf32, #tpu.memory_space<hbm>>
      %dma_wait3A_199 = arith.constant 0 : i32
      %dma_wait3A_200 = tpu.memref_slice %arg4[%add3A_77, %dma_wait3A_199] : memref<81920x64xf32, #tpu.memory_space<hbm>> -> memref<160x64xf32, #tpu.memory_space<hbm>>
      tpu.wait_dma2 semaphore(%run_scoped3A : memref<!tpu.dma_semaphore, #tpu.memory_space<semaphore_mem>>) src(%arg7 : memref<160x64xf32, #tpu.memory_space<vmem>>) dst(%dma_wait3A_200 : memref<160x64xf32, #tpu.memory_space<hbm>>)
      tpu.yield
    }) : () -> ()
    %dma_start3A_78 = arith.constant 1120 : i32
    %dma_start3A_79 = tpu.memref_slice %arg5[%dma_start3A_78] : memref<2560xi32, #tpu.memory_space<vmem>> -> memref<160xi32, #tpu.memory_space<vmem>>
    %dma_start3A_80 = arith.constant 0 : i32
    %dma_start3A_81 = arith.constant 0 : i32
    %dma_start3A_82 = tpu.memref_slice %arg2[%dma_start3A_80, %dma_start3A_81] : memref<4096x64xf32, #tpu.memory_space<hbm>> -> memref<4096x64xf32, #tpu.memory_space<hbm>>
    tpu.enqueue_indirect_dma source(%dma_start3A_82 : memref<4096x64xf32, #tpu.memory_space<hbm>>) target(%arg7 : memref<160x64xf32, #tpu.memory_space<vmem>>) offsets(%dma_start3A_79 : memref<160xi32, #tpu.memory_space<vmem>>) semaphore(%arg9 : memref<!tpu.dma_semaphore, #tpu.memory_space<semaphore_mem>>)
    %dma_wait3A_83 = arith.constant 960 : i32
    %dma_wait3A_84 = tpu.memref_slice %arg5[%dma_wait3A_83] : memref<2560xi32, #tpu.memory_space<vmem>> -> memref<160xi32, #tpu.memory_space<vmem>>
    %dma_wait3A_85 = arith.constant 0 : i32
    %dma_wait3A_86 = arith.constant 0 : i32
    %dma_wait3A_87 = tpu.memref_slice %arg2[%dma_wait3A_85, %dma_wait3A_86] : memref<4096x64xf32, #tpu.memory_space<hbm>> -> memref<4096x64xf32, #tpu.memory_space<hbm>>
    tpu.wait_indirect_dma semaphore(%arg8 : memref<!tpu.dma_semaphore, #tpu.memory_space<semaphore_mem>>) src(%dma_wait3A_87 : memref<4096x64xf32, #tpu.memory_space<hbm>>) dst(%arg6 : memref<160x64xf32, #tpu.memory_space<vmem>>)
    %add3A_88 = arith.constant 960 : i32
    %add3A_89 = arith.addi %mul3A_2, %add3A_88 : i32
    "tpu.region"() ({
      %run_scoped3A = tpu.sem_alloc : memref<!tpu.dma_semaphore, #tpu.memory_space<semaphore_mem>>
      %dma_start3A_193 = arith.constant 0 : i32
      %dma_start3A_194 = tpu.memref_slice %arg4[%add3A_89, %dma_start3A_193] : memref<81920x64xf32, #tpu.memory_space<hbm>> -> memref<160x64xf32, #tpu.memory_space<hbm>>
      %dma_start3A_195 = arith.constant 0 : i32
      %dma_start3A_196 = tpu.memref_slice %arg4[%add3A_89, %dma_start3A_195] : memref<81920x64xf32, #tpu.memory_space<hbm>> -> memref<160x64xf32, #tpu.memory_space<hbm>>
      tpu.enqueue_dma source(%arg6 : memref<160x64xf32, #tpu.memory_space<vmem>>) target(%dma_start3A_196 : memref<160x64xf32, #tpu.memory_space<hbm>>) target_semaphore(%run_scoped3A : memref<!tpu.dma_semaphore, #tpu.memory_space<semaphore_mem>>)
      %dma_wait3A_197 = arith.constant 0 : i32
      %dma_wait3A_198 = tpu.memref_slice %arg4[%add3A_89, %dma_wait3A_197] : memref<81920x64xf32, #tpu.memory_space<hbm>> -> memref<160x64xf32, #tpu.memory_space<hbm>>
      %dma_wait3A_199 = arith.constant 0 : i32
      %dma_wait3A_200 = tpu.memref_slice %arg4[%add3A_89, %dma_wait3A_199] : memref<81920x64xf32, #tpu.memory_space<hbm>> -> memref<160x64xf32, #tpu.memory_space<hbm>>
      tpu.wait_dma2 semaphore(%run_scoped3A : memref<!tpu.dma_semaphore, #tpu.memory_space<semaphore_mem>>) src(%arg6 : memref<160x64xf32, #tpu.memory_space<vmem>>) dst(%dma_wait3A_200 : memref<160x64xf32, #tpu.memory_space<hbm>>)
      tpu.yield
    }) : () -> ()
    %dma_start3A_90 = arith.constant 1280 : i32
    %dma_start3A_91 = tpu.memref_slice %arg5[%dma_start3A_90] : memref<2560xi32, #tpu.memory_space<vmem>> -> memref<160xi32, #tpu.memory_space<vmem>>
    %dma_start3A_92 = arith.constant 0 : i32
    %dma_start3A_93 = arith.constant 0 : i32
    %dma_start3A_94 = tpu.memref_slice %arg2[%dma_start3A_92, %dma_start3A_93] : memref<4096x64xf32, #tpu.memory_space<hbm>> -> memref<4096x64xf32, #tpu.memory_space<hbm>>
    tpu.enqueue_indirect_dma source(%dma_start3A_94 : memref<4096x64xf32, #tpu.memory_space<hbm>>) target(%arg6 : memref<160x64xf32, #tpu.memory_space<vmem>>) offsets(%dma_start3A_91 : memref<160xi32, #tpu.memory_space<vmem>>) semaphore(%arg8 : memref<!tpu.dma_semaphore, #tpu.memory_space<semaphore_mem>>)
    %dma_wait3A_95 = arith.constant 1120 : i32
    %dma_wait3A_96 = tpu.memref_slice %arg5[%dma_wait3A_95] : memref<2560xi32, #tpu.memory_space<vmem>> -> memref<160xi32, #tpu.memory_space<vmem>>
    %dma_wait3A_97 = arith.constant 0 : i32
    %dma_wait3A_98 = arith.constant 0 : i32
    %dma_wait3A_99 = tpu.memref_slice %arg2[%dma_wait3A_97, %dma_wait3A_98] : memref<4096x64xf32, #tpu.memory_space<hbm>> -> memref<4096x64xf32, #tpu.memory_space<hbm>>
    tpu.wait_indirect_dma semaphore(%arg9 : memref<!tpu.dma_semaphore, #tpu.memory_space<semaphore_mem>>) src(%dma_wait3A_99 : memref<4096x64xf32, #tpu.memory_space<hbm>>) dst(%arg7 : memref<160x64xf32, #tpu.memory_space<vmem>>)
    %add3A_100 = arith.constant 1120 : i32
    %add3A_101 = arith.addi %mul3A_2, %add3A_100 : i32
    "tpu.region"() ({
      %run_scoped3A = tpu.sem_alloc : memref<!tpu.dma_semaphore, #tpu.memory_space<semaphore_mem>>
      %dma_start3A_193 = arith.constant 0 : i32
      %dma_start3A_194 = tpu.memref_slice %arg4[%add3A_101, %dma_start3A_193] : memref<81920x64xf32, #tpu.memory_space<hbm>> -> memref<160x64xf32, #tpu.memory_space<hbm>>
      %dma_start3A_195 = arith.constant 0 : i32
      %dma_start3A_196 = tpu.memref_slice %arg4[%add3A_101, %dma_start3A_195] : memref<81920x64xf32, #tpu.memory_space<hbm>> -> memref<160x64xf32, #tpu.memory_space<hbm>>
      tpu.enqueue_dma source(%arg7 : memref<160x64xf32, #tpu.memory_space<vmem>>) target(%dma_start3A_196 : memref<160x64xf32, #tpu.memory_space<hbm>>) target_semaphore(%run_scoped3A : memref<!tpu.dma_semaphore, #tpu.memory_space<semaphore_mem>>)
      %dma_wait3A_197 = arith.constant 0 : i32
      %dma_wait3A_198 = tpu.memref_slice %arg4[%add3A_101, %dma_wait3A_197] : memref<81920x64xf32, #tpu.memory_space<hbm>> -> memref<160x64xf32, #tpu.memory_space<hbm>>
      %dma_wait3A_199 = arith.constant 0 : i32
      %dma_wait3A_200 = tpu.memref_slice %arg4[%add3A_101, %dma_wait3A_199] : memref<81920x64xf32, #tpu.memory_space<hbm>> -> memref<160x64xf32, #tpu.memory_space<hbm>>
      tpu.wait_dma2 semaphore(%run_scoped3A : memref<!tpu.dma_semaphore, #tpu.memory_space<semaphore_mem>>) src(%arg7 : memref<160x64xf32, #tpu.memory_space<vmem>>) dst(%dma_wait3A_200 : memref<160x64xf32, #tpu.memory_space<hbm>>)
      tpu.yield
    }) : () -> ()
    %dma_start3A_102 = arith.constant 1440 : i32
    %dma_start3A_103 = tpu.memref_slice %arg5[%dma_start3A_102] : memref<2560xi32, #tpu.memory_space<vmem>> -> memref<160xi32, #tpu.memory_space<vmem>>
    %dma_start3A_104 = arith.constant 0 : i32
    %dma_start3A_105 = arith.constant 0 : i32
    %dma_start3A_106 = tpu.memref_slice %arg2[%dma_start3A_104, %dma_start3A_105] : memref<4096x64xf32, #tpu.memory_space<hbm>> -> memref<4096x64xf32, #tpu.memory_space<hbm>>
    tpu.enqueue_indirect_dma source(%dma_start3A_106 : memref<4096x64xf32, #tpu.memory_space<hbm>>) target(%arg7 : memref<160x64xf32, #tpu.memory_space<vmem>>) offsets(%dma_start3A_103 : memref<160xi32, #tpu.memory_space<vmem>>) semaphore(%arg9 : memref<!tpu.dma_semaphore, #tpu.memory_space<semaphore_mem>>)
    %dma_wait3A_107 = arith.constant 1280 : i32
    %dma_wait3A_108 = tpu.memref_slice %arg5[%dma_wait3A_107] : memref<2560xi32, #tpu.memory_space<vmem>> -> memref<160xi32, #tpu.memory_space<vmem>>
    %dma_wait3A_109 = arith.constant 0 : i32
    %dma_wait3A_110 = arith.constant 0 : i32
    %dma_wait3A_111 = tpu.memref_slice %arg2[%dma_wait3A_109, %dma_wait3A_110] : memref<4096x64xf32, #tpu.memory_space<hbm>> -> memref<4096x64xf32, #tpu.memory_space<hbm>>
    tpu.wait_indirect_dma semaphore(%arg8 : memref<!tpu.dma_semaphore, #tpu.memory_space<semaphore_mem>>) src(%dma_wait3A_111 : memref<4096x64xf32, #tpu.memory_space<hbm>>) dst(%arg6 : memref<160x64xf32, #tpu.memory_space<vmem>>)
    %add3A_112 = arith.constant 1280 : i32
    %add3A_113 = arith.addi %mul3A_2, %add3A_112 : i32
    "tpu.region"() ({
      %run_scoped3A = tpu.sem_alloc : memref<!tpu.dma_semaphore, #tpu.memory_space<semaphore_mem>>
      %dma_start3A_193 = arith.constant 0 : i32
      %dma_start3A_194 = tpu.memref_slice %arg4[%add3A_113, %dma_start3A_193] : memref<81920x64xf32, #tpu.memory_space<hbm>> -> memref<160x64xf32, #tpu.memory_space<hbm>>
      %dma_start3A_195 = arith.constant 0 : i32
      %dma_start3A_196 = tpu.memref_slice %arg4[%add3A_113, %dma_start3A_195] : memref<81920x64xf32, #tpu.memory_space<hbm>> -> memref<160x64xf32, #tpu.memory_space<hbm>>
      tpu.enqueue_dma source(%arg6 : memref<160x64xf32, #tpu.memory_space<vmem>>) target(%dma_start3A_196 : memref<160x64xf32, #tpu.memory_space<hbm>>) target_semaphore(%run_scoped3A : memref<!tpu.dma_semaphore, #tpu.memory_space<semaphore_mem>>)
      %dma_wait3A_197 = arith.constant 0 : i32
      %dma_wait3A_198 = tpu.memref_slice %arg4[%add3A_113, %dma_wait3A_197] : memref<81920x64xf32, #tpu.memory_space<hbm>> -> memref<160x64xf32, #tpu.memory_space<hbm>>
      %dma_wait3A_199 = arith.constant 0 : i32
      %dma_wait3A_200 = tpu.memref_slice %arg4[%add3A_113, %dma_wait3A_199] : memref<81920x64xf32, #tpu.memory_space<hbm>> -> memref<160x64xf32, #tpu.memory_space<hbm>>
      tpu.wait_dma2 semaphore(%run_scoped3A : memref<!tpu.dma_semaphore, #tpu.memory_space<semaphore_mem>>) src(%arg6 : memref<160x64xf32, #tpu.memory_space<vmem>>) dst(%dma_wait3A_200 : memref<160x64xf32, #tpu.memory_space<hbm>>)
      tpu.yield
    }) : () -> ()
    %dma_start3A_114 = arith.constant 1600 : i32
    %dma_start3A_115 = tpu.memref_slice %arg5[%dma_start3A_114] : memref<2560xi32, #tpu.memory_space<vmem>> -> memref<160xi32, #tpu.memory_space<vmem>>
    %dma_start3A_116 = arith.constant 0 : i32
    %dma_start3A_117 = arith.constant 0 : i32
    %dma_start3A_118 = tpu.memref_slice %arg2[%dma_start3A_116, %dma_start3A_117] : memref<4096x64xf32, #tpu.memory_space<hbm>> -> memref<4096x64xf32, #tpu.memory_space<hbm>>
    tpu.enqueue_indirect_dma source(%dma_start3A_118 : memref<4096x64xf32, #tpu.memory_space<hbm>>) target(%arg6 : memref<160x64xf32, #tpu.memory_space<vmem>>) offsets(%dma_start3A_115 : memref<160xi32, #tpu.memory_space<vmem>>) semaphore(%arg8 : memref<!tpu.dma_semaphore, #tpu.memory_space<semaphore_mem>>)
    %dma_wait3A_119 = arith.constant 1440 : i32
    %dma_wait3A_120 = tpu.memref_slice %arg5[%dma_wait3A_119] : memref<2560xi32, #tpu.memory_space<vmem>> -> memref<160xi32, #tpu.memory_space<vmem>>
    %dma_wait3A_121 = arith.constant 0 : i32
    %dma_wait3A_122 = arith.constant 0 : i32
    %dma_wait3A_123 = tpu.memref_slice %arg2[%dma_wait3A_121, %dma_wait3A_122] : memref<4096x64xf32, #tpu.memory_space<hbm>> -> memref<4096x64xf32, #tpu.memory_space<hbm>>
    tpu.wait_indirect_dma semaphore(%arg9 : memref<!tpu.dma_semaphore, #tpu.memory_space<semaphore_mem>>) src(%dma_wait3A_123 : memref<4096x64xf32, #tpu.memory_space<hbm>>) dst(%arg7 : memref<160x64xf32, #tpu.memory_space<vmem>>)
    %add3A_124 = arith.constant 1440 : i32
    %add3A_125 = arith.addi %mul3A_2, %add3A_124 : i32
    "tpu.region"() ({
      %run_scoped3A = tpu.sem_alloc : memref<!tpu.dma_semaphore, #tpu.memory_space<semaphore_mem>>
      %dma_start3A_193 = arith.constant 0 : i32
      %dma_start3A_194 = tpu.memref_slice %arg4[%add3A_125, %dma_start3A_193] : memref<81920x64xf32, #tpu.memory_space<hbm>> -> memref<160x64xf32, #tpu.memory_space<hbm>>
      %dma_start3A_195 = arith.constant 0 : i32
      %dma_start3A_196 = tpu.memref_slice %arg4[%add3A_125, %dma_start3A_195] : memref<81920x64xf32, #tpu.memory_space<hbm>> -> memref<160x64xf32, #tpu.memory_space<hbm>>
      tpu.enqueue_dma source(%arg7 : memref<160x64xf32, #tpu.memory_space<vmem>>) target(%dma_start3A_196 : memref<160x64xf32, #tpu.memory_space<hbm>>) target_semaphore(%run_scoped3A : memref<!tpu.dma_semaphore, #tpu.memory_space<semaphore_mem>>)
      %dma_wait3A_197 = arith.constant 0 : i32
      %dma_wait3A_198 = tpu.memref_slice %arg4[%add3A_125, %dma_wait3A_197] : memref<81920x64xf32, #tpu.memory_space<hbm>> -> memref<160x64xf32, #tpu.memory_space<hbm>>
      %dma_wait3A_199 = arith.constant 0 : i32
      %dma_wait3A_200 = tpu.memref_slice %arg4[%add3A_125, %dma_wait3A_199] : memref<81920x64xf32, #tpu.memory_space<hbm>> -> memref<160x64xf32, #tpu.memory_space<hbm>>
      tpu.wait_dma2 semaphore(%run_scoped3A : memref<!tpu.dma_semaphore, #tpu.memory_space<semaphore_mem>>) src(%arg7 : memref<160x64xf32, #tpu.memory_space<vmem>>) dst(%dma_wait3A_200 : memref<160x64xf32, #tpu.memory_space<hbm>>)
      tpu.yield
    }) : () -> ()
    %dma_start3A_126 = arith.constant 1760 : i32
    %dma_start3A_127 = tpu.memref_slice %arg5[%dma_start3A_126] : memref<2560xi32, #tpu.memory_space<vmem>> -> memref<160xi32, #tpu.memory_space<vmem>>
    %dma_start3A_128 = arith.constant 0 : i32
    %dma_start3A_129 = arith.constant 0 : i32
    %dma_start3A_130 = tpu.memref_slice %arg2[%dma_start3A_128, %dma_start3A_129] : memref<4096x64xf32, #tpu.memory_space<hbm>> -> memref<4096x64xf32, #tpu.memory_space<hbm>>
    tpu.enqueue_indirect_dma source(%dma_start3A_130 : memref<4096x64xf32, #tpu.memory_space<hbm>>) target(%arg7 : memref<160x64xf32, #tpu.memory_space<vmem>>) offsets(%dma_start3A_127 : memref<160xi32, #tpu.memory_space<vmem>>) semaphore(%arg9 : memref<!tpu.dma_semaphore, #tpu.memory_space<semaphore_mem>>)
    %dma_wait3A_131 = arith.constant 1600 : i32
    %dma_wait3A_132 = tpu.memref_slice %arg5[%dma_wait3A_131] : memref<2560xi32, #tpu.memory_space<vmem>> -> memref<160xi32, #tpu.memory_space<vmem>>
    %dma_wait3A_133 = arith.constant 0 : i32
    %dma_wait3A_134 = arith.constant 0 : i32
    %dma_wait3A_135 = tpu.memref_slice %arg2[%dma_wait3A_133, %dma_wait3A_134] : memref<4096x64xf32, #tpu.memory_space<hbm>> -> memref<4096x64xf32, #tpu.memory_space<hbm>>
    tpu.wait_indirect_dma semaphore(%arg8 : memref<!tpu.dma_semaphore, #tpu.memory_space<semaphore_mem>>) src(%dma_wait3A_135 : memref<4096x64xf32, #tpu.memory_space<hbm>>) dst(%arg6 : memref<160x64xf32, #tpu.memory_space<vmem>>)
    %add3A_136 = arith.constant 1600 : i32
    %add3A_137 = arith.addi %mul3A_2, %add3A_136 : i32
    "tpu.region"() ({
      %run_scoped3A = tpu.sem_alloc : memref<!tpu.dma_semaphore, #tpu.memory_space<semaphore_mem>>
      %dma_start3A_193 = arith.constant 0 : i32
      %dma_start3A_194 = tpu.memref_slice %arg4[%add3A_137, %dma_start3A_193] : memref<81920x64xf32, #tpu.memory_space<hbm>> -> memref<160x64xf32, #tpu.memory_space<hbm>>
      %dma_start3A_195 = arith.constant 0 : i32
      %dma_start3A_196 = tpu.memref_slice %arg4[%add3A_137, %dma_start3A_195] : memref<81920x64xf32, #tpu.memory_space<hbm>> -> memref<160x64xf32, #tpu.memory_space<hbm>>
      tpu.enqueue_dma source(%arg6 : memref<160x64xf32, #tpu.memory_space<vmem>>) target(%dma_start3A_196 : memref<160x64xf32, #tpu.memory_space<hbm>>) target_semaphore(%run_scoped3A : memref<!tpu.dma_semaphore, #tpu.memory_space<semaphore_mem>>)
      %dma_wait3A_197 = arith.constant 0 : i32
      %dma_wait3A_198 = tpu.memref_slice %arg4[%add3A_137, %dma_wait3A_197] : memref<81920x64xf32, #tpu.memory_space<hbm>> -> memref<160x64xf32, #tpu.memory_space<hbm>>
      %dma_wait3A_199 = arith.constant 0 : i32
      %dma_wait3A_200 = tpu.memref_slice %arg4[%add3A_137, %dma_wait3A_199] : memref<81920x64xf32, #tpu.memory_space<hbm>> -> memref<160x64xf32, #tpu.memory_space<hbm>>
      tpu.wait_dma2 semaphore(%run_scoped3A : memref<!tpu.dma_semaphore, #tpu.memory_space<semaphore_mem>>) src(%arg6 : memref<160x64xf32, #tpu.memory_space<vmem>>) dst(%dma_wait3A_200 : memref<160x64xf32, #tpu.memory_space<hbm>>)
      tpu.yield
    }) : () -> ()
    %dma_start3A_138 = arith.constant 1920 : i32
    %dma_start3A_139 = tpu.memref_slice %arg5[%dma_start3A_138] : memref<2560xi32, #tpu.memory_space<vmem>> -> memref<160xi32, #tpu.memory_space<vmem>>
    %dma_start3A_140 = arith.constant 0 : i32
    %dma_start3A_141 = arith.constant 0 : i32
    %dma_start3A_142 = tpu.memref_slice %arg2[%dma_start3A_140, %dma_start3A_141] : memref<4096x64xf32, #tpu.memory_space<hbm>> -> memref<4096x64xf32, #tpu.memory_space<hbm>>
    tpu.enqueue_indirect_dma source(%dma_start3A_142 : memref<4096x64xf32, #tpu.memory_space<hbm>>) target(%arg6 : memref<160x64xf32, #tpu.memory_space<vmem>>) offsets(%dma_start3A_139 : memref<160xi32, #tpu.memory_space<vmem>>) semaphore(%arg8 : memref<!tpu.dma_semaphore, #tpu.memory_space<semaphore_mem>>)
    %dma_wait3A_143 = arith.constant 1760 : i32
    %dma_wait3A_144 = tpu.memref_slice %arg5[%dma_wait3A_143] : memref<2560xi32, #tpu.memory_space<vmem>> -> memref<160xi32, #tpu.memory_space<vmem>>
    %dma_wait3A_145 = arith.constant 0 : i32
    %dma_wait3A_146 = arith.constant 0 : i32
    %dma_wait3A_147 = tpu.memref_slice %arg2[%dma_wait3A_145, %dma_wait3A_146] : memref<4096x64xf32, #tpu.memory_space<hbm>> -> memref<4096x64xf32, #tpu.memory_space<hbm>>
    tpu.wait_indirect_dma semaphore(%arg9 : memref<!tpu.dma_semaphore, #tpu.memory_space<semaphore_mem>>) src(%dma_wait3A_147 : memref<4096x64xf32, #tpu.memory_space<hbm>>) dst(%arg7 : memref<160x64xf32, #tpu.memory_space<vmem>>)
    %add3A_148 = arith.constant 1760 : i32
    %add3A_149 = arith.addi %mul3A_2, %add3A_148 : i32
    "tpu.region"() ({
      %run_scoped3A = tpu.sem_alloc : memref<!tpu.dma_semaphore, #tpu.memory_space<semaphore_mem>>
      %dma_start3A_193 = arith.constant 0 : i32
      %dma_start3A_194 = tpu.memref_slice %arg4[%add3A_149, %dma_start3A_193] : memref<81920x64xf32, #tpu.memory_space<hbm>> -> memref<160x64xf32, #tpu.memory_space<hbm>>
      %dma_start3A_195 = arith.constant 0 : i32
      %dma_start3A_196 = tpu.memref_slice %arg4[%add3A_149, %dma_start3A_195] : memref<81920x64xf32, #tpu.memory_space<hbm>> -> memref<160x64xf32, #tpu.memory_space<hbm>>
      tpu.enqueue_dma source(%arg7 : memref<160x64xf32, #tpu.memory_space<vmem>>) target(%dma_start3A_196 : memref<160x64xf32, #tpu.memory_space<hbm>>) target_semaphore(%run_scoped3A : memref<!tpu.dma_semaphore, #tpu.memory_space<semaphore_mem>>)
      %dma_wait3A_197 = arith.constant 0 : i32
      %dma_wait3A_198 = tpu.memref_slice %arg4[%add3A_149, %dma_wait3A_197] : memref<81920x64xf32, #tpu.memory_space<hbm>> -> memref<160x64xf32, #tpu.memory_space<hbm>>
      %dma_wait3A_199 = arith.constant 0 : i32
      %dma_wait3A_200 = tpu.memref_slice %arg4[%add3A_149, %dma_wait3A_199] : memref<81920x64xf32, #tpu.memory_space<hbm>> -> memref<160x64xf32, #tpu.memory_space<hbm>>
      tpu.wait_dma2 semaphore(%run_scoped3A : memref<!tpu.dma_semaphore, #tpu.memory_space<semaphore_mem>>) src(%arg7 : memref<160x64xf32, #tpu.memory_space<vmem>>) dst(%dma_wait3A_200 : memref<160x64xf32, #tpu.memory_space<hbm>>)
      tpu.yield
    }) : () -> ()
    %dma_start3A_150 = arith.constant 2080 : i32
    %dma_start3A_151 = tpu.memref_slice %arg5[%dma_start3A_150] : memref<2560xi32, #tpu.memory_space<vmem>> -> memref<160xi32, #tpu.memory_space<vmem>>
    %dma_start3A_152 = arith.constant 0 : i32
    %dma_start3A_153 = arith.constant 0 : i32
    %dma_start3A_154 = tpu.memref_slice %arg2[%dma_start3A_152, %dma_start3A_153] : memref<4096x64xf32, #tpu.memory_space<hbm>> -> memref<4096x64xf32, #tpu.memory_space<hbm>>
    tpu.enqueue_indirect_dma source(%dma_start3A_154 : memref<4096x64xf32, #tpu.memory_space<hbm>>) target(%arg7 : memref<160x64xf32, #tpu.memory_space<vmem>>) offsets(%dma_start3A_151 : memref<160xi32, #tpu.memory_space<vmem>>) semaphore(%arg9 : memref<!tpu.dma_semaphore, #tpu.memory_space<semaphore_mem>>)
    %dma_wait3A_155 = arith.constant 1920 : i32
    %dma_wait3A_156 = tpu.memref_slice %arg5[%dma_wait3A_155] : memref<2560xi32, #tpu.memory_space<vmem>> -> memref<160xi32, #tpu.memory_space<vmem>>
    %dma_wait3A_157 = arith.constant 0 : i32
    %dma_wait3A_158 = arith.constant 0 : i32
    %dma_wait3A_159 = tpu.memref_slice %arg2[%dma_wait3A_157, %dma_wait3A_158] : memref<4096x64xf32, #tpu.memory_space<hbm>> -> memref<4096x64xf32, #tpu.memory_space<hbm>>
    tpu.wait_indirect_dma semaphore(%arg8 : memref<!tpu.dma_semaphore, #tpu.memory_space<semaphore_mem>>) src(%dma_wait3A_159 : memref<4096x64xf32, #tpu.memory_space<hbm>>) dst(%arg6 : memref<160x64xf32, #tpu.memory_space<vmem>>)
    %add3A_160 = arith.constant 1920 : i32
    %add3A_161 = arith.addi %mul3A_2, %add3A_160 : i32
    "tpu.region"() ({
      %run_scoped3A = tpu.sem_alloc : memref<!tpu.dma_semaphore, #tpu.memory_space<semaphore_mem>>
      %dma_start3A_193 = arith.constant 0 : i32
      %dma_start3A_194 = tpu.memref_slice %arg4[%add3A_161, %dma_start3A_193] : memref<81920x64xf32, #tpu.memory_space<hbm>> -> memref<160x64xf32, #tpu.memory_space<hbm>>
      %dma_start3A_195 = arith.constant 0 : i32
      %dma_start3A_196 = tpu.memref_slice %arg4[%add3A_161, %dma_start3A_195] : memref<81920x64xf32, #tpu.memory_space<hbm>> -> memref<160x64xf32, #tpu.memory_space<hbm>>
      tpu.enqueue_dma source(%arg6 : memref<160x64xf32, #tpu.memory_space<vmem>>) target(%dma_start3A_196 : memref<160x64xf32, #tpu.memory_space<hbm>>) target_semaphore(%run_scoped3A : memref<!tpu.dma_semaphore, #tpu.memory_space<semaphore_mem>>)
      %dma_wait3A_197 = arith.constant 0 : i32
      %dma_wait3A_198 = tpu.memref_slice %arg4[%add3A_161, %dma_wait3A_197] : memref<81920x64xf32, #tpu.memory_space<hbm>> -> memref<160x64xf32, #tpu.memory_space<hbm>>
      %dma_wait3A_199 = arith.constant 0 : i32
      %dma_wait3A_200 = tpu.memref_slice %arg4[%add3A_161, %dma_wait3A_199] : memref<81920x64xf32, #tpu.memory_space<hbm>> -> memref<160x64xf32, #tpu.memory_space<hbm>>
      tpu.wait_dma2 semaphore(%run_scoped3A : memref<!tpu.dma_semaphore, #tpu.memory_space<semaphore_mem>>) src(%arg6 : memref<160x64xf32, #tpu.memory_space<vmem>>) dst(%dma_wait3A_200 : memref<160x64xf32, #tpu.memory_space<hbm>>)
      tpu.yield
    }) : () -> ()
    %dma_start3A_162 = arith.constant 2240 : i32
    %dma_start3A_163 = tpu.memref_slice %arg5[%dma_start3A_162] : memref<2560xi32, #tpu.memory_space<vmem>> -> memref<160xi32, #tpu.memory_space<vmem>>
    %dma_start3A_164 = arith.constant 0 : i32
    %dma_start3A_165 = arith.constant 0 : i32
    %dma_start3A_166 = tpu.memref_slice %arg2[%dma_start3A_164, %dma_start3A_165] : memref<4096x64xf32, #tpu.memory_space<hbm>> -> memref<4096x64xf32, #tpu.memory_space<hbm>>
    tpu.enqueue_indirect_dma source(%dma_start3A_166 : memref<4096x64xf32, #tpu.memory_space<hbm>>) target(%arg6 : memref<160x64xf32, #tpu.memory_space<vmem>>) offsets(%dma_start3A_163 : memref<160xi32, #tpu.memory_space<vmem>>) semaphore(%arg8 : memref<!tpu.dma_semaphore, #tpu.memory_space<semaphore_mem>>)
    %dma_wait3A_167 = arith.constant 2080 : i32
    %dma_wait3A_168 = tpu.memref_slice %arg5[%dma_wait3A_167] : memref<2560xi32, #tpu.memory_space<vmem>> -> memref<160xi32, #tpu.memory_space<vmem>>
    %dma_wait3A_169 = arith.constant 0 : i32
    %dma_wait3A_170 = arith.constant 0 : i32
    %dma_wait3A_171 = tpu.memref_slice %arg2[%dma_wait3A_169, %dma_wait3A_170] : memref<4096x64xf32, #tpu.memory_space<hbm>> -> memref<4096x64xf32, #tpu.memory_space<hbm>>
    tpu.wait_indirect_dma semaphore(%arg9 : memref<!tpu.dma_semaphore, #tpu.memory_space<semaphore_mem>>) src(%dma_wait3A_171 : memref<4096x64xf32, #tpu.memory_space<hbm>>) dst(%arg7 : memref<160x64xf32, #tpu.memory_space<vmem>>)
    %add3A_172 = arith.constant 2080 : i32
    %add3A_173 = arith.addi %mul3A_2, %add3A_172 : i32
    "tpu.region"() ({
      %run_scoped3A = tpu.sem_alloc : memref<!tpu.dma_semaphore, #tpu.memory_space<semaphore_mem>>
      %dma_start3A_193 = arith.constant 0 : i32
      %dma_start3A_194 = tpu.memref_slice %arg4[%add3A_173, %dma_start3A_193] : memref<81920x64xf32, #tpu.memory_space<hbm>> -> memref<160x64xf32, #tpu.memory_space<hbm>>
      %dma_start3A_195 = arith.constant 0 : i32
      %dma_start3A_196 = tpu.memref_slice %arg4[%add3A_173, %dma_start3A_195] : memref<81920x64xf32, #tpu.memory_space<hbm>> -> memref<160x64xf32, #tpu.memory_space<hbm>>
      tpu.enqueue_dma source(%arg7 : memref<160x64xf32, #tpu.memory_space<vmem>>) target(%dma_start3A_196 : memref<160x64xf32, #tpu.memory_space<hbm>>) target_semaphore(%run_scoped3A : memref<!tpu.dma_semaphore, #tpu.memory_space<semaphore_mem>>)
      %dma_wait3A_197 = arith.constant 0 : i32
      %dma_wait3A_198 = tpu.memref_slice %arg4[%add3A_173, %dma_wait3A_197] : memref<81920x64xf32, #tpu.memory_space<hbm>> -> memref<160x64xf32, #tpu.memory_space<hbm>>
      %dma_wait3A_199 = arith.constant 0 : i32
      %dma_wait3A_200 = tpu.memref_slice %arg4[%add3A_173, %dma_wait3A_199] : memref<81920x64xf32, #tpu.memory_space<hbm>> -> memref<160x64xf32, #tpu.memory_space<hbm>>
      tpu.wait_dma2 semaphore(%run_scoped3A : memref<!tpu.dma_semaphore, #tpu.memory_space<semaphore_mem>>) src(%arg7 : memref<160x64xf32, #tpu.memory_space<vmem>>) dst(%dma_wait3A_200 : memref<160x64xf32, #tpu.memory_space<hbm>>)
      tpu.yield
    }) : () -> ()
    %dma_start3A_174 = arith.constant 2400 : i32
    %dma_start3A_175 = tpu.memref_slice %arg5[%dma_start3A_174] : memref<2560xi32, #tpu.memory_space<vmem>> -> memref<160xi32, #tpu.memory_space<vmem>>
    %dma_start3A_176 = arith.constant 0 : i32
    %dma_start3A_177 = arith.constant 0 : i32
    %dma_start3A_178 = tpu.memref_slice %arg2[%dma_start3A_176, %dma_start3A_177] : memref<4096x64xf32, #tpu.memory_space<hbm>> -> memref<4096x64xf32, #tpu.memory_space<hbm>>
    tpu.enqueue_indirect_dma source(%dma_start3A_178 : memref<4096x64xf32, #tpu.memory_space<hbm>>) target(%arg7 : memref<160x64xf32, #tpu.memory_space<vmem>>) offsets(%dma_start3A_175 : memref<160xi32, #tpu.memory_space<vmem>>) semaphore(%arg9 : memref<!tpu.dma_semaphore, #tpu.memory_space<semaphore_mem>>)
    %dma_wait3A_179 = arith.constant 2240 : i32
    %dma_wait3A_180 = tpu.memref_slice %arg5[%dma_wait3A_179] : memref<2560xi32, #tpu.memory_space<vmem>> -> memref<160xi32, #tpu.memory_space<vmem>>
    %dma_wait3A_181 = arith.constant 0 : i32
    %dma_wait3A_182 = arith.constant 0 : i32
    %dma_wait3A_183 = tpu.memref_slice %arg2[%dma_wait3A_181, %dma_wait3A_182] : memref<4096x64xf32, #tpu.memory_space<hbm>> -> memref<4096x64xf32, #tpu.memory_space<hbm>>
    tpu.wait_indirect_dma semaphore(%arg8 : memref<!tpu.dma_semaphore, #tpu.memory_space<semaphore_mem>>) src(%dma_wait3A_183 : memref<4096x64xf32, #tpu.memory_space<hbm>>) dst(%arg6 : memref<160x64xf32, #tpu.memory_space<vmem>>)
    %add3A_184 = arith.constant 2240 : i32
    %add3A_185 = arith.addi %mul3A_2, %add3A_184 : i32
    "tpu.region"() ({
      %run_scoped3A = tpu.sem_alloc : memref<!tpu.dma_semaphore, #tpu.memory_space<semaphore_mem>>
      %dma_start3A_193 = arith.constant 0 : i32
      %dma_start3A_194 = tpu.memref_slice %arg4[%add3A_185, %dma_start3A_193] : memref<81920x64xf32, #tpu.memory_space<hbm>> -> memref<160x64xf32, #tpu.memory_space<hbm>>
      %dma_start3A_195 = arith.constant 0 : i32
      %dma_start3A_196 = tpu.memref_slice %arg4[%add3A_185, %dma_start3A_195] : memref<81920x64xf32, #tpu.memory_space<hbm>> -> memref<160x64xf32, #tpu.memory_space<hbm>>
      tpu.enqueue_dma source(%arg6 : memref<160x64xf32, #tpu.memory_space<vmem>>) target(%dma_start3A_196 : memref<160x64xf32, #tpu.memory_space<hbm>>) target_semaphore(%run_scoped3A : memref<!tpu.dma_semaphore, #tpu.memory_space<semaphore_mem>>)
      %dma_wait3A_197 = arith.constant 0 : i32
      %dma_wait3A_198 = tpu.memref_slice %arg4[%add3A_185, %dma_wait3A_197] : memref<81920x64xf32, #tpu.memory_space<hbm>> -> memref<160x64xf32, #tpu.memory_space<hbm>>
      %dma_wait3A_199 = arith.constant 0 : i32
      %dma_wait3A_200 = tpu.memref_slice %arg4[%add3A_185, %dma_wait3A_199] : memref<81920x64xf32, #tpu.memory_space<hbm>> -> memref<160x64xf32, #tpu.memory_space<hbm>>
      tpu.wait_dma2 semaphore(%run_scoped3A : memref<!tpu.dma_semaphore, #tpu.memory_space<semaphore_mem>>) src(%arg6 : memref<160x64xf32, #tpu.memory_space<vmem>>) dst(%dma_wait3A_200 : memref<160x64xf32, #tpu.memory_space<hbm>>)
      tpu.yield
    }) : () -> ()
    %dma_wait3A_186 = arith.constant 2400 : i32
    %dma_wait3A_187 = tpu.memref_slice %arg5[%dma_wait3A_186] : memref<2560xi32, #tpu.memory_space<vmem>> -> memref<160xi32, #tpu.memory_space<vmem>>
    %dma_wait3A_188 = arith.constant 0 : i32
    %dma_wait3A_189 = arith.constant 0 : i32
    %dma_wait3A_190 = tpu.memref_slice %arg2[%dma_wait3A_188, %dma_wait3A_189] : memref<4096x64xf32, #tpu.memory_space<hbm>> -> memref<4096x64xf32, #tpu.memory_space<hbm>>
    tpu.wait_indirect_dma semaphore(%arg9 : memref<!tpu.dma_semaphore, #tpu.memory_space<semaphore_mem>>) src(%dma_wait3A_190 : memref<4096x64xf32, #tpu.memory_space<hbm>>) dst(%arg7 : memref<160x64xf32, #tpu.memory_space<vmem>>)
    %add3A_191 = arith.constant 2400 : i32
    %add3A_192 = arith.addi %mul3A_2, %add3A_191 : i32
    "tpu.region"() ({
      %run_scoped3A = tpu.sem_alloc : memref<!tpu.dma_semaphore, #tpu.memory_space<semaphore_mem>>
      %dma_start3A_193 = arith.constant 0 : i32
      %dma_start3A_194 = tpu.memref_slice %arg4[%add3A_192, %dma_start3A_193] : memref<81920x64xf32, #tpu.memory_space<hbm>> -> memref<160x64xf32, #tpu.memory_space<hbm>>
      %dma_start3A_195 = arith.constant 0 : i32
      %dma_start3A_196 = tpu.memref_slice %arg4[%add3A_192, %dma_start3A_195] : memref<81920x64xf32, #tpu.memory_space<hbm>> -> memref<160x64xf32, #tpu.memory_space<hbm>>
      tpu.enqueue_dma source(%arg7 : memref<160x64xf32, #tpu.memory_space<vmem>>) target(%dma_start3A_196 : memref<160x64xf32, #tpu.memory_space<hbm>>) target_semaphore(%run_scoped3A : memref<!tpu.dma_semaphore, #tpu.memory_space<semaphore_mem>>)
      %dma_wait3A_197 = arith.constant 0 : i32
      %dma_wait3A_198 = tpu.memref_slice %arg4[%add3A_192, %dma_wait3A_197] : memref<81920x64xf32, #tpu.memory_space<hbm>> -> memref<160x64xf32, #tpu.memory_space<hbm>>
      %dma_wait3A_199 = arith.constant 0 : i32
      %dma_wait3A_200 = tpu.memref_slice %arg4[%add3A_192, %dma_wait3A_199] : memref<81920x64xf32, #tpu.memory_space<hbm>> -> memref<160x64xf32, #tpu.memory_space<hbm>>
      tpu.wait_dma2 semaphore(%run_scoped3A : memref<!tpu.dma_semaphore, #tpu.memory_space<semaphore_mem>>) src(%arg7 : memref<160x64xf32, #tpu.memory_space<vmem>>) dst(%dma_wait3A_200 : memref<160x64xf32, #tpu.memory_space<hbm>>)
      tpu.yield
    }) : () -> ()
    return
  }
}

module attributes {stable_mosaic.version = 14 : i64} {
  func.func @_knn1_body(%arg0: i32, %arg1: memref<1x1024x3xf32, #tpu.memory_space<vmem>>, %arg2: memref<3x64xf32, #tpu.memory_space<vmem>>, %arg3: memref<3x64xf32, #tpu.memory_space<vmem>>, %arg4: memref<1x64xf32, #tpu.memory_space<vmem>>, %arg5: memref<1x1024x20xi32, #tpu.memory_space<vmem>>, %arg6: memref<1x1024x64xf32, #tpu.memory_space<vmem>>, %arg7: memref<1x1024x64xf32, #tpu.memory_space<vmem>>, %arg8: memref<1024x1024xi32, #tpu.memory_space<vmem>>, %arg9: memref<1024x32xi32, #tpu.memory_space<vmem>>, %arg10: memref<1024x1xi32, #tpu.memory_space<vmem>>) attributes {dimension_semantics = [#tpu.dimension_semantics<arbitrary>], iteration_bounds = array<i64: 4>, scalar_prefetch = 0 : i64, scratch_operands = 3 : i64, tpu.core_type = #tpu.core_type<tc>, window_params = [{transform_indices = @transform_0, window_bounds = array<i64: 1, 1024, 3>}, {pipeline_mode = #tpu.pipeline_mode<synchronous>, transform_indices = @transform_1, window_bounds = array<i64: 3, 64>}, {pipeline_mode = #tpu.pipeline_mode<synchronous>, transform_indices = @transform_2, window_bounds = array<i64: 3, 64>}, {pipeline_mode = #tpu.pipeline_mode<synchronous>, transform_indices = @transform_3, window_bounds = array<i64: 1, 64>}, {transform_indices = @transform_4, window_bounds = array<i64: 1, 1024, 20>}, {transform_indices = @transform_5, window_bounds = array<i64: 1, 1024, 64>}, {transform_indices = @transform_6, window_bounds = array<i64: 1, 1024, 64>}]} {
    %get3A = arith.constant 0 : index
    %get3A_0 = arith.constant 0 : index
    %get3A_1 = arith.constant 0 : index
    %get3A_2 = vector.load %arg1[%get3A, %get3A_0, %get3A_1] : memref<1x1024x3xf32, #tpu.memory_space<vmem>>, vector<1x1024x3xf32>
    %get3A_3 = vector.shape_cast %get3A_2 : vector<1x1024x3xf32> to vector<1024x3xf32>
    %mul3A = arith.mulf %get3A_3, %get3A_3 : vector<1024x3xf32>
    %reduce_sum3A = arith.constant dense<0.000000e+00> : vector<1024xf32>
    %reduce_sum3A_4 = vector.multi_reduction <add>, %mul3A, %reduce_sum3A [1] : vector<1024x3xf32> to vector<1024xf32>
    %broadcast_in_dim3A = vector.shape_cast %reduce_sum3A_4 : vector<1024xf32> to vector<1024x1xf32>
    %broadcast_in_dim3A_5 = arith.constant 1.000000e+00 : f32
    %broadcast_in_dim3A_6 = vector.broadcast %broadcast_in_dim3A_5 : f32 to vector<1024x1xf32>
    %concatenate3A = tpu.concatenate %get3A_3, %broadcast_in_dim3A_6 in 1 : vector<1024x3xf32>, vector<1024x1xf32> -> vector<1024x4xf32>
    %mul3A_7 = arith.constant -5.000000e-01 : f32
    %mul3A_8 = vector.broadcast %mul3A_7 : f32 to vector<1024x1xf32>
    %mul3A_9 = arith.mulf %mul3A_8, %broadcast_in_dim3A : vector<1024x1xf32>
    %concatenate3A_10 = tpu.concatenate %get3A_3, %mul3A_9 in 1 : vector<1024x3xf32>, vector<1024x1xf32> -> vector<1024x4xf32>
    %dot_general3A = arith.constant dense<0.000000e+00> : vector<1024x1024xf32>
    %dot_general3A_11 = tpu.matmul %concatenate3A, %concatenate3A_10, %dot_general3A {dimension_numbers = #tpu.dot_dimension_numbers<[1], [1], [0], [0], [0, 0, 1, 0], [], []>, transpose_lhs_hint = false} : vector<1024x4xf32>, vector<1024x4xf32>, vector<1024x1024xf32> -> vector<1024x1024xf32>
    %mul3A_12 = arith.constant -2.000000e+00 : f32
    %mul3A_13 = vector.broadcast %mul3A_12 : f32 to vector<1024x1024xf32>
    %mul3A_14 = arith.mulf %mul3A_13, %dot_general3A_11 : vector<1024x1024xf32>
    %bitcast_convert_type3A = tpu.bitcast %mul3A_14 : vector<1024x1024xf32> -> vector<1024x1024xi32>
    %lt3A = arith.constant 0 : i32
    %lt3A_15 = vector.broadcast %lt3A : i32 to vector<1024x1024xi32>
    %lt3A_16 = arith.cmpi slt, %bitcast_convert_type3A, %lt3A_15 : vector<1024x1024xi32>
    %xor3A = arith.constant 2147483647 : i32
    %xor3A_17 = vector.broadcast %xor3A : i32 to vector<1024x1024xi32>
    %xor3A_18 = arith.xori %bitcast_convert_type3A, %xor3A_17 : vector<1024x1024xi32>
    %select_n3A = arith.select %lt3A_16, %xor3A_18, %bitcast_convert_type3A : vector<1024x1024xi1>, vector<1024x1024xi32>
    %iota3A = tpu.iota {dimensions = array<i32: 1>} : vector<1024x1024xi32>
    %and3A = arith.constant -1024 : i32
    %and3A_19 = vector.broadcast %and3A : i32 to vector<1024x1024xi32>
    %and3A_20 = arith.andi %select_n3A, %and3A_19 : vector<1024x1024xi32>
    %or3A = arith.ori %and3A_20, %iota3A : vector<1024x1024xi32>
    %swap3A = arith.constant 0 : index
    %swap3A_21 = arith.constant 0 : index
    %swap3A_22 = vector.load %arg8[%swap3A, %swap3A_21] : memref<1024x1024xi32, #tpu.memory_space<vmem>>, vector<1024x1024xi32>
    tpu.vector_store %arg8[%swap3A, %swap3A_21], %or3A {strides = array<i32>} : memref<1024x1024xi32, #tpu.memory_space<vmem>>, vector<1024x1024xi32>,
    %iota3A_23 = tpu.iota {dimensions = array<i32: 1>} : vector<1024x32xi32>
    %get3A_24 = arith.constant 0 : index
    %get3A_25 = arith.constant 0 : index
    %get3A_26 = vector.load %arg8[%get3A_24, %get3A_25] : memref<1024x1024xi32, #tpu.memory_space<vmem>>, vector<1024x1024xi32>
    %reduce_min3A = arith.constant dense<2147483647> : vector<1024xi32>
    %reduce_min3A_27 = vector.multi_reduction <minsi>, %get3A_26, %reduce_min3A [1] : vector<1024x1024xi32> to vector<1024xi32>
    %broadcast_in_dim3A_28 = vector.shape_cast %reduce_min3A_27 : vector<1024xi32> to vector<1024x1xi32>
    %swap3A_29 = arith.constant 0 : index
    %swap3A_30 = arith.constant 0 : index
    %swap3A_31 = vector.load %arg10[%swap3A_29, %swap3A_30] : memref<1024x1xi32, #tpu.memory_space<vmem>>, vector<1024x1xi32>
    tpu.vector_store %arg10[%swap3A_29, %swap3A_30], %broadcast_in_dim3A_28 {strides = array<i32>} : memref<1024x1xi32, #tpu.memory_space<vmem>>, vector<1024x1xi32>,
    %eq3A = arith.constant 0 : i32
    %eq3A_32 = vector.broadcast %eq3A : i32 to vector<1024x32xi32>
    %eq3A_33 = arith.cmpi eq, %iota3A_23, %eq3A_32 : vector<1024x32xi32>
    %and3A_34 = arith.constant 1023 : i32
    %and3A_35 = vector.broadcast %and3A_34 : i32 to vector<1024x1xi32>
    %and3A_36 = arith.andi %broadcast_in_dim3A_28, %and3A_35 : vector<1024x1xi32>
    %get3A_37 = arith.constant 0 : index
    %get3A_38 = arith.constant 0 : index
    %get3A_39 = vector.load %arg9[%get3A_37, %get3A_38] : memref<1024x32xi32, #tpu.memory_space<vmem>>, vector<1024x32xi32>
    %broadcast_in_dim3A_40 = vector.shape_cast %and3A_36 : vector<1024x1xi32> to vector<1024x1xi32>
    %broadcast_in_dim3A_41 = vector.broadcast %broadcast_in_dim3A_40 : vector<1024x1xi32> to vector<1024x32xi32>
    %select_n3A_42 = arith.select %eq3A_33, %broadcast_in_dim3A_41, %get3A_39 : vector<1024x32xi1>, vector<1024x32xi32>
    %swap3A_43 = arith.constant 0 : index
    %swap3A_44 = arith.constant 0 : index
    %swap3A_45 = vector.load %arg9[%swap3A_43, %swap3A_44] : memref<1024x32xi32, #tpu.memory_space<vmem>>, vector<1024x32xi32>
    tpu.vector_store %arg9[%swap3A_43, %swap3A_44], %select_n3A_42 {strides = array<i32>} : memref<1024x32xi32, #tpu.memory_space<vmem>>, vector<1024x32xi32>,
    %scan3A = arith.constant 2147483647 : i32
    %scan3A_46 = arith.constant 1 : i32
    %scan3A_47 = arith.constant 19 : i32
    %scan3A_48 = arith.addi %scan3A_46, %scan3A_47 : i32
    %scan3A_49 = arith.constant 1 : i32
    scf.for %scan3A_90 = %scan3A_46 to %scan3A_48 step %scan3A_49  : i32 {
      %get3A_91 = arith.constant 0 : index
      %get3A_92 = arith.constant 0 : index
      %get3A_93 = vector.load %arg8[%get3A_91, %get3A_92] : memref<1024x1024xi32, #tpu.memory_space<vmem>>, vector<1024x1024xi32>
      %get3A_94 = arith.constant 0 : index
      %get3A_95 = arith.constant 0 : index
      %get3A_96 = vector.load %arg10[%get3A_94, %get3A_95] : memref<1024x1xi32, #tpu.memory_space<vmem>>, vector<1024x1xi32>
      %gt3A = vector.broadcast %get3A_96 : vector<1024x1xi32> to vector<1024x1024xi32>
      %gt3A_97 = arith.cmpi sgt, %get3A_93, %gt3A : vector<1024x1024xi32>
      %broadcast_in_dim3A_98 = vector.broadcast %scan3A : i32 to vector<1024x1024xi32>
      %select_n3A_99 = arith.select %gt3A_97, %get3A_93, %broadcast_in_dim3A_98 : vector<1024x1024xi1>, vector<1024x1024xi32>
      %reduce_min3A_100 = arith.constant dense<2147483647> : vector<1024xi32>
      %reduce_min3A_101 = vector.multi_reduction <minsi>, %select_n3A_99, %reduce_min3A_100 [1] : vector<1024x1024xi32> to vector<1024xi32>
      %broadcast_in_dim3A_102 = vector.shape_cast %reduce_min3A_101 : vector<1024xi32> to vector<1024x1xi32>
      %swap3A_103 = arith.constant 0 : index
      %swap3A_104 = arith.constant 0 : index
      %swap3A_105 = vector.load %arg10[%swap3A_103, %swap3A_104] : memref<1024x1xi32, #tpu.memory_space<vmem>>, vector<1024x1xi32>
      tpu.vector_store %arg10[%swap3A_103, %swap3A_104], %broadcast_in_dim3A_102 {strides = array<i32>} : memref<1024x1xi32, #tpu.memory_space<vmem>>, vector<1024x1xi32>,
      %eq3A_106 = vector.broadcast %scan3A_90 : i32 to vector<1024x32xi32>
      %eq3A_107 = arith.cmpi eq, %iota3A_23, %eq3A_106 : vector<1024x32xi32>
      %and3A_108 = arith.constant 1023 : i32
      %and3A_109 = vector.broadcast %and3A_108 : i32 to vector<1024x1xi32>
      %and3A_110 = arith.andi %broadcast_in_dim3A_102, %and3A_109 : vector<1024x1xi32>
      %get3A_111 = arith.constant 0 : index
      %get3A_112 = arith.constant 0 : index
      %get3A_113 = vector.load %arg9[%get3A_111, %get3A_112] : memref<1024x32xi32, #tpu.memory_space<vmem>>, vector<1024x32xi32>
      %broadcast_in_dim3A_114 = vector.shape_cast %and3A_110 : vector<1024x1xi32> to vector<1024x1xi32>
      %broadcast_in_dim3A_115 = vector.broadcast %broadcast_in_dim3A_114 : vector<1024x1xi32> to vector<1024x32xi32>
      %select_n3A_116 = arith.select %eq3A_107, %broadcast_in_dim3A_115, %get3A_113 : vector<1024x32xi1>, vector<1024x32xi32>
      %swap3A_117 = arith.constant 0 : index
      %swap3A_118 = arith.constant 0 : index
      %swap3A_119 = vector.load %arg9[%swap3A_117, %swap3A_118] : memref<1024x32xi32, #tpu.memory_space<vmem>>, vector<1024x32xi32>
      tpu.vector_store %arg9[%swap3A_117, %swap3A_118], %select_n3A_116 {strides = array<i32>} : memref<1024x32xi32, #tpu.memory_space<vmem>>, vector<1024x32xi32>,
    }
    %scan3A_50 = arith.constant 19 : i32
    %get3A_51 = arith.constant 0 : index
    %get3A_52 = arith.constant 0 : index
    %get3A_53 = vector.load %arg9[%get3A_51, %get3A_52] : memref<1024x32xi32, #tpu.memory_space<vmem>>, vector<1024x20xi32>
    %mul3A_54 = arith.constant 1024 : i32
    %mul3A_55 = arith.muli %arg0, %mul3A_54 : i32
    %add3A = vector.broadcast %mul3A_55 : i32 to vector<1024x20xi32>
    %add3A_56 = arith.addi %get3A_53, %add3A : vector<1024x20xi32>
    %swap3A_57 = arith.constant 0 : index
    %swap3A_58 = arith.constant 0 : index
    %swap3A_59 = arith.constant 0 : index
    %swap3A_60 = vector.load %arg5[%swap3A_57, %swap3A_58, %swap3A_59] : memref<1x1024x20xi32, #tpu.memory_space<vmem>>, vector<1x1024x20xi32>
    %swap3A_61 = vector.shape_cast %swap3A_60 : vector<1x1024x20xi32> to vector<1024x20xi32>
    %swap3A_62 = vector.shape_cast %add3A_56 : vector<1024x20xi32> to vector<1x1024x20xi32>
    tpu.vector_store %arg5[%swap3A_57, %swap3A_58, %swap3A_59], %swap3A_62 {strides = array<i32>} : memref<1x1024x20xi32, #tpu.memory_space<vmem>>, vector<1x1024x20xi32>,
    %get3A_63 = arith.constant 0 : index
    %get3A_64 = arith.constant 0 : index
    %get3A_65 = vector.load %arg2[%get3A_63, %get3A_64] : memref<3x64xf32, #tpu.memory_space<vmem>>, vector<3x64xf32>
    %dot_general3A_66 = arith.constant dense<0.000000e+00> : vector<1024x64xf32>
    %dot_general3A_67 = tpu.matmul %get3A_3, %get3A_65, %dot_general3A_66 {dimension_numbers = #tpu.dot_dimension_numbers<[1], [0], [0], [1], [0, 0, 1, 1], [], []>, transpose_lhs_hint = false} : vector<1024x3xf32>, vector<3x64xf32>, vector<1024x64xf32> -> vector<1024x64xf32>
    %get3A_68 = arith.constant 0 : index
    %get3A_69 = arith.constant 0 : index
    %get3A_70 = vector.load %arg4[%get3A_68, %get3A_69] : memref<1x64xf32, #tpu.memory_space<vmem>>, vector<1x64xf32>
    %add3A_71 = vector.broadcast %get3A_70 : vector<1x64xf32> to vector<1024x64xf32>
    %add3A_72 = arith.addf %dot_general3A_67, %add3A_71 : vector<1024x64xf32>
    %swap3A_73 = arith.constant 0 : index
    %swap3A_74 = arith.constant 0 : index
    %swap3A_75 = arith.constant 0 : index
    %swap3A_76 = vector.load %arg6[%swap3A_73, %swap3A_74, %swap3A_75] : memref<1x1024x64xf32, #tpu.memory_space<vmem>>, vector<1x1024x64xf32>
    %swap3A_77 = vector.shape_cast %swap3A_76 : vector<1x1024x64xf32> to vector<1024x64xf32>
    %swap3A_78 = vector.shape_cast %add3A_72 : vector<1024x64xf32> to vector<1x1024x64xf32>
    tpu.vector_store %arg6[%swap3A_73, %swap3A_74, %swap3A_75], %swap3A_78 {strides = array<i32>} : memref<1x1024x64xf32, #tpu.memory_space<vmem>>, vector<1x1024x64xf32>,
    %get3A_79 = arith.constant 0 : index
    %get3A_80 = arith.constant 0 : index
    %get3A_81 = vector.load %arg3[%get3A_79, %get3A_80] : memref<3x64xf32, #tpu.memory_space<vmem>>, vector<3x64xf32>
    %dot_general3A_82 = arith.constant dense<0.000000e+00> : vector<1024x64xf32>
    %dot_general3A_83 = tpu.matmul %get3A_3, %get3A_81, %dot_general3A_82 {dimension_numbers = #tpu.dot_dimension_numbers<[1], [0], [0], [1], [0, 0, 1, 1], [], []>, transpose_lhs_hint = false} : vector<1024x3xf32>, vector<3x64xf32>, vector<1024x64xf32> -> vector<1024x64xf32>
    %swap3A_84 = arith.constant 0 : index
    %swap3A_85 = arith.constant 0 : index
    %swap3A_86 = arith.constant 0 : index
    %swap3A_87 = vector.load %arg7[%swap3A_84, %swap3A_85, %swap3A_86] : memref<1x1024x64xf32, #tpu.memory_space<vmem>>, vector<1x1024x64xf32>
    %swap3A_88 = vector.shape_cast %swap3A_87 : vector<1x1024x64xf32> to vector<1024x64xf32>
    %swap3A_89 = vector.shape_cast %dot_general3A_83 : vector<1024x64xf32> to vector<1x1024x64xf32>
    tpu.vector_store %arg7[%swap3A_84, %swap3A_85, %swap3A_86], %swap3A_89 {strides = array<i32>} : memref<1x1024x64xf32, #tpu.memory_space<vmem>>, vector<1x1024x64xf32>,
    return
  }
  func.func @transform_0(%arg0: i32) -> (i32, i32, i32) {
    %c0_i32 = arith.constant 0 : i32
    %c0_i32_0 = arith.constant 0 : i32
    %c0_i32_1 = arith.constant 0 : i32
    return %arg0, %c0_i32, %c0_i32_0 : i32, i32, i32
  }
  func.func @transform_1(%arg0: i32) -> (i32, i32) {
    %c0_i32 = arith.constant 0 : i32
    %c0_i32_0 = arith.constant 0 : i32
    %c0_i32_1 = arith.constant 0 : i32
    return %c0_i32, %c0_i32_0 : i32, i32
  }
  func.func @transform_2(%arg0: i32) -> (i32, i32) {
    %c0_i32 = arith.constant 0 : i32
    %c0_i32_0 = arith.constant 0 : i32
    %c0_i32_1 = arith.constant 0 : i32
    return %c0_i32, %c0_i32_0 : i32, i32
  }
  func.func @transform_3(%arg0: i32) -> (i32, i32) {
    %c0_i32 = arith.constant 0 : i32
    %c0_i32_0 = arith.constant 0 : i32
    %c0_i32_1 = arith.constant 0 : i32
    return %c0_i32, %c0_i32_0 : i32, i32
  }
  func.func @transform_4(%arg0: i32) -> (i32, i32, i32) {
    %c0_i32 = arith.constant 0 : i32
    %c0_i32_0 = arith.constant 0 : i32
    %c0_i32_1 = arith.constant 0 : i32
    return %arg0, %c0_i32, %c0_i32_0 : i32, i32, i32
  }
  func.func @transform_5(%arg0: i32) -> (i32, i32, i32) {
    %c0_i32 = arith.constant 0 : i32
    %c0_i32_0 = arith.constant 0 : i32
    %c0_i32_1 = arith.constant 0 : i32
    return %arg0, %c0_i32, %c0_i32_0 : i32, i32, i32
  }
  func.func @transform_6(%arg0: i32) -> (i32, i32, i32) {
    %c0_i32 = arith.constant 0 : i32
    %c0_i32_0 = arith.constant 0 : i32
    %c0_i32_1 = arith.constant 0 : i32
    return %arg0, %c0_i32, %c0_i32_0 : i32, i32, i32
  }
}

module attributes {stable_mosaic.version = 14 : i64} {
  func.func @_conv_fin_knn2_body(%arg0: i32, %arg1: memref<1x1024x64xf32, #tpu.memory_space<vmem>>, %arg2: memref<1x20480x64xf32, #tpu.memory_space<vmem>>, %arg3: memref<64x64xf32, #tpu.memory_space<vmem>>, %arg4: memref<1x64xf32, #tpu.memory_space<vmem>>, %arg5: memref<64x64xf32, #tpu.memory_space<vmem>>, %arg6: memref<64x64xf32, #tpu.memory_space<vmem>>, %arg7: memref<1x64xf32, #tpu.memory_space<vmem>>, %arg8: memref<1x1024x64xf32, #tpu.memory_space<vmem>>, %arg9: memref<1x1024x20xi32, #tpu.memory_space<vmem>>, %arg10: memref<1x1024x64xf32, #tpu.memory_space<vmem>>, %arg11: memref<1x1024x64xf32, #tpu.memory_space<vmem>>, %arg12: memref<1024x1024xi32, #tpu.memory_space<vmem>>, %arg13: memref<1024x32xi32, #tpu.memory_space<vmem>>, %arg14: memref<1024x1xi32, #tpu.memory_space<vmem>>) attributes {dimension_semantics = [#tpu.dimension_semantics<arbitrary>], iteration_bounds = array<i64: 4>, scalar_prefetch = 0 : i64, scratch_operands = 3 : i64, tpu.core_type = #tpu.core_type<tc>, window_params = [{transform_indices = @transform_0, window_bounds = array<i64: 1, 1024, 64>}, {transform_indices = @transform_1, window_bounds = array<i64: 1, 20480, 64>}, {pipeline_mode = #tpu.pipeline_mode<synchronous>, transform_indices = @transform_2, window_bounds = array<i64: 64, 64>}, {pipeline_mode = #tpu.pipeline_mode<synchronous>, transform_indices = @transform_3, window_bounds = array<i64: 1, 64>}, {pipeline_mode = #tpu.pipeline_mode<synchronous>, transform_indices = @transform_4, window_bounds = array<i64: 64, 64>}, {pipeline_mode = #tpu.pipeline_mode<synchronous>, transform_indices = @transform_5, window_bounds = array<i64: 64, 64>}, {pipeline_mode = #tpu.pipeline_mode<synchronous>, transform_indices = @transform_6, window_bounds = array<i64: 1, 64>}, {transform_indices = @transform_7, window_bounds = array<i64: 1, 1024, 64>}, {transform_indices = @transform_8, window_bounds = array<i64: 1, 1024, 20>}, {transform_indices = @transform_9, window_bounds = array<i64: 1, 1024, 64>}, {transform_indices = @transform_10, window_bounds = array<i64: 1, 1024, 64>}]} {
    %get3A = arith.constant 0 : index
    %get3A_0 = arith.constant 0 : index
    %get3A_1 = arith.constant 0 : index
    %get3A_2 = vector.load %arg1[%get3A, %get3A_0, %get3A_1] : memref<1x1024x64xf32, #tpu.memory_space<vmem>>, vector<1x1024x64xf32>
    %get3A_3 = vector.shape_cast %get3A_2 : vector<1x1024x64xf32> to vector<1024x64xf32>
    %get3A_4 = arith.constant 0 : index
    %get3A_5 = arith.constant 0 : index
    %get3A_6 = arith.constant 0 : index
    %get3A_7 = vector.load %arg2[%get3A_4, %get3A_5, %get3A_6] : memref<1x20480x64xf32, #tpu.memory_space<vmem>>, vector<1x1024x64xf32>
    %get3A_8 = vector.shape_cast %get3A_7 : vector<1x1024x64xf32> to vector<1024x64xf32>
    %add3A = arith.addf %get3A_3, %get3A_8 : vector<1024x64xf32>
    %max3A = arith.constant 0.000000e+00 : f32
    %max3A_9 = vector.broadcast %max3A : f32 to vector<1024x64xf32>
    %max3A_10 = arith.maximumf %add3A, %max3A_9 : vector<1024x64xf32>
    %get3A_11 = arith.constant 0 : index
    %get3A_12 = arith.constant 0 : index
    %get3A_13 = vector.load %arg3[%get3A_11, %get3A_12] : memref<64x64xf32, #tpu.memory_space<vmem>>, vector<64x64xf32>
    %dot_general3A = arith.constant dense<0.000000e+00> : vector<1024x64xf32>
    %dot_general3A_14 = tpu.matmul %max3A_10, %get3A_13, %dot_general3A {dimension_numbers = #tpu.dot_dimension_numbers<[1], [0], [0], [1], [0, 0, 1, 1], [], []>, transpose_lhs_hint = false} : vector<1024x64xf32>, vector<64x64xf32>, vector<1024x64xf32> -> vector<1024x64xf32>
    %get3A_15 = arith.constant 0 : index
    %get3A_16 = arith.constant 1024 : index
    %get3A_17 = arith.constant 0 : index
    %get3A_18 = vector.load %arg2[%get3A_15, %get3A_16, %get3A_17] : memref<1x20480x64xf32, #tpu.memory_space<vmem>>, vector<1x1024x64xf32>
    %get3A_19 = vector.shape_cast %get3A_18 : vector<1x1024x64xf32> to vector<1024x64xf32>
    %add3A_20 = arith.addf %get3A_3, %get3A_19 : vector<1024x64xf32>
    %max3A_21 = arith.constant 0.000000e+00 : f32
    %max3A_22 = vector.broadcast %max3A_21 : f32 to vector<1024x64xf32>
    %max3A_23 = arith.maximumf %add3A_20, %max3A_22 : vector<1024x64xf32>
    %get3A_24 = arith.constant 0 : index
    %get3A_25 = arith.constant 0 : index
    %get3A_26 = vector.load %arg3[%get3A_24, %get3A_25] : memref<64x64xf32, #tpu.memory_space<vmem>>, vector<64x64xf32>
    %dot_general3A_27 = arith.constant dense<0.000000e+00> : vector<1024x64xf32>
    %dot_general3A_28 = tpu.matmul %max3A_23, %get3A_26, %dot_general3A_27 {dimension_numbers = #tpu.dot_dimension_numbers<[1], [0], [0], [1], [0, 0, 1, 1], [], []>, transpose_lhs_hint = false} : vector<1024x64xf32>, vector<64x64xf32>, vector<1024x64xf32> -> vector<1024x64xf32>
    %max3A_29 = arith.maximumf %dot_general3A_14, %dot_general3A_28 : vector<1024x64xf32>
    %get3A_30 = arith.constant 0 : index
    %get3A_31 = arith.constant 2048 : index
    %get3A_32 = arith.constant 0 : index
    %get3A_33 = vector.load %arg2[%get3A_30, %get3A_31, %get3A_32] : memref<1x20480x64xf32, #tpu.memory_space<vmem>>, vector<1x1024x64xf32>
    %get3A_34 = vector.shape_cast %get3A_33 : vector<1x1024x64xf32> to vector<1024x64xf32>
    %add3A_35 = arith.addf %get3A_3, %get3A_34 : vector<1024x64xf32>
    %max3A_36 = arith.constant 0.000000e+00 : f32
    %max3A_37 = vector.broadcast %max3A_36 : f32 to vector<1024x64xf32>
    %max3A_38 = arith.maximumf %add3A_35, %max3A_37 : vector<1024x64xf32>
    %get3A_39 = arith.constant 0 : index
    %get3A_40 = arith.constant 0 : index
    %get3A_41 = vector.load %arg3[%get3A_39, %get3A_40] : memref<64x64xf32, #tpu.memory_space<vmem>>, vector<64x64xf32>
    %dot_general3A_42 = arith.constant dense<0.000000e+00> : vector<1024x64xf32>
    %dot_general3A_43 = tpu.matmul %max3A_38, %get3A_41, %dot_general3A_42 {dimension_numbers = #tpu.dot_dimension_numbers<[1], [0], [0], [1], [0, 0, 1, 1], [], []>, transpose_lhs_hint = false} : vector<1024x64xf32>, vector<64x64xf32>, vector<1024x64xf32> -> vector<1024x64xf32>
    %max3A_44 = arith.maximumf %max3A_29, %dot_general3A_43 : vector<1024x64xf32>
    %get3A_45 = arith.constant 0 : index
    %get3A_46 = arith.constant 3072 : index
    %get3A_47 = arith.constant 0 : index
    %get3A_48 = vector.load %arg2[%get3A_45, %get3A_46, %get3A_47] : memref<1x20480x64xf32, #tpu.memory_space<vmem>>, vector<1x1024x64xf32>
    %get3A_49 = vector.shape_cast %get3A_48 : vector<1x1024x64xf32> to vector<1024x64xf32>
    %add3A_50 = arith.addf %get3A_3, %get3A_49 : vector<1024x64xf32>
    %max3A_51 = arith.constant 0.000000e+00 : f32
    %max3A_52 = vector.broadcast %max3A_51 : f32 to vector<1024x64xf32>
    %max3A_53 = arith.maximumf %add3A_50, %max3A_52 : vector<1024x64xf32>
    %get3A_54 = arith.constant 0 : index
    %get3A_55 = arith.constant 0 : index
    %get3A_56 = vector.load %arg3[%get3A_54, %get3A_55] : memref<64x64xf32, #tpu.memory_space<vmem>>, vector<64x64xf32>
    %dot_general3A_57 = arith.constant dense<0.000000e+00> : vector<1024x64xf32>
    %dot_general3A_58 = tpu.matmul %max3A_53, %get3A_56, %dot_general3A_57 {dimension_numbers = #tpu.dot_dimension_numbers<[1], [0], [0], [1], [0, 0, 1, 1], [], []>, transpose_lhs_hint = false} : vector<1024x64xf32>, vector<64x64xf32>, vector<1024x64xf32> -> vector<1024x64xf32>
    %max3A_59 = arith.maximumf %max3A_44, %dot_general3A_58 : vector<1024x64xf32>
    %get3A_60 = arith.constant 0 : index
    %get3A_61 = arith.constant 4096 : index
    %get3A_62 = arith.constant 0 : index
    %get3A_63 = vector.load %arg2[%get3A_60, %get3A_61, %get3A_62] : memref<1x20480x64xf32, #tpu.memory_space<vmem>>, vector<1x1024x64xf32>
    %get3A_64 = vector.shape_cast %get3A_63 : vector<1x1024x64xf32> to vector<1024x64xf32>
    %add3A_65 = arith.addf %get3A_3, %get3A_64 : vector<1024x64xf32>
    %max3A_66 = arith.constant 0.000000e+00 : f32
    %max3A_67 = vector.broadcast %max3A_66 : f32 to vector<1024x64xf32>
    %max3A_68 = arith.maximumf %add3A_65, %max3A_67 : vector<1024x64xf32>
    %get3A_69 = arith.constant 0 : index
    %get3A_70 = arith.constant 0 : index
    %get3A_71 = vector.load %arg3[%get3A_69, %get3A_70] : memref<64x64xf32, #tpu.memory_space<vmem>>, vector<64x64xf32>
    %dot_general3A_72 = arith.constant dense<0.000000e+00> : vector<1024x64xf32>
    %dot_general3A_73 = tpu.matmul %max3A_68, %get3A_71, %dot_general3A_72 {dimension_numbers = #tpu.dot_dimension_numbers<[1], [0], [0], [1], [0, 0, 1, 1], [], []>, transpose_lhs_hint = false} : vector<1024x64xf32>, vector<64x64xf32>, vector<1024x64xf32> -> vector<1024x64xf32>
    %max3A_74 = arith.maximumf %max3A_59, %dot_general3A_73 : vector<1024x64xf32>
    %get3A_75 = arith.constant 0 : index
    %get3A_76 = arith.constant 5120 : index
    %get3A_77 = arith.constant 0 : index
    %get3A_78 = vector.load %arg2[%get3A_75, %get3A_76, %get3A_77] : memref<1x20480x64xf32, #tpu.memory_space<vmem>>, vector<1x1024x64xf32>
    %get3A_79 = vector.shape_cast %get3A_78 : vector<1x1024x64xf32> to vector<1024x64xf32>
    %add3A_80 = arith.addf %get3A_3, %get3A_79 : vector<1024x64xf32>
    %max3A_81 = arith.constant 0.000000e+00 : f32
    %max3A_82 = vector.broadcast %max3A_81 : f32 to vector<1024x64xf32>
    %max3A_83 = arith.maximumf %add3A_80, %max3A_82 : vector<1024x64xf32>
    %get3A_84 = arith.constant 0 : index
    %get3A_85 = arith.constant 0 : index
    %get3A_86 = vector.load %arg3[%get3A_84, %get3A_85] : memref<64x64xf32, #tpu.memory_space<vmem>>, vector<64x64xf32>
    %dot_general3A_87 = arith.constant dense<0.000000e+00> : vector<1024x64xf32>
    %dot_general3A_88 = tpu.matmul %max3A_83, %get3A_86, %dot_general3A_87 {dimension_numbers = #tpu.dot_dimension_numbers<[1], [0], [0], [1], [0, 0, 1, 1], [], []>, transpose_lhs_hint = false} : vector<1024x64xf32>, vector<64x64xf32>, vector<1024x64xf32> -> vector<1024x64xf32>
    %max3A_89 = arith.maximumf %max3A_74, %dot_general3A_88 : vector<1024x64xf32>
    %get3A_90 = arith.constant 0 : index
    %get3A_91 = arith.constant 6144 : index
    %get3A_92 = arith.constant 0 : index
    %get3A_93 = vector.load %arg2[%get3A_90, %get3A_91, %get3A_92] : memref<1x20480x64xf32, #tpu.memory_space<vmem>>, vector<1x1024x64xf32>
    %get3A_94 = vector.shape_cast %get3A_93 : vector<1x1024x64xf32> to vector<1024x64xf32>
    %add3A_95 = arith.addf %get3A_3, %get3A_94 : vector<1024x64xf32>
    %max3A_96 = arith.constant 0.000000e+00 : f32
    %max3A_97 = vector.broadcast %max3A_96 : f32 to vector<1024x64xf32>
    %max3A_98 = arith.maximumf %add3A_95, %max3A_97 : vector<1024x64xf32>
    %get3A_99 = arith.constant 0 : index
    %get3A_100 = arith.constant 0 : index
    %get3A_101 = vector.load %arg3[%get3A_99, %get3A_100] : memref<64x64xf32, #tpu.memory_space<vmem>>, vector<64x64xf32>
    %dot_general3A_102 = arith.constant dense<0.000000e+00> : vector<1024x64xf32>
    %dot_general3A_103 = tpu.matmul %max3A_98, %get3A_101, %dot_general3A_102 {dimension_numbers = #tpu.dot_dimension_numbers<[1], [0], [0], [1], [0, 0, 1, 1], [], []>, transpose_lhs_hint = false} : vector<1024x64xf32>, vector<64x64xf32>, vector<1024x64xf32> -> vector<1024x64xf32>
    %max3A_104 = arith.maximumf %max3A_89, %dot_general3A_103 : vector<1024x64xf32>
    %get3A_105 = arith.constant 0 : index
    %get3A_106 = arith.constant 7168 : index
    %get3A_107 = arith.constant 0 : index
    %get3A_108 = vector.load %arg2[%get3A_105, %get3A_106, %get3A_107] : memref<1x20480x64xf32, #tpu.memory_space<vmem>>, vector<1x1024x64xf32>
    %get3A_109 = vector.shape_cast %get3A_108 : vector<1x1024x64xf32> to vector<1024x64xf32>
    %add3A_110 = arith.addf %get3A_3, %get3A_109 : vector<1024x64xf32>
    %max3A_111 = arith.constant 0.000000e+00 : f32
    %max3A_112 = vector.broadcast %max3A_111 : f32 to vector<1024x64xf32>
    %max3A_113 = arith.maximumf %add3A_110, %max3A_112 : vector<1024x64xf32>
    %get3A_114 = arith.constant 0 : index
    %get3A_115 = arith.constant 0 : index
    %get3A_116 = vector.load %arg3[%get3A_114, %get3A_115] : memref<64x64xf32, #tpu.memory_space<vmem>>, vector<64x64xf32>
    %dot_general3A_117 = arith.constant dense<0.000000e+00> : vector<1024x64xf32>
    %dot_general3A_118 = tpu.matmul %max3A_113, %get3A_116, %dot_general3A_117 {dimension_numbers = #tpu.dot_dimension_numbers<[1], [0], [0], [1], [0, 0, 1, 1], [], []>, transpose_lhs_hint = false} : vector<1024x64xf32>, vector<64x64xf32>, vector<1024x64xf32> -> vector<1024x64xf32>
    %max3A_119 = arith.maximumf %max3A_104, %dot_general3A_118 : vector<1024x64xf32>
    %get3A_120 = arith.constant 0 : index
    %get3A_121 = arith.constant 8192 : index
    %get3A_122 = arith.constant 0 : index
    %get3A_123 = vector.load %arg2[%get3A_120, %get3A_121, %get3A_122] : memref<1x20480x64xf32, #tpu.memory_space<vmem>>, vector<1x1024x64xf32>
    %get3A_124 = vector.shape_cast %get3A_123 : vector<1x1024x64xf32> to vector<1024x64xf32>
    %add3A_125 = arith.addf %get3A_3, %get3A_124 : vector<1024x64xf32>
    %max3A_126 = arith.constant 0.000000e+00 : f32
    %max3A_127 = vector.broadcast %max3A_126 : f32 to vector<1024x64xf32>
    %max3A_128 = arith.maximumf %add3A_125, %max3A_127 : vector<1024x64xf32>
    %get3A_129 = arith.constant 0 : index
    %get3A_130 = arith.constant 0 : index
    %get3A_131 = vector.load %arg3[%get3A_129, %get3A_130] : memref<64x64xf32, #tpu.memory_space<vmem>>, vector<64x64xf32>
    %dot_general3A_132 = arith.constant dense<0.000000e+00> : vector<1024x64xf32>
    %dot_general3A_133 = tpu.matmul %max3A_128, %get3A_131, %dot_general3A_132 {dimension_numbers = #tpu.dot_dimension_numbers<[1], [0], [0], [1], [0, 0, 1, 1], [], []>, transpose_lhs_hint = false} : vector<1024x64xf32>, vector<64x64xf32>, vector<1024x64xf32> -> vector<1024x64xf32>
    %max3A_134 = arith.maximumf %max3A_119, %dot_general3A_133 : vector<1024x64xf32>
    %get3A_135 = arith.constant 0 : index
    %get3A_136 = arith.constant 9216 : index
    %get3A_137 = arith.constant 0 : index
    %get3A_138 = vector.load %arg2[%get3A_135, %get3A_136, %get3A_137] : memref<1x20480x64xf32, #tpu.memory_space<vmem>>, vector<1x1024x64xf32>
    %get3A_139 = vector.shape_cast %get3A_138 : vector<1x1024x64xf32> to vector<1024x64xf32>
    %add3A_140 = arith.addf %get3A_3, %get3A_139 : vector<1024x64xf32>
    %max3A_141 = arith.constant 0.000000e+00 : f32
    %max3A_142 = vector.broadcast %max3A_141 : f32 to vector<1024x64xf32>
    %max3A_143 = arith.maximumf %add3A_140, %max3A_142 : vector<1024x64xf32>
    %get3A_144 = arith.constant 0 : index
    %get3A_145 = arith.constant 0 : index
    %get3A_146 = vector.load %arg3[%get3A_144, %get3A_145] : memref<64x64xf32, #tpu.memory_space<vmem>>, vector<64x64xf32>
    %dot_general3A_147 = arith.constant dense<0.000000e+00> : vector<1024x64xf32>
    %dot_general3A_148 = tpu.matmul %max3A_143, %get3A_146, %dot_general3A_147 {dimension_numbers = #tpu.dot_dimension_numbers<[1], [0], [0], [1], [0, 0, 1, 1], [], []>, transpose_lhs_hint = false} : vector<1024x64xf32>, vector<64x64xf32>, vector<1024x64xf32> -> vector<1024x64xf32>
    %max3A_149 = arith.maximumf %max3A_134, %dot_general3A_148 : vector<1024x64xf32>
    %get3A_150 = arith.constant 0 : index
    %get3A_151 = arith.constant 10240 : index
    %get3A_152 = arith.constant 0 : index
    %get3A_153 = vector.load %arg2[%get3A_150, %get3A_151, %get3A_152] : memref<1x20480x64xf32, #tpu.memory_space<vmem>>, vector<1x1024x64xf32>
    %get3A_154 = vector.shape_cast %get3A_153 : vector<1x1024x64xf32> to vector<1024x64xf32>
    %add3A_155 = arith.addf %get3A_3, %get3A_154 : vector<1024x64xf32>
    %max3A_156 = arith.constant 0.000000e+00 : f32
    %max3A_157 = vector.broadcast %max3A_156 : f32 to vector<1024x64xf32>
    %max3A_158 = arith.maximumf %add3A_155, %max3A_157 : vector<1024x64xf32>
    %get3A_159 = arith.constant 0 : index
    %get3A_160 = arith.constant 0 : index
    %get3A_161 = vector.load %arg3[%get3A_159, %get3A_160] : memref<64x64xf32, #tpu.memory_space<vmem>>, vector<64x64xf32>
    %dot_general3A_162 = arith.constant dense<0.000000e+00> : vector<1024x64xf32>
    %dot_general3A_163 = tpu.matmul %max3A_158, %get3A_161, %dot_general3A_162 {dimension_numbers = #tpu.dot_dimension_numbers<[1], [0], [0], [1], [0, 0, 1, 1], [], []>, transpose_lhs_hint = false} : vector<1024x64xf32>, vector<64x64xf32>, vector<1024x64xf32> -> vector<1024x64xf32>
    %max3A_164 = arith.maximumf %max3A_149, %dot_general3A_163 : vector<1024x64xf32>
    %get3A_165 = arith.constant 0 : index
    %get3A_166 = arith.constant 11264 : index
    %get3A_167 = arith.constant 0 : index
    %get3A_168 = vector.load %arg2[%get3A_165, %get3A_166, %get3A_167] : memref<1x20480x64xf32, #tpu.memory_space<vmem>>, vector<1x1024x64xf32>
    %get3A_169 = vector.shape_cast %get3A_168 : vector<1x1024x64xf32> to vector<1024x64xf32>
    %add3A_170 = arith.addf %get3A_3, %get3A_169 : vector<1024x64xf32>
    %max3A_171 = arith.constant 0.000000e+00 : f32
    %max3A_172 = vector.broadcast %max3A_171 : f32 to vector<1024x64xf32>
    %max3A_173 = arith.maximumf %add3A_170, %max3A_172 : vector<1024x64xf32>
    %get3A_174 = arith.constant 0 : index
    %get3A_175 = arith.constant 0 : index
    %get3A_176 = vector.load %arg3[%get3A_174, %get3A_175] : memref<64x64xf32, #tpu.memory_space<vmem>>, vector<64x64xf32>
    %dot_general3A_177 = arith.constant dense<0.000000e+00> : vector<1024x64xf32>
    %dot_general3A_178 = tpu.matmul %max3A_173, %get3A_176, %dot_general3A_177 {dimension_numbers = #tpu.dot_dimension_numbers<[1], [0], [0], [1], [0, 0, 1, 1], [], []>, transpose_lhs_hint = false} : vector<1024x64xf32>, vector<64x64xf32>, vector<1024x64xf32> -> vector<1024x64xf32>
    %max3A_179 = arith.maximumf %max3A_164, %dot_general3A_178 : vector<1024x64xf32>
    %get3A_180 = arith.constant 0 : index
    %get3A_181 = arith.constant 12288 : index
    %get3A_182 = arith.constant 0 : index
    %get3A_183 = vector.load %arg2[%get3A_180, %get3A_181, %get3A_182] : memref<1x20480x64xf32, #tpu.memory_space<vmem>>, vector<1x1024x64xf32>
    %get3A_184 = vector.shape_cast %get3A_183 : vector<1x1024x64xf32> to vector<1024x64xf32>
    %add3A_185 = arith.addf %get3A_3, %get3A_184 : vector<1024x64xf32>
    %max3A_186 = arith.constant 0.000000e+00 : f32
    %max3A_187 = vector.broadcast %max3A_186 : f32 to vector<1024x64xf32>
    %max3A_188 = arith.maximumf %add3A_185, %max3A_187 : vector<1024x64xf32>
    %get3A_189 = arith.constant 0 : index
    %get3A_190 = arith.constant 0 : index
    %get3A_191 = vector.load %arg3[%get3A_189, %get3A_190] : memref<64x64xf32, #tpu.memory_space<vmem>>, vector<64x64xf32>
    %dot_general3A_192 = arith.constant dense<0.000000e+00> : vector<1024x64xf32>
    %dot_general3A_193 = tpu.matmul %max3A_188, %get3A_191, %dot_general3A_192 {dimension_numbers = #tpu.dot_dimension_numbers<[1], [0], [0], [1], [0, 0, 1, 1], [], []>, transpose_lhs_hint = false} : vector<1024x64xf32>, vector<64x64xf32>, vector<1024x64xf32> -> vector<1024x64xf32>
    %max3A_194 = arith.maximumf %max3A_179, %dot_general3A_193 : vector<1024x64xf32>
    %get3A_195 = arith.constant 0 : index
    %get3A_196 = arith.constant 13312 : index
    %get3A_197 = arith.constant 0 : index
    %get3A_198 = vector.load %arg2[%get3A_195, %get3A_196, %get3A_197] : memref<1x20480x64xf32, #tpu.memory_space<vmem>>, vector<1x1024x64xf32>
    %get3A_199 = vector.shape_cast %get3A_198 : vector<1x1024x64xf32> to vector<1024x64xf32>
    %add3A_200 = arith.addf %get3A_3, %get3A_199 : vector<1024x64xf32>
    %max3A_201 = arith.constant 0.000000e+00 : f32
    %max3A_202 = vector.broadcast %max3A_201 : f32 to vector<1024x64xf32>
    %max3A_203 = arith.maximumf %add3A_200, %max3A_202 : vector<1024x64xf32>
    %get3A_204 = arith.constant 0 : index
    %get3A_205 = arith.constant 0 : index
    %get3A_206 = vector.load %arg3[%get3A_204, %get3A_205] : memref<64x64xf32, #tpu.memory_space<vmem>>, vector<64x64xf32>
    %dot_general3A_207 = arith.constant dense<0.000000e+00> : vector<1024x64xf32>
    %dot_general3A_208 = tpu.matmul %max3A_203, %get3A_206, %dot_general3A_207 {dimension_numbers = #tpu.dot_dimension_numbers<[1], [0], [0], [1], [0, 0, 1, 1], [], []>, transpose_lhs_hint = false} : vector<1024x64xf32>, vector<64x64xf32>, vector<1024x64xf32> -> vector<1024x64xf32>
    %max3A_209 = arith.maximumf %max3A_194, %dot_general3A_208 : vector<1024x64xf32>
    %get3A_210 = arith.constant 0 : index
    %get3A_211 = arith.constant 14336 : index
    %get3A_212 = arith.constant 0 : index
    %get3A_213 = vector.load %arg2[%get3A_210, %get3A_211, %get3A_212] : memref<1x20480x64xf32, #tpu.memory_space<vmem>>, vector<1x1024x64xf32>
    %get3A_214 = vector.shape_cast %get3A_213 : vector<1x1024x64xf32> to vector<1024x64xf32>
    %add3A_215 = arith.addf %get3A_3, %get3A_214 : vector<1024x64xf32>
    %max3A_216 = arith.constant 0.000000e+00 : f32
    %max3A_217 = vector.broadcast %max3A_216 : f32 to vector<1024x64xf32>
    %max3A_218 = arith.maximumf %add3A_215, %max3A_217 : vector<1024x64xf32>
    %get3A_219 = arith.constant 0 : index
    %get3A_220 = arith.constant 0 : index
    %get3A_221 = vector.load %arg3[%get3A_219, %get3A_220] : memref<64x64xf32, #tpu.memory_space<vmem>>, vector<64x64xf32>
    %dot_general3A_222 = arith.constant dense<0.000000e+00> : vector<1024x64xf32>
    %dot_general3A_223 = tpu.matmul %max3A_218, %get3A_221, %dot_general3A_222 {dimension_numbers = #tpu.dot_dimension_numbers<[1], [0], [0], [1], [0, 0, 1, 1], [], []>, transpose_lhs_hint = false} : vector<1024x64xf32>, vector<64x64xf32>, vector<1024x64xf32> -> vector<1024x64xf32>
    %max3A_224 = arith.maximumf %max3A_209, %dot_general3A_223 : vector<1024x64xf32>
    %get3A_225 = arith.constant 0 : index
    %get3A_226 = arith.constant 15360 : index
    %get3A_227 = arith.constant 0 : index
    %get3A_228 = vector.load %arg2[%get3A_225, %get3A_226, %get3A_227] : memref<1x20480x64xf32, #tpu.memory_space<vmem>>, vector<1x1024x64xf32>
    %get3A_229 = vector.shape_cast %get3A_228 : vector<1x1024x64xf32> to vector<1024x64xf32>
    %add3A_230 = arith.addf %get3A_3, %get3A_229 : vector<1024x64xf32>
    %max3A_231 = arith.constant 0.000000e+00 : f32
    %max3A_232 = vector.broadcast %max3A_231 : f32 to vector<1024x64xf32>
    %max3A_233 = arith.maximumf %add3A_230, %max3A_232 : vector<1024x64xf32>
    %get3A_234 = arith.constant 0 : index
    %get3A_235 = arith.constant 0 : index
    %get3A_236 = vector.load %arg3[%get3A_234, %get3A_235] : memref<64x64xf32, #tpu.memory_space<vmem>>, vector<64x64xf32>
    %dot_general3A_237 = arith.constant dense<0.000000e+00> : vector<1024x64xf32>
    %dot_general3A_238 = tpu.matmul %max3A_233, %get3A_236, %dot_general3A_237 {dimension_numbers = #tpu.dot_dimension_numbers<[1], [0], [0], [1], [0, 0, 1, 1], [], []>, transpose_lhs_hint = false} : vector<1024x64xf32>, vector<64x64xf32>, vector<1024x64xf32> -> vector<1024x64xf32>
    %max3A_239 = arith.maximumf %max3A_224, %dot_general3A_238 : vector<1024x64xf32>
    %get3A_240 = arith.constant 0 : index
    %get3A_241 = arith.constant 16384 : index
    %get3A_242 = arith.constant 0 : index
    %get3A_243 = vector.load %arg2[%get3A_240, %get3A_241, %get3A_242] : memref<1x20480x64xf32, #tpu.memory_space<vmem>>, vector<1x1024x64xf32>
    %get3A_244 = vector.shape_cast %get3A_243 : vector<1x1024x64xf32> to vector<1024x64xf32>
    %add3A_245 = arith.addf %get3A_3, %get3A_244 : vector<1024x64xf32>
    %max3A_246 = arith.constant 0.000000e+00 : f32
    %max3A_247 = vector.broadcast %max3A_246 : f32 to vector<1024x64xf32>
    %max3A_248 = arith.maximumf %add3A_245, %max3A_247 : vector<1024x64xf32>
    %get3A_249 = arith.constant 0 : index
    %get3A_250 = arith.constant 0 : index
    %get3A_251 = vector.load %arg3[%get3A_249, %get3A_250] : memref<64x64xf32, #tpu.memory_space<vmem>>, vector<64x64xf32>
    %dot_general3A_252 = arith.constant dense<0.000000e+00> : vector<1024x64xf32>
    %dot_general3A_253 = tpu.matmul %max3A_248, %get3A_251, %dot_general3A_252 {dimension_numbers = #tpu.dot_dimension_numbers<[1], [0], [0], [1], [0, 0, 1, 1], [], []>, transpose_lhs_hint = false} : vector<1024x64xf32>, vector<64x64xf32>, vector<1024x64xf32> -> vector<1024x64xf32>
    %max3A_254 = arith.maximumf %max3A_239, %dot_general3A_253 : vector<1024x64xf32>
    %get3A_255 = arith.constant 0 : index
    %get3A_256 = arith.constant 17408 : index
    %get3A_257 = arith.constant 0 : index
    %get3A_258 = vector.load %arg2[%get3A_255, %get3A_256, %get3A_257] : memref<1x20480x64xf32, #tpu.memory_space<vmem>>, vector<1x1024x64xf32>
    %get3A_259 = vector.shape_cast %get3A_258 : vector<1x1024x64xf32> to vector<1024x64xf32>
    %add3A_260 = arith.addf %get3A_3, %get3A_259 : vector<1024x64xf32>
    %max3A_261 = arith.constant 0.000000e+00 : f32
    %max3A_262 = vector.broadcast %max3A_261 : f32 to vector<1024x64xf32>
    %max3A_263 = arith.maximumf %add3A_260, %max3A_262 : vector<1024x64xf32>
    %get3A_264 = arith.constant 0 : index
    %get3A_265 = arith.constant 0 : index
    %get3A_266 = vector.load %arg3[%get3A_264, %get3A_265] : memref<64x64xf32, #tpu.memory_space<vmem>>, vector<64x64xf32>
    %dot_general3A_267 = arith.constant dense<0.000000e+00> : vector<1024x64xf32>
    %dot_general3A_268 = tpu.matmul %max3A_263, %get3A_266, %dot_general3A_267 {dimension_numbers = #tpu.dot_dimension_numbers<[1], [0], [0], [1], [0, 0, 1, 1], [], []>, transpose_lhs_hint = false} : vector<1024x64xf32>, vector<64x64xf32>, vector<1024x64xf32> -> vector<1024x64xf32>
    %max3A_269 = arith.maximumf %max3A_254, %dot_general3A_268 : vector<1024x64xf32>
    %get3A_270 = arith.constant 0 : index
    %get3A_271 = arith.constant 18432 : index
    %get3A_272 = arith.constant 0 : index
    %get3A_273 = vector.load %arg2[%get3A_270, %get3A_271, %get3A_272] : memref<1x20480x64xf32, #tpu.memory_space<vmem>>, vector<1x1024x64xf32>
    %get3A_274 = vector.shape_cast %get3A_273 : vector<1x1024x64xf32> to vector<1024x64xf32>
    %add3A_275 = arith.addf %get3A_3, %get3A_274 : vector<1024x64xf32>
    %max3A_276 = arith.constant 0.000000e+00 : f32
    %max3A_277 = vector.broadcast %max3A_276 : f32 to vector<1024x64xf32>
    %max3A_278 = arith.maximumf %add3A_275, %max3A_277 : vector<1024x64xf32>
    %get3A_279 = arith.constant 0 : index
    %get3A_280 = arith.constant 0 : index
    %get3A_281 = vector.load %arg3[%get3A_279, %get3A_280] : memref<64x64xf32, #tpu.memory_space<vmem>>, vector<64x64xf32>
    %dot_general3A_282 = arith.constant dense<0.000000e+00> : vector<1024x64xf32>
    %dot_general3A_283 = tpu.matmul %max3A_278, %get3A_281, %dot_general3A_282 {dimension_numbers = #tpu.dot_dimension_numbers<[1], [0], [0], [1], [0, 0, 1, 1], [], []>, transpose_lhs_hint = false} : vector<1024x64xf32>, vector<64x64xf32>, vector<1024x64xf32> -> vector<1024x64xf32>
    %max3A_284 = arith.maximumf %max3A_269, %dot_general3A_283 : vector<1024x64xf32>
    %get3A_285 = arith.constant 0 : index
    %get3A_286 = arith.constant 19456 : index
    %get3A_287 = arith.constant 0 : index
    %get3A_288 = vector.load %arg2[%get3A_285, %get3A_286, %get3A_287] : memref<1x20480x64xf32, #tpu.memory_space<vmem>>, vector<1x1024x64xf32>
    %get3A_289 = vector.shape_cast %get3A_288 : vector<1x1024x64xf32> to vector<1024x64xf32>
    %add3A_290 = arith.addf %get3A_3, %get3A_289 : vector<1024x64xf32>
    %max3A_291 = arith.constant 0.000000e+00 : f32
    %max3A_292 = vector.broadcast %max3A_291 : f32 to vector<1024x64xf32>
    %max3A_293 = arith.maximumf %add3A_290, %max3A_292 : vector<1024x64xf32>
    %get3A_294 = arith.constant 0 : index
    %get3A_295 = arith.constant 0 : index
    %get3A_296 = vector.load %arg3[%get3A_294, %get3A_295] : memref<64x64xf32, #tpu.memory_space<vmem>>, vector<64x64xf32>
    %dot_general3A_297 = arith.constant dense<0.000000e+00> : vector<1024x64xf32>
    %dot_general3A_298 = tpu.matmul %max3A_293, %get3A_296, %dot_general3A_297 {dimension_numbers = #tpu.dot_dimension_numbers<[1], [0], [0], [1], [0, 0, 1, 1], [], []>, transpose_lhs_hint = false} : vector<1024x64xf32>, vector<64x64xf32>, vector<1024x64xf32> -> vector<1024x64xf32>
    %max3A_299 = arith.maximumf %max3A_284, %dot_general3A_298 : vector<1024x64xf32>
    %get3A_300 = arith.constant 0 : index
    %get3A_301 = arith.constant 0 : index
    %get3A_302 = vector.load %arg4[%get3A_300, %get3A_301] : memref<1x64xf32, #tpu.memory_space<vmem>>, vector<1x64xf32>
    %add3A_303 = vector.broadcast %get3A_302 : vector<1x64xf32> to vector<1024x64xf32>
    %add3A_304 = arith.addf %max3A_299, %add3A_303 : vector<1024x64xf32>
    %swap3A = arith.constant 0 : index
    %swap3A_305 = arith.constant 0 : index
    %swap3A_306 = arith.constant 0 : index
    %swap3A_307 = vector.load %arg8[%swap3A, %swap3A_305, %swap3A_306] : memref<1x1024x64xf32, #tpu.memory_space<vmem>>, vector<1x1024x64xf32>
    %swap3A_308 = vector.shape_cast %swap3A_307 : vector<1x1024x64xf32> to vector<1024x64xf32>
    %swap3A_309 = vector.shape_cast %add3A_304 : vector<1024x64xf32> to vector<1x1024x64xf32>
    tpu.vector_store %arg8[%swap3A, %swap3A_305, %swap3A_306], %swap3A_309 {strides = array<i32>} : memref<1x1024x64xf32, #tpu.memory_space<vmem>>, vector<1x1024x64xf32>,
    %mul3A = arith.mulf %add3A_304, %add3A_304 : vector<1024x64xf32>
    %reduce_sum3A = arith.constant dense<0.000000e+00> : vector<1024xf32>
    %reduce_sum3A_310 = vector.multi_reduction <add>, %mul3A, %reduce_sum3A [1] : vector<1024x64xf32> to vector<1024xf32>
    %broadcast_in_dim3A = vector.shape_cast %reduce_sum3A_310 : vector<1024xf32> to vector<1024x1xf32>
    %broadcast_in_dim3A_311 = arith.constant 1.000000e+00 : f32
    %broadcast_in_dim3A_312 = vector.broadcast %broadcast_in_dim3A_311 : f32 to vector<1024x1xf32>
    %concatenate3A = tpu.concatenate %add3A_304, %broadcast_in_dim3A_312 in 1 : vector<1024x64xf32>, vector<1024x1xf32> -> vector<1024x65xf32>
    %mul3A_313 = arith.constant -5.000000e-01 : f32
    %mul3A_314 = vector.broadcast %mul3A_313 : f32 to vector<1024x1xf32>
    %mul3A_315 = arith.mulf %mul3A_314, %broadcast_in_dim3A : vector<1024x1xf32>
    %concatenate3A_316 = tpu.concatenate %add3A_304, %mul3A_315 in 1 : vector<1024x64xf32>, vector<1024x1xf32> -> vector<1024x65xf32>
    %dot_general3A_317 = arith.constant dense<0.000000e+00> : vector<1024x1024xf32>
    %dot_general3A_318 = tpu.matmul %concatenate3A, %concatenate3A_316, %dot_general3A_317 {dimension_numbers = #tpu.dot_dimension_numbers<[1], [1], [0], [0], [0, 0, 1, 0], [], []>, transpose_lhs_hint = false} : vector<1024x65xf32>, vector<1024x65xf32>, vector<1024x1024xf32> -> vector<1024x1024xf32>
    %mul3A_319 = arith.constant -2.000000e+00 : f32
    %mul3A_320 = vector.broadcast %mul3A_319 : f32 to vector<1024x1024xf32>
    %mul3A_321 = arith.mulf %mul3A_320, %dot_general3A_318 : vector<1024x1024xf32>
    %bitcast_convert_type3A = tpu.bitcast %mul3A_321 : vector<1024x1024xf32> -> vector<1024x1024xi32>
    %lt3A = arith.constant 0 : i32
    %lt3A_322 = vector.broadcast %lt3A : i32 to vector<1024x1024xi32>
    %lt3A_323 = arith.cmpi slt, %bitcast_convert_type3A, %lt3A_322 : vector<1024x1024xi32>
    %xor3A = arith.constant 2147483647 : i32
    %xor3A_324 = vector.broadcast %xor3A : i32 to vector<1024x1024xi32>
    %xor3A_325 = arith.xori %bitcast_convert_type3A, %xor3A_324 : vector<1024x1024xi32>
    %select_n3A = arith.select %lt3A_323, %xor3A_325, %bitcast_convert_type3A : vector<1024x1024xi1>, vector<1024x1024xi32>
    %iota3A = tpu.iota {dimensions = array<i32: 1>} : vector<1024x1024xi32>
    %and3A = arith.constant -1024 : i32
    %and3A_326 = vector.broadcast %and3A : i32 to vector<1024x1024xi32>
    %and3A_327 = arith.andi %select_n3A, %and3A_326 : vector<1024x1024xi32>
    %or3A = arith.ori %and3A_327, %iota3A : vector<1024x1024xi32>
    %swap3A_328 = arith.constant 0 : index
    %swap3A_329 = arith.constant 0 : index
    %swap3A_330 = vector.load %arg12[%swap3A_328, %swap3A_329] : memref<1024x1024xi32, #tpu.memory_space<vmem>>, vector<1024x1024xi32>
    tpu.vector_store %arg12[%swap3A_328, %swap3A_329], %or3A {strides = array<i32>} : memref<1024x1024xi32, #tpu.memory_space<vmem>>, vector<1024x1024xi32>,
    %iota3A_331 = tpu.iota {dimensions = array<i32: 1>} : vector<1024x32xi32>
    %get3A_332 = arith.constant 0 : index
    %get3A_333 = arith.constant 0 : index
    %get3A_334 = vector.load %arg12[%get3A_332, %get3A_333] : memref<1024x1024xi32, #tpu.memory_space<vmem>>, vector<1024x1024xi32>
    %reduce_min3A = arith.constant dense<2147483647> : vector<1024xi32>
    %reduce_min3A_335 = vector.multi_reduction <minsi>, %get3A_334, %reduce_min3A [1] : vector<1024x1024xi32> to vector<1024xi32>
    %broadcast_in_dim3A_336 = vector.shape_cast %reduce_min3A_335 : vector<1024xi32> to vector<1024x1xi32>
    %swap3A_337 = arith.constant 0 : index
    %swap3A_338 = arith.constant 0 : index
    %swap3A_339 = vector.load %arg14[%swap3A_337, %swap3A_338] : memref<1024x1xi32, #tpu.memory_space<vmem>>, vector<1024x1xi32>
    tpu.vector_store %arg14[%swap3A_337, %swap3A_338], %broadcast_in_dim3A_336 {strides = array<i32>} : memref<1024x1xi32, #tpu.memory_space<vmem>>, vector<1024x1xi32>,
    %eq3A = arith.constant 0 : i32
    %eq3A_340 = vector.broadcast %eq3A : i32 to vector<1024x32xi32>
    %eq3A_341 = arith.cmpi eq, %iota3A_331, %eq3A_340 : vector<1024x32xi32>
    %and3A_342 = arith.constant 1023 : i32
    %and3A_343 = vector.broadcast %and3A_342 : i32 to vector<1024x1xi32>
    %and3A_344 = arith.andi %broadcast_in_dim3A_336, %and3A_343 : vector<1024x1xi32>
    %get3A_345 = arith.constant 0 : index
    %get3A_346 = arith.constant 0 : index
    %get3A_347 = vector.load %arg13[%get3A_345, %get3A_346] : memref<1024x32xi32, #tpu.memory_space<vmem>>, vector<1024x32xi32>
    %broadcast_in_dim3A_348 = vector.shape_cast %and3A_344 : vector<1024x1xi32> to vector<1024x1xi32>
    %broadcast_in_dim3A_349 = vector.broadcast %broadcast_in_dim3A_348 : vector<1024x1xi32> to vector<1024x32xi32>
    %select_n3A_350 = arith.select %eq3A_341, %broadcast_in_dim3A_349, %get3A_347 : vector<1024x32xi1>, vector<1024x32xi32>
    %swap3A_351 = arith.constant 0 : index
    %swap3A_352 = arith.constant 0 : index
    %swap3A_353 = vector.load %arg13[%swap3A_351, %swap3A_352] : memref<1024x32xi32, #tpu.memory_space<vmem>>, vector<1024x32xi32>
    tpu.vector_store %arg13[%swap3A_351, %swap3A_352], %select_n3A_350 {strides = array<i32>} : memref<1024x32xi32, #tpu.memory_space<vmem>>, vector<1024x32xi32>,
    %scan3A = arith.constant 2147483647 : i32
    %scan3A_354 = arith.constant 1 : i32
    %scan3A_355 = arith.constant 19 : i32
    %scan3A_356 = arith.addi %scan3A_354, %scan3A_355 : i32
    %scan3A_357 = arith.constant 1 : i32
    scf.for %scan3A_399 = %scan3A_354 to %scan3A_356 step %scan3A_357  : i32 {
      %get3A_400 = arith.constant 0 : index
      %get3A_401 = arith.constant 0 : index
      %get3A_402 = vector.load %arg12[%get3A_400, %get3A_401] : memref<1024x1024xi32, #tpu.memory_space<vmem>>, vector<1024x1024xi32>
      %get3A_403 = arith.constant 0 : index
      %get3A_404 = arith.constant 0 : index
      %get3A_405 = vector.load %arg14[%get3A_403, %get3A_404] : memref<1024x1xi32, #tpu.memory_space<vmem>>, vector<1024x1xi32>
      %gt3A = vector.broadcast %get3A_405 : vector<1024x1xi32> to vector<1024x1024xi32>
      %gt3A_406 = arith.cmpi sgt, %get3A_402, %gt3A : vector<1024x1024xi32>
      %broadcast_in_dim3A_407 = vector.broadcast %scan3A : i32 to vector<1024x1024xi32>
      %select_n3A_408 = arith.select %gt3A_406, %get3A_402, %broadcast_in_dim3A_407 : vector<1024x1024xi1>, vector<1024x1024xi32>
      %reduce_min3A_409 = arith.constant dense<2147483647> : vector<1024xi32>
      %reduce_min3A_410 = vector.multi_reduction <minsi>, %select_n3A_408, %reduce_min3A_409 [1] : vector<1024x1024xi32> to vector<1024xi32>
      %broadcast_in_dim3A_411 = vector.shape_cast %reduce_min3A_410 : vector<1024xi32> to vector<1024x1xi32>
      %swap3A_412 = arith.constant 0 : index
      %swap3A_413 = arith.constant 0 : index
      %swap3A_414 = vector.load %arg14[%swap3A_412, %swap3A_413] : memref<1024x1xi32, #tpu.memory_space<vmem>>, vector<1024x1xi32>
      tpu.vector_store %arg14[%swap3A_412, %swap3A_413], %broadcast_in_dim3A_411 {strides = array<i32>} : memref<1024x1xi32, #tpu.memory_space<vmem>>, vector<1024x1xi32>,
      %eq3A_415 = vector.broadcast %scan3A_399 : i32 to vector<1024x32xi32>
      %eq3A_416 = arith.cmpi eq, %iota3A_331, %eq3A_415 : vector<1024x32xi32>
      %and3A_417 = arith.constant 1023 : i32
      %and3A_418 = vector.broadcast %and3A_417 : i32 to vector<1024x1xi32>
      %and3A_419 = arith.andi %broadcast_in_dim3A_411, %and3A_418 : vector<1024x1xi32>
      %get3A_420 = arith.constant 0 : index
      %get3A_421 = arith.constant 0 : index
      %get3A_422 = vector.load %arg13[%get3A_420, %get3A_421] : memref<1024x32xi32, #tpu.memory_space<vmem>>, vector<1024x32xi32>
      %broadcast_in_dim3A_423 = vector.shape_cast %and3A_419 : vector<1024x1xi32> to vector<1024x1xi32>
      %broadcast_in_dim3A_424 = vector.broadcast %broadcast_in_dim3A_423 : vector<1024x1xi32> to vector<1024x32xi32>
      %select_n3A_425 = arith.select %eq3A_416, %broadcast_in_dim3A_424, %get3A_422 : vector<1024x32xi1>, vector<1024x32xi32>
      %swap3A_426 = arith.constant 0 : index
      %swap3A_427 = arith.constant 0 : index
      %swap3A_428 = vector.load %arg13[%swap3A_426, %swap3A_427] : memref<1024x32xi32, #tpu.memory_space<vmem>>, vector<1024x32xi32>
      tpu.vector_store %arg13[%swap3A_426, %swap3A_427], %select_n3A_425 {strides = array<i32>} : memref<1024x32xi32, #tpu.memory_space<vmem>>, vector<1024x32xi32>,
    }
    %scan3A_358 = arith.constant 19 : i32
    %get3A_359 = arith.constant 0 : index
    %get3A_360 = arith.constant 0 : index
    %get3A_361 = vector.load %arg13[%get3A_359, %get3A_360] : memref<1024x32xi32, #tpu.memory_space<vmem>>, vector<1024x20xi32>
    %mul3A_362 = arith.constant 1024 : i32
    %mul3A_363 = arith.muli %arg0, %mul3A_362 : i32
    %add3A_364 = vector.broadcast %mul3A_363 : i32 to vector<1024x20xi32>
    %add3A_365 = arith.addi %get3A_361, %add3A_364 : vector<1024x20xi32>
    %swap3A_366 = arith.constant 0 : index
    %swap3A_367 = arith.constant 0 : index
    %swap3A_368 = arith.constant 0 : index
    %swap3A_369 = vector.load %arg9[%swap3A_366, %swap3A_367, %swap3A_368] : memref<1x1024x20xi32, #tpu.memory_space<vmem>>, vector<1x1024x20xi32>
    %swap3A_370 = vector.shape_cast %swap3A_369 : vector<1x1024x20xi32> to vector<1024x20xi32>
    %swap3A_371 = vector.shape_cast %add3A_365 : vector<1024x20xi32> to vector<1x1024x20xi32>
    tpu.vector_store %arg9[%swap3A_366, %swap3A_367, %swap3A_368], %swap3A_371 {strides = array<i32>} : memref<1x1024x20xi32, #tpu.memory_space<vmem>>, vector<1x1024x20xi32>,
    %get3A_372 = arith.constant 0 : index
    %get3A_373 = arith.constant 0 : index
    %get3A_374 = vector.load %arg5[%get3A_372, %get3A_373] : memref<64x64xf32, #tpu.memory_space<vmem>>, vector<64x64xf32>
    %dot_general3A_375 = arith.constant dense<0.000000e+00> : vector<1024x64xf32>
    %dot_general3A_376 = tpu.matmul %add3A_304, %get3A_374, %dot_general3A_375 {dimension_numbers = #tpu.dot_dimension_numbers<[1], [0], [0], [1], [0, 0, 1, 1], [], []>, transpose_lhs_hint = false} : vector<1024x64xf32>, vector<64x64xf32>, vector<1024x64xf32> -> vector<1024x64xf32>
    %get3A_377 = arith.constant 0 : index
    %get3A_378 = arith.constant 0 : index
    %get3A_379 = vector.load %arg7[%get3A_377, %get3A_378] : memref<1x64xf32, #tpu.memory_space<vmem>>, vector<1x64xf32>
    %add3A_380 = vector.broadcast %get3A_379 : vector<1x64xf32> to vector<1024x64xf32>
    %add3A_381 = arith.addf %dot_general3A_376, %add3A_380 : vector<1024x64xf32>
    %swap3A_382 = arith.constant 0 : index
    %swap3A_383 = arith.constant 0 : index
    %swap3A_384 = arith.constant 0 : index
    %swap3A_385 = vector.load %arg10[%swap3A_382, %swap3A_383, %swap3A_384] : memref<1x1024x64xf32, #tpu.memory_space<vmem>>, vector<1x1024x64xf32>
    %swap3A_386 = vector.shape_cast %swap3A_385 : vector<1x1024x64xf32> to vector<1024x64xf32>
    %swap3A_387 = vector.shape_cast %add3A_381 : vector<1024x64xf32> to vector<1x1024x64xf32>
    tpu.vector_store %arg10[%swap3A_382, %swap3A_383, %swap3A_384], %swap3A_387 {strides = array<i32>} : memref<1x1024x64xf32, #tpu.memory_space<vmem>>, vector<1x1024x64xf32>,
    %get3A_388 = arith.constant 0 : index
    %get3A_389 = arith.constant 0 : index
    %get3A_390 = vector.load %arg6[%get3A_388, %get3A_389] : memref<64x64xf32, #tpu.memory_space<vmem>>, vector<64x64xf32>
    %dot_general3A_391 = arith.constant dense<0.000000e+00> : vector<1024x64xf32>
    %dot_general3A_392 = tpu.matmul %add3A_304, %get3A_390, %dot_general3A_391 {dimension_numbers = #tpu.dot_dimension_numbers<[1], [0], [0], [1], [0, 0, 1, 1], [], []>, transpose_lhs_hint = false} : vector<1024x64xf32>, vector<64x64xf32>, vector<1024x64xf32> -> vector<1024x64xf32>
    %swap3A_393 = arith.constant 0 : index
    %swap3A_394 = arith.constant 0 : index
    %swap3A_395 = arith.constant 0 : index
    %swap3A_396 = vector.load %arg11[%swap3A_393, %swap3A_394, %swap3A_395] : memref<1x1024x64xf32, #tpu.memory_space<vmem>>, vector<1x1024x64xf32>
    %swap3A_397 = vector.shape_cast %swap3A_396 : vector<1x1024x64xf32> to vector<1024x64xf32>
    %swap3A_398 = vector.shape_cast %dot_general3A_392 : vector<1024x64xf32> to vector<1x1024x64xf32>
    tpu.vector_store %arg11[%swap3A_393, %swap3A_394, %swap3A_395], %swap3A_398 {strides = array<i32>} : memref<1x1024x64xf32, #tpu.memory_space<vmem>>, vector<1x1024x64xf32>,
    return
  }
  func.func @transform_0(%arg0: i32) -> (i32, i32, i32) {
    %c0_i32 = arith.constant 0 : i32
    %c0_i32_0 = arith.constant 0 : i32
    %c0_i32_1 = arith.constant 0 : i32
    return %arg0, %c0_i32, %c0_i32_0 : i32, i32, i32
  }
  func.func @transform_1(%arg0: i32) -> (i32, i32, i32) {
    %c0_i32 = arith.constant 0 : i32
    %c0_i32_0 = arith.constant 0 : i32
    %c0_i32_1 = arith.constant 0 : i32
    return %arg0, %c0_i32, %c0_i32_0 : i32, i32, i32
  }
  func.func @transform_2(%arg0: i32) -> (i32, i32) {
    %c0_i32 = arith.constant 0 : i32
    %c0_i32_0 = arith.constant 0 : i32
    %c0_i32_1 = arith.constant 0 : i32
    return %c0_i32, %c0_i32_0 : i32, i32
  }
  func.func @transform_3(%arg0: i32) -> (i32, i32) {
    %c0_i32 = arith.constant 0 : i32
    %c0_i32_0 = arith.constant 0 : i32
    %c0_i32_1 = arith.constant 0 : i32
    return %c0_i32, %c0_i32_0 : i32, i32
  }
  func.func @transform_4(%arg0: i32) -> (i32, i32) {
    %c0_i32 = arith.constant 0 : i32
    %c0_i32_0 = arith.constant 0 : i32
    %c0_i32_1 = arith.constant 0 : i32
    return %c0_i32, %c0_i32_0 : i32, i32
  }
  func.func @transform_5(%arg0: i32) -> (i32, i32) {
    %c0_i32 = arith.constant 0 : i32
    %c0_i32_0 = arith.constant 0 : i32
    %c0_i32_1 = arith.constant 0 : i32
    return %c0_i32, %c0_i32_0 : i32, i32
  }
  func.func @transform_6(%arg0: i32) -> (i32, i32) {
    %c0_i32 = arith.constant 0 : i32
    %c0_i32_0 = arith.constant 0 : i32
    %c0_i32_1 = arith.constant 0 : i32
    return %c0_i32, %c0_i32_0 : i32, i32
  }
  func.func @transform_7(%arg0: i32) -> (i32, i32, i32) {
    %c0_i32 = arith.constant 0 : i32
    %c0_i32_0 = arith.constant 0 : i32
    %c0_i32_1 = arith.constant 0 : i32
    return %arg0, %c0_i32, %c0_i32_0 : i32, i32, i32
  }
  func.func @transform_8(%arg0: i32) -> (i32, i32, i32) {
    %c0_i32 = arith.constant 0 : i32
    %c0_i32_0 = arith.constant 0 : i32
    %c0_i32_1 = arith.constant 0 : i32
    return %arg0, %c0_i32, %c0_i32_0 : i32, i32, i32
  }
  func.func @transform_9(%arg0: i32) -> (i32, i32, i32) {
    %c0_i32 = arith.constant 0 : i32
    %c0_i32_0 = arith.constant 0 : i32
    %c0_i32_1 = arith.constant 0 : i32
    return %arg0, %c0_i32, %c0_i32_0 : i32, i32, i32
  }
  func.func @transform_10(%arg0: i32) -> (i32, i32, i32) {
    %c0_i32 = arith.constant 0 : i32
    %c0_i32_0 = arith.constant 0 : i32
    %c0_i32_1 = arith.constant 0 : i32
    return %arg0, %c0_i32, %c0_i32_0 : i32, i32, i32
  }
}

module attributes {stable_mosaic.version = 14 : i64} {
  func.func @_tail_body(%arg0: i32, %arg1: memref<1x1024x64xf32, #tpu.memory_space<vmem>>, %arg2: memref<1x20480x64xf32, #tpu.memory_space<vmem>>, %arg3: memref<64x128xf32, #tpu.memory_space<vmem>>, %arg4: memref<1x128xf32, #tpu.memory_space<vmem>>, %arg5: memref<128x384xf32, #tpu.memory_space<vmem>>, %arg6: memref<128x128xf32, #tpu.memory_space<vmem>>, %arg7: memref<1x128xf32, #tpu.memory_space<vmem>>, %arg8: memref<384x128xf32, #tpu.memory_space<vmem>>, %arg9: memref<1x128xf32, #tpu.memory_space<vmem>>, %arg10: memref<128x64xf32, #tpu.memory_space<vmem>>, %arg11: memref<1x64xf32, #tpu.memory_space<vmem>>, %arg12: memref<64x50xf32, #tpu.memory_space<vmem>>, %arg13: memref<1x50xf32, #tpu.memory_space<vmem>>, %arg14: memref<1x1024x50xf32, #tpu.memory_space<vmem>>) attributes {dimension_semantics = [#tpu.dimension_semantics<arbitrary>], iteration_bounds = array<i64: 4>, scalar_prefetch = 0 : i64, scratch_operands = 0 : i64, tpu.core_type = #tpu.core_type<tc>, window_params = [{transform_indices = @transform_0, window_bounds = array<i64: 1, 1024, 64>}, {transform_indices = @transform_1, window_bounds = array<i64: 1, 20480, 64>}, {pipeline_mode = #tpu.pipeline_mode<synchronous>, transform_indices = @transform_2, window_bounds = array<i64: 64, 128>}, {pipeline_mode = #tpu.pipeline_mode<synchronous>, transform_indices = @transform_3, window_bounds = array<i64: 1, 128>}, {pipeline_mode = #tpu.pipeline_mode<synchronous>, transform_indices = @transform_4, window_bounds = array<i64: 128, 384>}, {pipeline_mode = #tpu.pipeline_mode<synchronous>, transform_indices = @transform_5, window_bounds = array<i64: 128, 128>}, {pipeline_mode = #tpu.pipeline_mode<synchronous>, transform_indices = @transform_6, window_bounds = array<i64: 1, 128>}, {pipeline_mode = #tpu.pipeline_mode<synchronous>, transform_indices = @transform_7, window_bounds = array<i64: 384, 128>}, {pipeline_mode = #tpu.pipeline_mode<synchronous>, transform_indices = @transform_8, window_bounds = array<i64: 1, 128>}, {pipeline_mode = #tpu.pipeline_mode<synchronous>, transform_indices = @transform_9, window_bounds = array<i64: 128, 64>}, {pipeline_mode = #tpu.pipeline_mode<synchronous>, transform_indices = @transform_10, window_bounds = array<i64: 1, 64>}, {pipeline_mode = #tpu.pipeline_mode<synchronous>, transform_indices = @transform_11, window_bounds = array<i64: 64, 50>}, {pipeline_mode = #tpu.pipeline_mode<synchronous>, transform_indices = @transform_12, window_bounds = array<i64: 1, 50>}, {transform_indices = @transform_13, window_bounds = array<i64: 1, 1024, 50>}]} {
    %get3A = arith.constant 0 : index
    %get3A_0 = arith.constant 0 : index
    %get3A_1 = arith.constant 0 : index
    %get3A_2 = vector.load %arg1[%get3A, %get3A_0, %get3A_1] : memref<1x1024x64xf32, #tpu.memory_space<vmem>>, vector<1x1024x64xf32>
    %get3A_3 = vector.shape_cast %get3A_2 : vector<1x1024x64xf32> to vector<1024x64xf32>
    %get3A_4 = arith.constant 0 : index
    %get3A_5 = arith.constant 0 : index
    %get3A_6 = arith.constant 0 : index
    %get3A_7 = vector.load %arg2[%get3A_4, %get3A_5, %get3A_6] : memref<1x20480x64xf32, #tpu.memory_space<vmem>>, vector<1x1024x64xf32>
    %get3A_8 = vector.shape_cast %get3A_7 : vector<1x1024x64xf32> to vector<1024x64xf32>
    %add3A = arith.addf %get3A_3, %get3A_8 : vector<1024x64xf32>
    %max3A = arith.constant 0.000000e+00 : f32
    %max3A_9 = vector.broadcast %max3A : f32 to vector<1024x64xf32>
    %max3A_10 = arith.maximumf %add3A, %max3A_9 : vector<1024x64xf32>
    %get3A_11 = arith.constant 0 : index
    %get3A_12 = arith.constant 0 : index
    %get3A_13 = vector.load %arg3[%get3A_11, %get3A_12] : memref<64x128xf32, #tpu.memory_space<vmem>>, vector<64x128xf32>
    %dot_general3A = arith.constant dense<0.000000e+00> : vector<1024x128xf32>
    %dot_general3A_14 = tpu.matmul %max3A_10, %get3A_13, %dot_general3A {dimension_numbers = #tpu.dot_dimension_numbers<[1], [0], [0], [1], [0, 0, 1, 1], [], []>, transpose_lhs_hint = false} : vector<1024x64xf32>, vector<64x128xf32>, vector<1024x128xf32> -> vector<1024x128xf32>
    %get3A_15 = arith.constant 0 : index
    %get3A_16 = arith.constant 1024 : index
    %get3A_17 = arith.constant 0 : index
    %get3A_18 = vector.load %arg2[%get3A_15, %get3A_16, %get3A_17] : memref<1x20480x64xf32, #tpu.memory_space<vmem>>, vector<1x1024x64xf32>
    %get3A_19 = vector.shape_cast %get3A_18 : vector<1x1024x64xf32> to vector<1024x64xf32>
    %add3A_20 = arith.addf %get3A_3, %get3A_19 : vector<1024x64xf32>
    %max3A_21 = arith.constant 0.000000e+00 : f32
    %max3A_22 = vector.broadcast %max3A_21 : f32 to vector<1024x64xf32>
    %max3A_23 = arith.maximumf %add3A_20, %max3A_22 : vector<1024x64xf32>
    %get3A_24 = arith.constant 0 : index
    %get3A_25 = arith.constant 0 : index
    %get3A_26 = vector.load %arg3[%get3A_24, %get3A_25] : memref<64x128xf32, #tpu.memory_space<vmem>>, vector<64x128xf32>
    %dot_general3A_27 = arith.constant dense<0.000000e+00> : vector<1024x128xf32>
    %dot_general3A_28 = tpu.matmul %max3A_23, %get3A_26, %dot_general3A_27 {dimension_numbers = #tpu.dot_dimension_numbers<[1], [0], [0], [1], [0, 0, 1, 1], [], []>, transpose_lhs_hint = false} : vector<1024x64xf32>, vector<64x128xf32>, vector<1024x128xf32> -> vector<1024x128xf32>
    %max3A_29 = arith.maximumf %dot_general3A_14, %dot_general3A_28 : vector<1024x128xf32>
    %get3A_30 = arith.constant 0 : index
    %get3A_31 = arith.constant 2048 : index
    %get3A_32 = arith.constant 0 : index
    %get3A_33 = vector.load %arg2[%get3A_30, %get3A_31, %get3A_32] : memref<1x20480x64xf32, #tpu.memory_space<vmem>>, vector<1x1024x64xf32>
    %get3A_34 = vector.shape_cast %get3A_33 : vector<1x1024x64xf32> to vector<1024x64xf32>
    %add3A_35 = arith.addf %get3A_3, %get3A_34 : vector<1024x64xf32>
    %max3A_36 = arith.constant 0.000000e+00 : f32
    %max3A_37 = vector.broadcast %max3A_36 : f32 to vector<1024x64xf32>
    %max3A_38 = arith.maximumf %add3A_35, %max3A_37 : vector<1024x64xf32>
    %get3A_39 = arith.constant 0 : index
    %get3A_40 = arith.constant 0 : index
    %get3A_41 = vector.load %arg3[%get3A_39, %get3A_40] : memref<64x128xf32, #tpu.memory_space<vmem>>, vector<64x128xf32>
    %dot_general3A_42 = arith.constant dense<0.000000e+00> : vector<1024x128xf32>
    %dot_general3A_43 = tpu.matmul %max3A_38, %get3A_41, %dot_general3A_42 {dimension_numbers = #tpu.dot_dimension_numbers<[1], [0], [0], [1], [0, 0, 1, 1], [], []>, transpose_lhs_hint = false} : vector<1024x64xf32>, vector<64x128xf32>, vector<1024x128xf32> -> vector<1024x128xf32>
    %max3A_44 = arith.maximumf %max3A_29, %dot_general3A_43 : vector<1024x128xf32>
    %get3A_45 = arith.constant 0 : index
    %get3A_46 = arith.constant 3072 : index
    %get3A_47 = arith.constant 0 : index
    %get3A_48 = vector.load %arg2[%get3A_45, %get3A_46, %get3A_47] : memref<1x20480x64xf32, #tpu.memory_space<vmem>>, vector<1x1024x64xf32>
    %get3A_49 = vector.shape_cast %get3A_48 : vector<1x1024x64xf32> to vector<1024x64xf32>
    %add3A_50 = arith.addf %get3A_3, %get3A_49 : vector<1024x64xf32>
    %max3A_51 = arith.constant 0.000000e+00 : f32
    %max3A_52 = vector.broadcast %max3A_51 : f32 to vector<1024x64xf32>
    %max3A_53 = arith.maximumf %add3A_50, %max3A_52 : vector<1024x64xf32>
    %get3A_54 = arith.constant 0 : index
    %get3A_55 = arith.constant 0 : index
    %get3A_56 = vector.load %arg3[%get3A_54, %get3A_55] : memref<64x128xf32, #tpu.memory_space<vmem>>, vector<64x128xf32>
    %dot_general3A_57 = arith.constant dense<0.000000e+00> : vector<1024x128xf32>
    %dot_general3A_58 = tpu.matmul %max3A_53, %get3A_56, %dot_general3A_57 {dimension_numbers = #tpu.dot_dimension_numbers<[1], [0], [0], [1], [0, 0, 1, 1], [], []>, transpose_lhs_hint = false} : vector<1024x64xf32>, vector<64x128xf32>, vector<1024x128xf32> -> vector<1024x128xf32>
    %max3A_59 = arith.maximumf %max3A_44, %dot_general3A_58 : vector<1024x128xf32>
    %get3A_60 = arith.constant 0 : index
    %get3A_61 = arith.constant 4096 : index
    %get3A_62 = arith.constant 0 : index
    %get3A_63 = vector.load %arg2[%get3A_60, %get3A_61, %get3A_62] : memref<1x20480x64xf32, #tpu.memory_space<vmem>>, vector<1x1024x64xf32>
    %get3A_64 = vector.shape_cast %get3A_63 : vector<1x1024x64xf32> to vector<1024x64xf32>
    %add3A_65 = arith.addf %get3A_3, %get3A_64 : vector<1024x64xf32>
    %max3A_66 = arith.constant 0.000000e+00 : f32
    %max3A_67 = vector.broadcast %max3A_66 : f32 to vector<1024x64xf32>
    %max3A_68 = arith.maximumf %add3A_65, %max3A_67 : vector<1024x64xf32>
    %get3A_69 = arith.constant 0 : index
    %get3A_70 = arith.constant 0 : index
    %get3A_71 = vector.load %arg3[%get3A_69, %get3A_70] : memref<64x128xf32, #tpu.memory_space<vmem>>, vector<64x128xf32>
    %dot_general3A_72 = arith.constant dense<0.000000e+00> : vector<1024x128xf32>
    %dot_general3A_73 = tpu.matmul %max3A_68, %get3A_71, %dot_general3A_72 {dimension_numbers = #tpu.dot_dimension_numbers<[1], [0], [0], [1], [0, 0, 1, 1], [], []>, transpose_lhs_hint = false} : vector<1024x64xf32>, vector<64x128xf32>, vector<1024x128xf32> -> vector<1024x128xf32>
    %max3A_74 = arith.maximumf %max3A_59, %dot_general3A_73 : vector<1024x128xf32>
    %get3A_75 = arith.constant 0 : index
    %get3A_76 = arith.constant 5120 : index
    %get3A_77 = arith.constant 0 : index
    %get3A_78 = vector.load %arg2[%get3A_75, %get3A_76, %get3A_77] : memref<1x20480x64xf32, #tpu.memory_space<vmem>>, vector<1x1024x64xf32>
    %get3A_79 = vector.shape_cast %get3A_78 : vector<1x1024x64xf32> to vector<1024x64xf32>
    %add3A_80 = arith.addf %get3A_3, %get3A_79 : vector<1024x64xf32>
    %max3A_81 = arith.constant 0.000000e+00 : f32
    %max3A_82 = vector.broadcast %max3A_81 : f32 to vector<1024x64xf32>
    %max3A_83 = arith.maximumf %add3A_80, %max3A_82 : vector<1024x64xf32>
    %get3A_84 = arith.constant 0 : index
    %get3A_85 = arith.constant 0 : index
    %get3A_86 = vector.load %arg3[%get3A_84, %get3A_85] : memref<64x128xf32, #tpu.memory_space<vmem>>, vector<64x128xf32>
    %dot_general3A_87 = arith.constant dense<0.000000e+00> : vector<1024x128xf32>
    %dot_general3A_88 = tpu.matmul %max3A_83, %get3A_86, %dot_general3A_87 {dimension_numbers = #tpu.dot_dimension_numbers<[1], [0], [0], [1], [0, 0, 1, 1], [], []>, transpose_lhs_hint = false} : vector<1024x64xf32>, vector<64x128xf32>, vector<1024x128xf32> -> vector<1024x128xf32>
    %max3A_89 = arith.maximumf %max3A_74, %dot_general3A_88 : vector<1024x128xf32>
    %get3A_90 = arith.constant 0 : index
    %get3A_91 = arith.constant 6144 : index
    %get3A_92 = arith.constant 0 : index
    %get3A_93 = vector.load %arg2[%get3A_90, %get3A_91, %get3A_92] : memref<1x20480x64xf32, #tpu.memory_space<vmem>>, vector<1x1024x64xf32>
    %get3A_94 = vector.shape_cast %get3A_93 : vector<1x1024x64xf32> to vector<1024x64xf32>
    %add3A_95 = arith.addf %get3A_3, %get3A_94 : vector<1024x64xf32>
    %max3A_96 = arith.constant 0.000000e+00 : f32
    %max3A_97 = vector.broadcast %max3A_96 : f32 to vector<1024x64xf32>
    %max3A_98 = arith.maximumf %add3A_95, %max3A_97 : vector<1024x64xf32>
    %get3A_99 = arith.constant 0 : index
    %get3A_100 = arith.constant 0 : index
    %get3A_101 = vector.load %arg3[%get3A_99, %get3A_100] : memref<64x128xf32, #tpu.memory_space<vmem>>, vector<64x128xf32>
    %dot_general3A_102 = arith.constant dense<0.000000e+00> : vector<1024x128xf32>
    %dot_general3A_103 = tpu.matmul %max3A_98, %get3A_101, %dot_general3A_102 {dimension_numbers = #tpu.dot_dimension_numbers<[1], [0], [0], [1], [0, 0, 1, 1], [], []>, transpose_lhs_hint = false} : vector<1024x64xf32>, vector<64x128xf32>, vector<1024x128xf32> -> vector<1024x128xf32>
    %max3A_104 = arith.maximumf %max3A_89, %dot_general3A_103 : vector<1024x128xf32>
    %get3A_105 = arith.constant 0 : index
    %get3A_106 = arith.constant 7168 : index
    %get3A_107 = arith.constant 0 : index
    %get3A_108 = vector.load %arg2[%get3A_105, %get3A_106, %get3A_107] : memref<1x20480x64xf32, #tpu.memory_space<vmem>>, vector<1x1024x64xf32>
    %get3A_109 = vector.shape_cast %get3A_108 : vector<1x1024x64xf32> to vector<1024x64xf32>
    %add3A_110 = arith.addf %get3A_3, %get3A_109 : vector<1024x64xf32>
    %max3A_111 = arith.constant 0.000000e+00 : f32
    %max3A_112 = vector.broadcast %max3A_111 : f32 to vector<1024x64xf32>
    %max3A_113 = arith.maximumf %add3A_110, %max3A_112 : vector<1024x64xf32>
    %get3A_114 = arith.constant 0 : index
    %get3A_115 = arith.constant 0 : index
    %get3A_116 = vector.load %arg3[%get3A_114, %get3A_115] : memref<64x128xf32, #tpu.memory_space<vmem>>, vector<64x128xf32>
    %dot_general3A_117 = arith.constant dense<0.000000e+00> : vector<1024x128xf32>
    %dot_general3A_118 = tpu.matmul %max3A_113, %get3A_116, %dot_general3A_117 {dimension_numbers = #tpu.dot_dimension_numbers<[1], [0], [0], [1], [0, 0, 1, 1], [], []>, transpose_lhs_hint = false} : vector<1024x64xf32>, vector<64x128xf32>, vector<1024x128xf32> -> vector<1024x128xf32>
    %max3A_119 = arith.maximumf %max3A_104, %dot_general3A_118 : vector<1024x128xf32>
    %get3A_120 = arith.constant 0 : index
    %get3A_121 = arith.constant 8192 : index
    %get3A_122 = arith.constant 0 : index
    %get3A_123 = vector.load %arg2[%get3A_120, %get3A_121, %get3A_122] : memref<1x20480x64xf32, #tpu.memory_space<vmem>>, vector<1x1024x64xf32>
    %get3A_124 = vector.shape_cast %get3A_123 : vector<1x1024x64xf32> to vector<1024x64xf32>
    %add3A_125 = arith.addf %get3A_3, %get3A_124 : vector<1024x64xf32>
    %max3A_126 = arith.constant 0.000000e+00 : f32
    %max3A_127 = vector.broadcast %max3A_126 : f32 to vector<1024x64xf32>
    %max3A_128 = arith.maximumf %add3A_125, %max3A_127 : vector<1024x64xf32>
    %get3A_129 = arith.constant 0 : index
    %get3A_130 = arith.constant 0 : index
    %get3A_131 = vector.load %arg3[%get3A_129, %get3A_130] : memref<64x128xf32, #tpu.memory_space<vmem>>, vector<64x128xf32>
    %dot_general3A_132 = arith.constant dense<0.000000e+00> : vector<1024x128xf32>
    %dot_general3A_133 = tpu.matmul %max3A_128, %get3A_131, %dot_general3A_132 {dimension_numbers = #tpu.dot_dimension_numbers<[1], [0], [0], [1], [0, 0, 1, 1], [], []>, transpose_lhs_hint = false} : vector<1024x64xf32>, vector<64x128xf32>, vector<1024x128xf32> -> vector<1024x128xf32>
    %max3A_134 = arith.maximumf %max3A_119, %dot_general3A_133 : vector<1024x128xf32>
    %get3A_135 = arith.constant 0 : index
    %get3A_136 = arith.constant 9216 : index
    %get3A_137 = arith.constant 0 : index
    %get3A_138 = vector.load %arg2[%get3A_135, %get3A_136, %get3A_137] : memref<1x20480x64xf32, #tpu.memory_space<vmem>>, vector<1x1024x64xf32>
    %get3A_139 = vector.shape_cast %get3A_138 : vector<1x1024x64xf32> to vector<1024x64xf32>
    %add3A_140 = arith.addf %get3A_3, %get3A_139 : vector<1024x64xf32>
    %max3A_141 = arith.constant 0.000000e+00 : f32
    %max3A_142 = vector.broadcast %max3A_141 : f32 to vector<1024x64xf32>
    %max3A_143 = arith.maximumf %add3A_140, %max3A_142 : vector<1024x64xf32>
    %get3A_144 = arith.constant 0 : index
    %get3A_145 = arith.constant 0 : index
    %get3A_146 = vector.load %arg3[%get3A_144, %get3A_145] : memref<64x128xf32, #tpu.memory_space<vmem>>, vector<64x128xf32>
    %dot_general3A_147 = arith.constant dense<0.000000e+00> : vector<1024x128xf32>
    %dot_general3A_148 = tpu.matmul %max3A_143, %get3A_146, %dot_general3A_147 {dimension_numbers = #tpu.dot_dimension_numbers<[1], [0], [0], [1], [0, 0, 1, 1], [], []>, transpose_lhs_hint = false} : vector<1024x64xf32>, vector<64x128xf32>, vector<1024x128xf32> -> vector<1024x128xf32>
    %max3A_149 = arith.maximumf %max3A_134, %dot_general3A_148 : vector<1024x128xf32>
    %get3A_150 = arith.constant 0 : index
    %get3A_151 = arith.constant 10240 : index
    %get3A_152 = arith.constant 0 : index
    %get3A_153 = vector.load %arg2[%get3A_150, %get3A_151, %get3A_152] : memref<1x20480x64xf32, #tpu.memory_space<vmem>>, vector<1x1024x64xf32>
    %get3A_154 = vector.shape_cast %get3A_153 : vector<1x1024x64xf32> to vector<1024x64xf32>
    %add3A_155 = arith.addf %get3A_3, %get3A_154 : vector<1024x64xf32>
    %max3A_156 = arith.constant 0.000000e+00 : f32
    %max3A_157 = vector.broadcast %max3A_156 : f32 to vector<1024x64xf32>
    %max3A_158 = arith.maximumf %add3A_155, %max3A_157 : vector<1024x64xf32>
    %get3A_159 = arith.constant 0 : index
    %get3A_160 = arith.constant 0 : index
    %get3A_161 = vector.load %arg3[%get3A_159, %get3A_160] : memref<64x128xf32, #tpu.memory_space<vmem>>, vector<64x128xf32>
    %dot_general3A_162 = arith.constant dense<0.000000e+00> : vector<1024x128xf32>
    %dot_general3A_163 = tpu.matmul %max3A_158, %get3A_161, %dot_general3A_162 {dimension_numbers = #tpu.dot_dimension_numbers<[1], [0], [0], [1], [0, 0, 1, 1], [], []>, transpose_lhs_hint = false} : vector<1024x64xf32>, vector<64x128xf32>, vector<1024x128xf32> -> vector<1024x128xf32>
    %max3A_164 = arith.maximumf %max3A_149, %dot_general3A_163 : vector<1024x128xf32>
    %get3A_165 = arith.constant 0 : index
    %get3A_166 = arith.constant 11264 : index
    %get3A_167 = arith.constant 0 : index
    %get3A_168 = vector.load %arg2[%get3A_165, %get3A_166, %get3A_167] : memref<1x20480x64xf32, #tpu.memory_space<vmem>>, vector<1x1024x64xf32>
    %get3A_169 = vector.shape_cast %get3A_168 : vector<1x1024x64xf32> to vector<1024x64xf32>
    %add3A_170 = arith.addf %get3A_3, %get3A_169 : vector<1024x64xf32>
    %max3A_171 = arith.constant 0.000000e+00 : f32
    %max3A_172 = vector.broadcast %max3A_171 : f32 to vector<1024x64xf32>
    %max3A_173 = arith.maximumf %add3A_170, %max3A_172 : vector<1024x64xf32>
    %get3A_174 = arith.constant 0 : index
    %get3A_175 = arith.constant 0 : index
    %get3A_176 = vector.load %arg3[%get3A_174, %get3A_175] : memref<64x128xf32, #tpu.memory_space<vmem>>, vector<64x128xf32>
    %dot_general3A_177 = arith.constant dense<0.000000e+00> : vector<1024x128xf32>
    %dot_general3A_178 = tpu.matmul %max3A_173, %get3A_176, %dot_general3A_177 {dimension_numbers = #tpu.dot_dimension_numbers<[1], [0], [0], [1], [0, 0, 1, 1], [], []>, transpose_lhs_hint = false} : vector<1024x64xf32>, vector<64x128xf32>, vector<1024x128xf32> -> vector<1024x128xf32>
    %max3A_179 = arith.maximumf %max3A_164, %dot_general3A_178 : vector<1024x128xf32>
    %get3A_180 = arith.constant 0 : index
    %get3A_181 = arith.constant 12288 : index
    %get3A_182 = arith.constant 0 : index
    %get3A_183 = vector.load %arg2[%get3A_180, %get3A_181, %get3A_182] : memref<1x20480x64xf32, #tpu.memory_space<vmem>>, vector<1x1024x64xf32>
    %get3A_184 = vector.shape_cast %get3A_183 : vector<1x1024x64xf32> to vector<1024x64xf32>
    %add3A_185 = arith.addf %get3A_3, %get3A_184 : vector<1024x64xf32>
    %max3A_186 = arith.constant 0.000000e+00 : f32
    %max3A_187 = vector.broadcast %max3A_186 : f32 to vector<1024x64xf32>
    %max3A_188 = arith.maximumf %add3A_185, %max3A_187 : vector<1024x64xf32>
    %get3A_189 = arith.constant 0 : index
    %get3A_190 = arith.constant 0 : index
    %get3A_191 = vector.load %arg3[%get3A_189, %get3A_190] : memref<64x128xf32, #tpu.memory_space<vmem>>, vector<64x128xf32>
    %dot_general3A_192 = arith.constant dense<0.000000e+00> : vector<1024x128xf32>
    %dot_general3A_193 = tpu.matmul %max3A_188, %get3A_191, %dot_general3A_192 {dimension_numbers = #tpu.dot_dimension_numbers<[1], [0], [0], [1], [0, 0, 1, 1], [], []>, transpose_lhs_hint = false} : vector<1024x64xf32>, vector<64x128xf32>, vector<1024x128xf32> -> vector<1024x128xf32>
    %max3A_194 = arith.maximumf %max3A_179, %dot_general3A_193 : vector<1024x128xf32>
    %get3A_195 = arith.constant 0 : index
    %get3A_196 = arith.constant 13312 : index
    %get3A_197 = arith.constant 0 : index
    %get3A_198 = vector.load %arg2[%get3A_195, %get3A_196, %get3A_197] : memref<1x20480x64xf32, #tpu.memory_space<vmem>>, vector<1x1024x64xf32>
    %get3A_199 = vector.shape_cast %get3A_198 : vector<1x1024x64xf32> to vector<1024x64xf32>
    %add3A_200 = arith.addf %get3A_3, %get3A_199 : vector<1024x64xf32>
    %max3A_201 = arith.constant 0.000000e+00 : f32
    %max3A_202 = vector.broadcast %max3A_201 : f32 to vector<1024x64xf32>
    %max3A_203 = arith.maximumf %add3A_200, %max3A_202 : vector<1024x64xf32>
    %get3A_204 = arith.constant 0 : index
    %get3A_205 = arith.constant 0 : index
    %get3A_206 = vector.load %arg3[%get3A_204, %get3A_205] : memref<64x128xf32, #tpu.memory_space<vmem>>, vector<64x128xf32>
    %dot_general3A_207 = arith.constant dense<0.000000e+00> : vector<1024x128xf32>
    %dot_general3A_208 = tpu.matmul %max3A_203, %get3A_206, %dot_general3A_207 {dimension_numbers = #tpu.dot_dimension_numbers<[1], [0], [0], [1], [0, 0, 1, 1], [], []>, transpose_lhs_hint = false} : vector<1024x64xf32>, vector<64x128xf32>, vector<1024x128xf32> -> vector<1024x128xf32>
    %max3A_209 = arith.maximumf %max3A_194, %dot_general3A_208 : vector<1024x128xf32>
    %get3A_210 = arith.constant 0 : index
    %get3A_211 = arith.constant 14336 : index
    %get3A_212 = arith.constant 0 : index
    %get3A_213 = vector.load %arg2[%get3A_210, %get3A_211, %get3A_212] : memref<1x20480x64xf32, #tpu.memory_space<vmem>>, vector<1x1024x64xf32>
    %get3A_214 = vector.shape_cast %get3A_213 : vector<1x1024x64xf32> to vector<1024x64xf32>
    %add3A_215 = arith.addf %get3A_3, %get3A_214 : vector<1024x64xf32>
    %max3A_216 = arith.constant 0.000000e+00 : f32
    %max3A_217 = vector.broadcast %max3A_216 : f32 to vector<1024x64xf32>
    %max3A_218 = arith.maximumf %add3A_215, %max3A_217 : vector<1024x64xf32>
    %get3A_219 = arith.constant 0 : index
    %get3A_220 = arith.constant 0 : index
    %get3A_221 = vector.load %arg3[%get3A_219, %get3A_220] : memref<64x128xf32, #tpu.memory_space<vmem>>, vector<64x128xf32>
    %dot_general3A_222 = arith.constant dense<0.000000e+00> : vector<1024x128xf32>
    %dot_general3A_223 = tpu.matmul %max3A_218, %get3A_221, %dot_general3A_222 {dimension_numbers = #tpu.dot_dimension_numbers<[1], [0], [0], [1], [0, 0, 1, 1], [], []>, transpose_lhs_hint = false} : vector<1024x64xf32>, vector<64x128xf32>, vector<1024x128xf32> -> vector<1024x128xf32>
    %max3A_224 = arith.maximumf %max3A_209, %dot_general3A_223 : vector<1024x128xf32>
    %get3A_225 = arith.constant 0 : index
    %get3A_226 = arith.constant 15360 : index
    %get3A_227 = arith.constant 0 : index
    %get3A_228 = vector.load %arg2[%get3A_225, %get3A_226, %get3A_227] : memref<1x20480x64xf32, #tpu.memory_space<vmem>>, vector<1x1024x64xf32>
    %get3A_229 = vector.shape_cast %get3A_228 : vector<1x1024x64xf32> to vector<1024x64xf32>
    %add3A_230 = arith.addf %get3A_3, %get3A_229 : vector<1024x64xf32>
    %max3A_231 = arith.constant 0.000000e+00 : f32
    %max3A_232 = vector.broadcast %max3A_231 : f32 to vector<1024x64xf32>
    %max3A_233 = arith.maximumf %add3A_230, %max3A_232 : vector<1024x64xf32>
    %get3A_234 = arith.constant 0 : index
    %get3A_235 = arith.constant 0 : index
    %get3A_236 = vector.load %arg3[%get3A_234, %get3A_235] : memref<64x128xf32, #tpu.memory_space<vmem>>, vector<64x128xf32>
    %dot_general3A_237 = arith.constant dense<0.000000e+00> : vector<1024x128xf32>
    %dot_general3A_238 = tpu.matmul %max3A_233, %get3A_236, %dot_general3A_237 {dimension_numbers = #tpu.dot_dimension_numbers<[1], [0], [0], [1], [0, 0, 1, 1], [], []>, transpose_lhs_hint = false} : vector<1024x64xf32>, vector<64x128xf32>, vector<1024x128xf32> -> vector<1024x128xf32>
    %max3A_239 = arith.maximumf %max3A_224, %dot_general3A_238 : vector<1024x128xf32>
    %get3A_240 = arith.constant 0 : index
    %get3A_241 = arith.constant 16384 : index
    %get3A_242 = arith.constant 0 : index
    %get3A_243 = vector.load %arg2[%get3A_240, %get3A_241, %get3A_242] : memref<1x20480x64xf32, #tpu.memory_space<vmem>>, vector<1x1024x64xf32>
    %get3A_244 = vector.shape_cast %get3A_243 : vector<1x1024x64xf32> to vector<1024x64xf32>
    %add3A_245 = arith.addf %get3A_3, %get3A_244 : vector<1024x64xf32>
    %max3A_246 = arith.constant 0.000000e+00 : f32
    %max3A_247 = vector.broadcast %max3A_246 : f32 to vector<1024x64xf32>
    %max3A_248 = arith.maximumf %add3A_245, %max3A_247 : vector<1024x64xf32>
    %get3A_249 = arith.constant 0 : index
    %get3A_250 = arith.constant 0 : index
    %get3A_251 = vector.load %arg3[%get3A_249, %get3A_250] : memref<64x128xf32, #tpu.memory_space<vmem>>, vector<64x128xf32>
    %dot_general3A_252 = arith.constant dense<0.000000e+00> : vector<1024x128xf32>
    %dot_general3A_253 = tpu.matmul %max3A_248, %get3A_251, %dot_general3A_252 {dimension_numbers = #tpu.dot_dimension_numbers<[1], [0], [0], [1], [0, 0, 1, 1], [], []>, transpose_lhs_hint = false} : vector<1024x64xf32>, vector<64x128xf32>, vector<1024x128xf32> -> vector<1024x128xf32>
    %max3A_254 = arith.maximumf %max3A_239, %dot_general3A_253 : vector<1024x128xf32>
    %get3A_255 = arith.constant 0 : index
    %get3A_256 = arith.constant 17408 : index
    %get3A_257 = arith.constant 0 : index
    %get3A_258 = vector.load %arg2[%get3A_255, %get3A_256, %get3A_257] : memref<1x20480x64xf32, #tpu.memory_space<vmem>>, vector<1x1024x64xf32>
    %get3A_259 = vector.shape_cast %get3A_258 : vector<1x1024x64xf32> to vector<1024x64xf32>
    %add3A_260 = arith.addf %get3A_3, %get3A_259 : vector<1024x64xf32>
    %max3A_261 = arith.constant 0.000000e+00 : f32
    %max3A_262 = vector.broadcast %max3A_261 : f32 to vector<1024x64xf32>
    %max3A_263 = arith.maximumf %add3A_260, %max3A_262 : vector<1024x64xf32>
    %get3A_264 = arith.constant 0 : index
    %get3A_265 = arith.constant 0 : index
    %get3A_266 = vector.load %arg3[%get3A_264, %get3A_265] : memref<64x128xf32, #tpu.memory_space<vmem>>, vector<64x128xf32>
    %dot_general3A_267 = arith.constant dense<0.000000e+00> : vector<1024x128xf32>
    %dot_general3A_268 = tpu.matmul %max3A_263, %get3A_266, %dot_general3A_267 {dimension_numbers = #tpu.dot_dimension_numbers<[1], [0], [0], [1], [0, 0, 1, 1], [], []>, transpose_lhs_hint = false} : vector<1024x64xf32>, vector<64x128xf32>, vector<1024x128xf32> -> vector<1024x128xf32>
    %max3A_269 = arith.maximumf %max3A_254, %dot_general3A_268 : vector<1024x128xf32>
    %get3A_270 = arith.constant 0 : index
    %get3A_271 = arith.constant 18432 : index
    %get3A_272 = arith.constant 0 : index
    %get3A_273 = vector.load %arg2[%get3A_270, %get3A_271, %get3A_272] : memref<1x20480x64xf32, #tpu.memory_space<vmem>>, vector<1x1024x64xf32>
    %get3A_274 = vector.shape_cast %get3A_273 : vector<1x1024x64xf32> to vector<1024x64xf32>
    %add3A_275 = arith.addf %get3A_3, %get3A_274 : vector<1024x64xf32>
    %max3A_276 = arith.constant 0.000000e+00 : f32
    %max3A_277 = vector.broadcast %max3A_276 : f32 to vector<1024x64xf32>
    %max3A_278 = arith.maximumf %add3A_275, %max3A_277 : vector<1024x64xf32>
    %get3A_279 = arith.constant 0 : index
    %get3A_280 = arith.constant 0 : index
    %get3A_281 = vector.load %arg3[%get3A_279, %get3A_280] : memref<64x128xf32, #tpu.memory_space<vmem>>, vector<64x128xf32>
    %dot_general3A_282 = arith.constant dense<0.000000e+00> : vector<1024x128xf32>
    %dot_general3A_283 = tpu.matmul %max3A_278, %get3A_281, %dot_general3A_282 {dimension_numbers = #tpu.dot_dimension_numbers<[1], [0], [0], [1], [0, 0, 1, 1], [], []>, transpose_lhs_hint = false} : vector<1024x64xf32>, vector<64x128xf32>, vector<1024x128xf32> -> vector<1024x128xf32>
    %max3A_284 = arith.maximumf %max3A_269, %dot_general3A_283 : vector<1024x128xf32>
    %get3A_285 = arith.constant 0 : index
    %get3A_286 = arith.constant 19456 : index
    %get3A_287 = arith.constant 0 : index
    %get3A_288 = vector.load %arg2[%get3A_285, %get3A_286, %get3A_287] : memref<1x20480x64xf32, #tpu.memory_space<vmem>>, vector<1x1024x64xf32>
    %get3A_289 = vector.shape_cast %get3A_288 : vector<1x1024x64xf32> to vector<1024x64xf32>
    %add3A_290 = arith.addf %get3A_3, %get3A_289 : vector<1024x64xf32>
    %max3A_291 = arith.constant 0.000000e+00 : f32
    %max3A_292 = vector.broadcast %max3A_291 : f32 to vector<1024x64xf32>
    %max3A_293 = arith.maximumf %add3A_290, %max3A_292 : vector<1024x64xf32>
    %get3A_294 = arith.constant 0 : index
    %get3A_295 = arith.constant 0 : index
    %get3A_296 = vector.load %arg3[%get3A_294, %get3A_295] : memref<64x128xf32, #tpu.memory_space<vmem>>, vector<64x128xf32>
    %dot_general3A_297 = arith.constant dense<0.000000e+00> : vector<1024x128xf32>
    %dot_general3A_298 = tpu.matmul %max3A_293, %get3A_296, %dot_general3A_297 {dimension_numbers = #tpu.dot_dimension_numbers<[1], [0], [0], [1], [0, 0, 1, 1], [], []>, transpose_lhs_hint = false} : vector<1024x64xf32>, vector<64x128xf32>, vector<1024x128xf32> -> vector<1024x128xf32>
    %max3A_299 = arith.maximumf %max3A_284, %dot_general3A_298 : vector<1024x128xf32>
    %get3A_300 = arith.constant 0 : index
    %get3A_301 = arith.constant 0 : index
    %get3A_302 = vector.load %arg4[%get3A_300, %get3A_301] : memref<1x128xf32, #tpu.memory_space<vmem>>, vector<1x128xf32>
    %add3A_303 = vector.broadcast %get3A_302 : vector<1x128xf32> to vector<1024x128xf32>
    %add3A_304 = arith.addf %max3A_299, %add3A_303 : vector<1024x128xf32>
    %reduce_max3A = arith.constant dense<0xFF800000> : vector<128xf32>
    %reduce_max3A_305 = vector.multi_reduction <maximumf>, %add3A_304, %reduce_max3A [0] : vector<1024x128xf32> to vector<128xf32>
    %broadcast_in_dim3A = vector.shape_cast %reduce_max3A_305 : vector<128xf32> to vector<1x128xf32>
    %get3A_306 = arith.constant 0 : index
    %get3A_307 = arith.constant 0 : index
    %get3A_308 = vector.load %arg5[%get3A_306, %get3A_307] : memref<128x384xf32, #tpu.memory_space<vmem>>, vector<128x384xf32>
    %dot_general3A_309 = arith.constant dense<0.000000e+00> : vector<1024x384xf32>
    %dot_general3A_310 = tpu.matmul %add3A_304, %get3A_308, %dot_general3A_309 {dimension_numbers = #tpu.dot_dimension_numbers<[1], [0], [0], [1], [0, 0, 1, 1], [], []>, transpose_lhs_hint = false} : vector<1024x128xf32>, vector<128x384xf32>, vector<1024x384xf32> -> vector<1024x384xf32>
    %slice3A = vector.extract_strided_slice %dot_general3A_310 {offsets = [0, 0], sizes = [1024, 32], strides = [1, 1]} : vector<1024x384xf32> to vector<1024x32xf32>
    %mul3A = arith.constant 0.176776692 : f32
    %mul3A_311 = vector.broadcast %mul3A : f32 to vector<1024x32xf32>
    %mul3A_312 = arith.mulf %slice3A, %mul3A_311 : vector<1024x32xf32>
    %slice3A_313 = vector.extract_strided_slice %dot_general3A_310 {offsets = [0, 128], sizes = [1024, 32], strides = [1, 1]} : vector<1024x384xf32> to vector<1024x32xf32>
    %slice3A_314 = vector.extract_strided_slice %dot_general3A_310 {offsets = [0, 256], sizes = [1024, 32], strides = [1, 1]} : vector<1024x384xf32> to vector<1024x32xf32>
    %dot_general3A_315 = arith.constant dense<0.000000e+00> : vector<1024x1024xf32>
    %dot_general3A_316 = tpu.matmul %mul3A_312, %slice3A_313, %dot_general3A_315 {dimension_numbers = #tpu.dot_dimension_numbers<[1], [1], [0], [0], [0, 0, 1, 0], [], []>, transpose_lhs_hint = false} : vector<1024x32xf32>, vector<1024x32xf32>, vector<1024x1024xf32> -> vector<1024x1024xf32>
    %exp3A = math.exp %dot_general3A_316 : vector<1024x1024xf32>
    %reduce_sum3A = arith.constant dense<0.000000e+00> : vector<1024xf32>
    %reduce_sum3A_317 = vector.multi_reduction <add>, %exp3A, %reduce_sum3A [1] : vector<1024x1024xf32> to vector<1024xf32>
    %broadcast_in_dim3A_318 = vector.shape_cast %reduce_sum3A_317 : vector<1024xf32> to vector<1024x1xf32>
    %div3A = arith.constant 1.000000e+00 : f32
    %div3A_319 = vector.broadcast %div3A : f32 to vector<1024x1xf32>
    %div3A_320 = arith.divf %div3A_319, %broadcast_in_dim3A_318 : vector<1024x1xf32>
    %dot_general3A_321 = arith.constant dense<0.000000e+00> : vector<1024x32xf32>
    %dot_general3A_322 = tpu.matmul %exp3A, %slice3A_314, %dot_general3A_321 {dimension_numbers = #tpu.dot_dimension_numbers<[1], [0], [0], [1], [0, 0, 1, 1], [], []>, transpose_lhs_hint = false} : vector<1024x1024xf32>, vector<1024x32xf32>, vector<1024x32xf32> -> vector<1024x32xf32>
    %mul3A_323 = vector.broadcast %div3A_320 : vector<1024x1xf32> to vector<1024x32xf32>
    %mul3A_324 = arith.mulf %dot_general3A_322, %mul3A_323 : vector<1024x32xf32>
    %slice3A_325 = vector.extract_strided_slice %dot_general3A_310 {offsets = [0, 32], sizes = [1024, 32], strides = [1, 1]} : vector<1024x384xf32> to vector<1024x32xf32>
    %mul3A_326 = arith.constant 0.176776692 : f32
    %mul3A_327 = vector.broadcast %mul3A_326 : f32 to vector<1024x32xf32>
    %mul3A_328 = arith.mulf %slice3A_325, %mul3A_327 : vector<1024x32xf32>
    %slice3A_329 = vector.extract_strided_slice %dot_general3A_310 {offsets = [0, 160], sizes = [1024, 32], strides = [1, 1]} : vector<1024x384xf32> to vector<1024x32xf32>
    %slice3A_330 = vector.extract_strided_slice %dot_general3A_310 {offsets = [0, 288], sizes = [1024, 32], strides = [1, 1]} : vector<1024x384xf32> to vector<1024x32xf32>
    %dot_general3A_331 = arith.constant dense<0.000000e+00> : vector<1024x1024xf32>
    %dot_general3A_332 = tpu.matmul %mul3A_328, %slice3A_329, %dot_general3A_331 {dimension_numbers = #tpu.dot_dimension_numbers<[1], [1], [0], [0], [0, 0, 1, 0], [], []>, transpose_lhs_hint = false} : vector<1024x32xf32>, vector<1024x32xf32>, vector<1024x1024xf32> -> vector<1024x1024xf32>
    %exp3A_333 = math.exp %dot_general3A_332 : vector<1024x1024xf32>
    %reduce_sum3A_334 = arith.constant dense<0.000000e+00> : vector<1024xf32>
    %reduce_sum3A_335 = vector.multi_reduction <add>, %exp3A_333, %reduce_sum3A_334 [1] : vector<1024x1024xf32> to vector<1024xf32>
    %broadcast_in_dim3A_336 = vector.shape_cast %reduce_sum3A_335 : vector<1024xf32> to vector<1024x1xf32>
    %div3A_337 = arith.constant 1.000000e+00 : f32
    %div3A_338 = vector.broadcast %div3A_337 : f32 to vector<1024x1xf32>
    %div3A_339 = arith.divf %div3A_338, %broadcast_in_dim3A_336 : vector<1024x1xf32>
    %dot_general3A_340 = arith.constant dense<0.000000e+00> : vector<1024x32xf32>
    %dot_general3A_341 = tpu.matmul %exp3A_333, %slice3A_330, %dot_general3A_340 {dimension_numbers = #tpu.dot_dimension_numbers<[1], [0], [0], [1], [0, 0, 1, 1], [], []>, transpose_lhs_hint = false} : vector<1024x1024xf32>, vector<1024x32xf32>, vector<1024x32xf32> -> vector<1024x32xf32>
    %mul3A_342 = vector.broadcast %div3A_339 : vector<1024x1xf32> to vector<1024x32xf32>
    %mul3A_343 = arith.mulf %dot_general3A_341, %mul3A_342 : vector<1024x32xf32>
    %slice3A_344 = vector.extract_strided_slice %dot_general3A_310 {offsets = [0, 64], sizes = [1024, 32], strides = [1, 1]} : vector<1024x384xf32> to vector<1024x32xf32>
    %mul3A_345 = arith.constant 0.176776692 : f32
    %mul3A_346 = vector.broadcast %mul3A_345 : f32 to vector<1024x32xf32>
    %mul3A_347 = arith.mulf %slice3A_344, %mul3A_346 : vector<1024x32xf32>
    %slice3A_348 = vector.extract_strided_slice %dot_general3A_310 {offsets = [0, 192], sizes = [1024, 32], strides = [1, 1]} : vector<1024x384xf32> to vector<1024x32xf32>
    %slice3A_349 = vector.extract_strided_slice %dot_general3A_310 {offsets = [0, 320], sizes = [1024, 32], strides = [1, 1]} : vector<1024x384xf32> to vector<1024x32xf32>
    %dot_general3A_350 = arith.constant dense<0.000000e+00> : vector<1024x1024xf32>
    %dot_general3A_351 = tpu.matmul %mul3A_347, %slice3A_348, %dot_general3A_350 {dimension_numbers = #tpu.dot_dimension_numbers<[1], [1], [0], [0], [0, 0, 1, 0], [], []>, transpose_lhs_hint = false} : vector<1024x32xf32>, vector<1024x32xf32>, vector<1024x1024xf32> -> vector<1024x1024xf32>
    %exp3A_352 = math.exp %dot_general3A_351 : vector<1024x1024xf32>
    %reduce_sum3A_353 = arith.constant dense<0.000000e+00> : vector<1024xf32>
    %reduce_sum3A_354 = vector.multi_reduction <add>, %exp3A_352, %reduce_sum3A_353 [1] : vector<1024x1024xf32> to vector<1024xf32>
    %broadcast_in_dim3A_355 = vector.shape_cast %reduce_sum3A_354 : vector<1024xf32> to vector<1024x1xf32>
    %div3A_356 = arith.constant 1.000000e+00 : f32
    %div3A_357 = vector.broadcast %div3A_356 : f32 to vector<1024x1xf32>
    %div3A_358 = arith.divf %div3A_357, %broadcast_in_dim3A_355 : vector<1024x1xf32>
    %dot_general3A_359 = arith.constant dense<0.000000e+00> : vector<1024x32xf32>
    %dot_general3A_360 = tpu.matmul %exp3A_352, %slice3A_349, %dot_general3A_359 {dimension_numbers = #tpu.dot_dimension_numbers<[1], [0], [0], [1], [0, 0, 1, 1], [], []>, transpose_lhs_hint = false} : vector<1024x1024xf32>, vector<1024x32xf32>, vector<1024x32xf32> -> vector<1024x32xf32>
    %mul3A_361 = vector.broadcast %div3A_358 : vector<1024x1xf32> to vector<1024x32xf32>
    %mul3A_362 = arith.mulf %dot_general3A_360, %mul3A_361 : vector<1024x32xf32>
    %slice3A_363 = vector.extract_strided_slice %dot_general3A_310 {offsets = [0, 96], sizes = [1024, 32], strides = [1, 1]} : vector<1024x384xf32> to vector<1024x32xf32>
    %mul3A_364 = arith.constant 0.176776692 : f32
    %mul3A_365 = vector.broadcast %mul3A_364 : f32 to vector<1024x32xf32>
    %mul3A_366 = arith.mulf %slice3A_363, %mul3A_365 : vector<1024x32xf32>
    %slice3A_367 = vector.extract_strided_slice %dot_general3A_310 {offsets = [0, 224], sizes = [1024, 32], strides = [1, 1]} : vector<1024x384xf32> to vector<1024x32xf32>
    %slice3A_368 = vector.extract_strided_slice %dot_general3A_310 {offsets = [0, 352], sizes = [1024, 32], strides = [1, 1]} : vector<1024x384xf32> to vector<1024x32xf32>
    %dot_general3A_369 = arith.constant dense<0.000000e+00> : vector<1024x1024xf32>
    %dot_general3A_370 = tpu.matmul %mul3A_366, %slice3A_367, %dot_general3A_369 {dimension_numbers = #tpu.dot_dimension_numbers<[1], [1], [0], [0], [0, 0, 1, 0], [], []>, transpose_lhs_hint = false} : vector<1024x32xf32>, vector<1024x32xf32>, vector<1024x1024xf32> -> vector<1024x1024xf32>
    %exp3A_371 = math.exp %dot_general3A_370 : vector<1024x1024xf32>
    %reduce_sum3A_372 = arith.constant dense<0.000000e+00> : vector<1024xf32>
    %reduce_sum3A_373 = vector.multi_reduction <add>, %exp3A_371, %reduce_sum3A_372 [1] : vector<1024x1024xf32> to vector<1024xf32>
    %broadcast_in_dim3A_374 = vector.shape_cast %reduce_sum3A_373 : vector<1024xf32> to vector<1024x1xf32>
    %div3A_375 = arith.constant 1.000000e+00 : f32
    %div3A_376 = vector.broadcast %div3A_375 : f32 to vector<1024x1xf32>
    %div3A_377 = arith.divf %div3A_376, %broadcast_in_dim3A_374 : vector<1024x1xf32>
    %dot_general3A_378 = arith.constant dense<0.000000e+00> : vector<1024x32xf32>
    %dot_general3A_379 = tpu.matmul %exp3A_371, %slice3A_368, %dot_general3A_378 {dimension_numbers = #tpu.dot_dimension_numbers<[1], [0], [0], [1], [0, 0, 1, 1], [], []>, transpose_lhs_hint = false} : vector<1024x1024xf32>, vector<1024x32xf32>, vector<1024x32xf32> -> vector<1024x32xf32>
    %mul3A_380 = vector.broadcast %div3A_377 : vector<1024x1xf32> to vector<1024x32xf32>
    %mul3A_381 = arith.mulf %dot_general3A_379, %mul3A_380 : vector<1024x32xf32>
    %concatenate3A = tpu.concatenate %mul3A_324, %mul3A_343, %mul3A_362, %mul3A_381 in 1 : vector<1024x32xf32>, vector<1024x32xf32>, vector<1024x32xf32>, vector<1024x32xf32> -> vector<1024x128xf32>
    %get3A_382 = arith.constant 0 : index
    %get3A_383 = arith.constant 0 : index
    %get3A_384 = vector.load %arg6[%get3A_382, %get3A_383] : memref<128x128xf32, #tpu.memory_space<vmem>>, vector<128x128xf32>
    %dot_general3A_385 = arith.constant dense<0.000000e+00> : vector<1024x128xf32>
    %dot_general3A_386 = tpu.matmul %concatenate3A, %get3A_384, %dot_general3A_385 {dimension_numbers = #tpu.dot_dimension_numbers<[1], [0], [0], [1], [0, 0, 1, 1], [], []>, transpose_lhs_hint = false} : vector<1024x128xf32>, vector<128x128xf32>, vector<1024x128xf32> -> vector<1024x128xf32>
    %get3A_387 = arith.constant 0 : index
    %get3A_388 = arith.constant 0 : index
    %get3A_389 = vector.load %arg7[%get3A_387, %get3A_388] : memref<1x128xf32, #tpu.memory_space<vmem>>, vector<1x128xf32>
    %add3A_390 = vector.broadcast %get3A_389 : vector<1x128xf32> to vector<1024x128xf32>
    %add3A_391 = arith.addf %dot_general3A_386, %add3A_390 : vector<1024x128xf32>
    %broadcast_in_dim3A_392 = vector.shape_cast %broadcast_in_dim3A : vector<1x128xf32> to vector<1x128xf32>
    %broadcast_in_dim3A_393 = vector.broadcast %broadcast_in_dim3A_392 : vector<1x128xf32> to vector<1024x128xf32>
    %concatenate3A_394 = tpu.concatenate %add3A_304, %broadcast_in_dim3A_393, %add3A_391 in 1 : vector<1024x128xf32>, vector<1024x128xf32>, vector<1024x128xf32> -> vector<1024x384xf32>
    %get3A_395 = arith.constant 0 : index
    %get3A_396 = arith.constant 0 : index
    %get3A_397 = vector.load %arg8[%get3A_395, %get3A_396] : memref<384x128xf32, #tpu.memory_space<vmem>>, vector<384x128xf32>
    %dot_general3A_398 = arith.constant dense<0.000000e+00> : vector<1024x128xf32>
    %dot_general3A_399 = tpu.matmul %concatenate3A_394, %get3A_397, %dot_general3A_398 {dimension_numbers = #tpu.dot_dimension_numbers<[1], [0], [0], [1], [0, 0, 1, 1], [], []>, transpose_lhs_hint = false} : vector<1024x384xf32>, vector<384x128xf32>, vector<1024x128xf32> -> vector<1024x128xf32>
    %get3A_400 = arith.constant 0 : index
    %get3A_401 = arith.constant 0 : index
    %get3A_402 = vector.load %arg9[%get3A_400, %get3A_401] : memref<1x128xf32, #tpu.memory_space<vmem>>, vector<1x128xf32>
    %add3A_403 = vector.broadcast %get3A_402 : vector<1x128xf32> to vector<1024x128xf32>
    %add3A_404 = arith.addf %dot_general3A_399, %add3A_403 : vector<1024x128xf32>
    %max3A_405 = arith.constant 0.000000e+00 : f32
    %max3A_406 = vector.broadcast %max3A_405 : f32 to vector<1024x128xf32>
    %max3A_407 = arith.maximumf %add3A_404, %max3A_406 : vector<1024x128xf32>
    %get3A_408 = arith.constant 0 : index
    %get3A_409 = arith.constant 0 : index
    %get3A_410 = vector.load %arg10[%get3A_408, %get3A_409] : memref<128x64xf32, #tpu.memory_space<vmem>>, vector<128x64xf32>
    %dot_general3A_411 = arith.constant dense<0.000000e+00> : vector<1024x64xf32>
    %dot_general3A_412 = tpu.matmul %max3A_407, %get3A_410, %dot_general3A_411 {dimension_numbers = #tpu.dot_dimension_numbers<[1], [0], [0], [1], [0, 0, 1, 1], [], []>, transpose_lhs_hint = false} : vector<1024x128xf32>, vector<128x64xf32>, vector<1024x64xf32> -> vector<1024x64xf32>
    %get3A_413 = arith.constant 0 : index
    %get3A_414 = arith.constant 0 : index
    %get3A_415 = vector.load %arg11[%get3A_413, %get3A_414] : memref<1x64xf32, #tpu.memory_space<vmem>>, vector<1x64xf32>
    %add3A_416 = vector.broadcast %get3A_415 : vector<1x64xf32> to vector<1024x64xf32>
    %add3A_417 = arith.addf %dot_general3A_412, %add3A_416 : vector<1024x64xf32>
    %max3A_418 = arith.constant 0.000000e+00 : f32
    %max3A_419 = vector.broadcast %max3A_418 : f32 to vector<1024x64xf32>
    %max3A_420 = arith.maximumf %add3A_417, %max3A_419 : vector<1024x64xf32>
    %get3A_421 = arith.constant 0 : index
    %get3A_422 = arith.constant 0 : index
    %get3A_423 = vector.load %arg12[%get3A_421, %get3A_422] : memref<64x50xf32, #tpu.memory_space<vmem>>, vector<64x50xf32>
    %dot_general3A_424 = arith.constant dense<0.000000e+00> : vector<1024x50xf32>
    %dot_general3A_425 = tpu.matmul %max3A_420, %get3A_423, %dot_general3A_424 {dimension_numbers = #tpu.dot_dimension_numbers<[1], [0], [0], [1], [0, 0, 1, 1], [], []>, transpose_lhs_hint = false} : vector<1024x64xf32>, vector<64x50xf32>, vector<1024x50xf32> -> vector<1024x50xf32>
    %get3A_426 = arith.constant 0 : index
    %get3A_427 = arith.constant 0 : index
    %get3A_428 = vector.load %arg13[%get3A_426, %get3A_427] : memref<1x50xf32, #tpu.memory_space<vmem>>, vector<1x50xf32>
    %add3A_429 = vector.broadcast %get3A_428 : vector<1x50xf32> to vector<1024x50xf32>
    %add3A_430 = arith.addf %dot_general3A_425, %add3A_429 : vector<1024x50xf32>
    %reduce_max3A_431 = arith.constant dense<0xFF800000> : vector<1024xf32>
    %reduce_max3A_432 = vector.multi_reduction <maximumf>, %add3A_430, %reduce_max3A_431 [1] : vector<1024x50xf32> to vector<1024xf32>
    %broadcast_in_dim3A_433 = vector.shape_cast %reduce_max3A_432 : vector<1024xf32> to vector<1024x1xf32>
    %sub3A = vector.broadcast %broadcast_in_dim3A_433 : vector<1024x1xf32> to vector<1024x50xf32>
    %sub3A_434 = arith.subf %add3A_430, %sub3A : vector<1024x50xf32>
    %exp3A_435 = math.exp %sub3A_434 : vector<1024x50xf32>
    %reduce_sum3A_436 = arith.constant dense<0.000000e+00> : vector<1024xf32>
    %reduce_sum3A_437 = vector.multi_reduction <add>, %exp3A_435, %reduce_sum3A_436 [1] : vector<1024x50xf32> to vector<1024xf32>
    %broadcast_in_dim3A_438 = vector.shape_cast %reduce_sum3A_437 : vector<1024xf32> to vector<1024x1xf32>
    %log3A = math.log %broadcast_in_dim3A_438 : vector<1024x1xf32>
    %sub3A_439 = vector.broadcast %log3A : vector<1024x1xf32> to vector<1024x50xf32>
    %sub3A_440 = arith.subf %sub3A_434, %sub3A_439 : vector<1024x50xf32>
    %swap3A = arith.constant 0 : index
    %swap3A_441 = arith.constant 0 : index
    %swap3A_442 = arith.constant 0 : index
    %swap3A_443 = vector.load %arg14[%swap3A, %swap3A_441, %swap3A_442] : memref<1x1024x50xf32, #tpu.memory_space<vmem>>, vector<1x1024x50xf32>
    %swap3A_444 = vector.shape_cast %swap3A_443 : vector<1x1024x50xf32> to vector<1024x50xf32>
    %swap3A_445 = vector.shape_cast %sub3A_440 : vector<1024x50xf32> to vector<1x1024x50xf32>
    tpu.vector_store %arg14[%swap3A, %swap3A_441, %swap3A_442], %swap3A_445 {strides = array<i32>} : memref<1x1024x50xf32, #tpu.memory_space<vmem>>, vector<1x1024x50xf32>,
    return
  }
  func.func @transform_0(%arg0: i32) -> (i32, i32, i32) {
    %c0_i32 = arith.constant 0 : i32
    %c0_i32_0 = arith.constant 0 : i32
    %c0_i32_1 = arith.constant 0 : i32
    return %arg0, %c0_i32, %c0_i32_0 : i32, i32, i32
  }
  func.func @transform_1(%arg0: i32) -> (i32, i32, i32) {
    %c0_i32 = arith.constant 0 : i32
    %c0_i32_0 = arith.constant 0 : i32
    %c0_i32_1 = arith.constant 0 : i32
    return %arg0, %c0_i32, %c0_i32_0 : i32, i32, i32
  }
  func.func @transform_2(%arg0: i32) -> (i32, i32) {
    %c0_i32 = arith.constant 0 : i32
    %c0_i32_0 = arith.constant 0 : i32
    %c0_i32_1 = arith.constant 0 : i32
    return %c0_i32, %c0_i32_0 : i32, i32
  }
  func.func @transform_3(%arg0: i32) -> (i32, i32) {
    %c0_i32 = arith.constant 0 : i32
    %c0_i32_0 = arith.constant 0 : i32
    %c0_i32_1 = arith.constant 0 : i32
    return %c0_i32, %c0_i32_0 : i32, i32
  }
  func.func @transform_4(%arg0: i32) -> (i32, i32) {
    %c0_i32 = arith.constant 0 : i32
    %c0_i32_0 = arith.constant 0 : i32
    %c0_i32_1 = arith.constant 0 : i32
    return %c0_i32, %c0_i32_0 : i32, i32
  }
  func.func @transform_5(%arg0: i32) -> (i32, i32) {
    %c0_i32 = arith.constant 0 : i32
    %c0_i32_0 = arith.constant 0 : i32
    %c0_i32_1 = arith.constant 0 : i32
    return %c0_i32, %c0_i32_0 : i32, i32
  }
  func.func @transform_6(%arg0: i32) -> (i32, i32) {
    %c0_i32 = arith.constant 0 : i32
    %c0_i32_0 = arith.constant 0 : i32
    %c0_i32_1 = arith.constant 0 : i32
    return %c0_i32, %c0_i32_0 : i32, i32
  }
  func.func @transform_7(%arg0: i32) -> (i32, i32) {
    %c0_i32 = arith.constant 0 : i32
    %c0_i32_0 = arith.constant 0 : i32
    %c0_i32_1 = arith.constant 0 : i32
    return %c0_i32, %c0_i32_0 : i32, i32
  }
  func.func @transform_8(%arg0: i32) -> (i32, i32) {
    %c0_i32 = arith.constant 0 : i32
    %c0_i32_0 = arith.constant 0 : i32
    %c0_i32_1 = arith.constant 0 : i32
    return %c0_i32, %c0_i32_0 : i32, i32
  }
  func.func @transform_9(%arg0: i32) -> (i32, i32) {
    %c0_i32 = arith.constant 0 : i32
    %c0_i32_0 = arith.constant 0 : i32
    %c0_i32_1 = arith.constant 0 : i32
    return %c0_i32, %c0_i32_0 : i32, i32
  }
  func.func @transform_10(%arg0: i32) -> (i32, i32) {
    %c0_i32 = arith.constant 0 : i32
    %c0_i32_0 = arith.constant 0 : i32
    %c0_i32_1 = arith.constant 0 : i32
    return %c0_i32, %c0_i32_0 : i32, i32
  }
  func.func @transform_11(%arg0: i32) -> (i32, i32) {
    %c0_i32 = arith.constant 0 : i32
    %c0_i32_0 = arith.constant 0 : i32
    %c0_i32_1 = arith.constant 0 : i32
    return %c0_i32, %c0_i32_0 : i32, i32
  }
  func.func @transform_12(%arg0: i32) -> (i32, i32) {
    %c0_i32 = arith.constant 0 : i32
    %c0_i32_0 = arith.constant 0 : i32
    %c0_i32_1 = arith.constant 0 : i32
    return %c0_i32, %c0_i32_0 : i32, i32
  }
  func.func @transform_13(%arg0: i32) -> (i32, i32, i32) {
    %c0_i32 = arith.constant 0 : i32
    %c0_i32_0 = arith.constant 0 : i32
    %c0_i32_1 = arith.constant 0 : i32
    return %arg0, %c0_i32, %c0_i32_0 : i32, i32, i32
  }
}

</mosaic_0001>

<sc_bundles>
// kernel: kernel.10.cloned.1.call-start
scs
__scs_entry_jumppad:
0x0: {  	(pc) =	sbr.rel $0x88, $3  }
0x1: {  	(tag) =	ssettag $0x0;
	lr =	simm.s32 $0x1  }
0x2: {  	[smem:$0x3F8F] =	sst lr;
	_ =	strace $0xD0000000  }
0x3: {  	_ = 	snop  }
0x4: {  	_ = 	snop  }
0x5: {  	_ = 	snop  }
0x6: {  	_ = 	snop  }
0x7: {  	_ = 	snop  }
__scs_overlays_trampoline_lowered:
0x8: {  	[smem:$0x3F9E] =	sst s0  }
0x9: {  	[smem:$0x3F9F] =	sst s1  }
0xa: {  	[smem:$0x3FA0] =	sst s2  }
0xb: {  	[smem:$0x3FA1] =	sst s3  }
0xc: {  	[smem:$0x3FA2] =	sst s4  }
0xd: {  	[smem:$0x3FA3] =	sst s5  }
0xe: {  	[smem:$0x3FA4] =	sst s6  }
0xf: {  	[smem:$0x3FA5] =	sst s7  }
0x10: {  	[smem:$0x3FA6] =	sst s8  }
0x11: {  	[smem:$0x3FA7] =	sst s9;
	s0 =	simm.s32 @!p0 $0x0  }
0x12: {  	s1 =	sld [smem:$0x3F8D];
	s0 =	simm.s32 @p0 $0x1  }
0x13: {  	[smem:$0x3FA8] =	sst s0;
	s0 =	simm.s32 @!p1 $0x0  }
0x14: {  	s2 =	sld [smem:$0x3F8C];
	s0 =	simm.s32 @p1 $0x1  }
0x15: {  	[smem:$0x3FA9] =	sst s0;
	s0 =	simm.s32 @!p2 $0x0  }
0x16: {  	s3 =	sld [smem:$0x3FDB];
	s0 =	simm.s32 @p2 $0x1  }
0x17: {  	s4 =	simm.s32 $0x1BF5;
	[smem:$0x3FAB] =	sst s0  }
0x18: {  	s0 =	sld [smem:$0x3F8E];
	_ =	swait.ge [sflag:s4], $0x0  }
0x19: {  	s7 =	sld [smem:$0x3F8F]  }
0x1a: {  	s8 =	sadd.s32 $0xFFFFE003, lr  }
0x1b: {  	s9 =	sadd.s32 $0xFFFFFEF7, lr;
	s5 =	simm.s32 $0xFFFFFFFF;
	p2 =	slt.u32 s8, $0xFFFFF086  }
0x1c: {  	p1 =	slt.u32 s9, $0xF7A;
	s5 =	simm.s32 @!p2 $0x0  }
0x1d: {  	s5 =	simm.s32 @p1 $0x1;
	p0 =	seq.s32 s7, s2  }
0x1e: {  	s7 =	smul.u32 @!p0 $0xF7A, s2;
	p2 =	seq.s32 @!p0 s5, $0x0  }
0x1f: {  	s9 =	smul.u32 $0xF7A, s1;
	s8 =	simm.s32 @!p0 $0x1BF5;
	p2 =	por !p2, p0  }
0x20: {  	[sflag:s8] =	ssyncset.s32 @!p0 $0xFFFFF086;
	s6 =	sadd.s32 @!p0 s3, s7;
	s7 =	simm.s32 @!p0 $0x108  }
0x21: {  	s3 =	sadd.s32 s3, s9;
	s6 =	sadd.s32 @!p0 $0x88, s6;
	s7 =	simm.s32 @p2 $0x1082  }
0x22: {  	[simem:s7], [sflag:s8] =	dma.local @!p0 [hbm:s6], $0xF7A  }
0x23: {  	s9 =	sor.u32 $0xD0000000, s2;
	s6 =	simm.s32 $0x108;
	_ =	swait.ge @!p0 [sflag:s8], $0x0  }
0x24: {  	s3 =	sadd.s32 $0x88, s3;
	s6 =	simm.s32 @!p1 $0x1082;
	[sflag:s4] =	ssyncset.s32 $0xFFFFF086  }
0x25: {  	[simem:s6], [sflag:s4] =	dma.local [hbm:s3], $0xF7A  }
0x26: {  	[smem:$0x3F8F] =	sst s1;
	(tag) =	ssettag s2;
	_ =	strace s9  }
0x27: {  	s1 =	sld [smem:$0x3F9F]  }
0x28: {  	s2 =	sld [smem:$0x3FA0]  }
0x29: {  	s4 =	sld [smem:$0x3FA2]  }
0x2a: {  	p0 =	seq.s32 s5, $0x0;
	s5 =	sld [smem:$0x3FA3]  }
0x2b: {  	s6 =	sld [smem:$0x3FA4]  }
0x2c: {  	s7 =	sld [smem:$0x3FA5]  }
0x2d: {  	s3 =	simm.s32 $0x108;
	s8 =	sld [smem:$0x3FA6]  }
0x2e: {  	s3 =	simm.s32 @!p0 $0x1082;
	s9 =	sld [smem:$0x3FA7]  }
0x2f: {  	lr =	sadd.s32 s0, s3;
	s0 =	sld [smem:$0x3F9E]  }
0x30: {  	s3 =	sld [smem:$0x3FA1]  }
0x31: {  	[smem:$0x3FAA] =	sst s10  }
0x32: {  	s10 =	sld [smem:$0x3FA8];
	_ =	sdelay $0x3  }
0x33: {  	p0 =	seq.s32 s10, $0x1;
	s10 =	sld [smem:$0x3FAA];
	_ =	sdelay $0x3  }
0x34: {  	[smem:$0x3FAA] =	sst s10  }
0x35: {  	s10 =	sld [smem:$0x3FA9];
	_ =	sdelay $0x3  }
0x36: {  	p1 =	seq.s32 s10, $0x1;
	s10 =	sld [smem:$0x3FAA];
	_ =	sdelay $0x3  }
0x37: {  	[smem:$0x3FAA] =	sst s10  }
0x38: {  	s10 =	sld [smem:$0x3FAB]  }
0x39: {  	_ = 	snop;
	(pc) =	sbr.ind lr, $3  }
0x3a: {  	_ = 	snop  }
0x3b: {  	_ = 	snop  }
0x3c: {  	p2 =	seq.s32 s10, $0x1;
	s10 =	sld [smem:$0x3FAA]  }
0x3d: {  	_ =	shalt  }
0x3e: {  	_ =	shalt  }
0x3f: {  	_ =	shalt  }
0x40: {  	_ =	shalt  }
0x41: {  	_ =	shalt  }
0x42: {  	_ =	shalt  }
0x43: {  	_ =	shalt  }
0x44: {  	_ =	shalt  }
0x45: {  	_ =	shalt  }
0x46: {  	_ =	shalt  }
0x47: {  	_ =	shalt  }
0x48: {  	_ =	shalt  }
0x49: {  	_ =	shalt  }
0x4a: {  	_ =	shalt  }
0x4b: {  	_ =	shalt  }
0x4c: {  	_ =	shalt  }
0x4d: {  	_ =	shalt  }
0x4e: {  	_ =	shalt  }
0x4f: {  	_ =	shalt  }
0x50: {  	_ =	shalt  }
0x51: {  	_ =	shalt  }
0x52: {  	_ =	shalt  }
0x53: {  	_ =	shalt  }
0x54: {  	_ =	shalt  }
0x55: {  	_ =	shalt  }
0x56: {  	_ =	shalt  }
0x57: {  	_ =	shalt  }
0x58: {  	_ =	shalt  }
0x59: {  	_ =	shalt  }
0x5a: {  	_ =	shalt  }
0x5b: {  	_ =	shalt  }
0x5c: {  	_ =	shalt  }
0x5d: {  	_ =	shalt  }
0x5e: {  	_ =	shalt  }
0x5f: {  	_ =	shalt  }
0x60: {  	_ =	shalt  }
0x61: {  	_ =	shalt  }
0x62: {  	_ =	shalt  }
0x63: {  	_ =	shalt  }
0x64: {  	_ =	shalt  }
0x65: {  	_ =	shalt  }
0x66: {  	_ =	shalt  }
0x67: {  	_ =	shalt  }
0x68: {  	_ =	shalt  }
0x69: {  	_ =	shalt  }
0x6a: {  	_ =	shalt  }
0x6b: {  	_ =	shalt  }
0x6c: {  	_ =	shalt  }
0x6d: {  	_ =	shalt  }
0x6e: {  	_ =	shalt  }
0x6f: {  	_ =	shalt  }
0x70: {  	_ =	shalt  }
0x71: {  	_ =	shalt  }
0x72: {  	_ =	shalt  }
0x73: {  	_ =	shalt  }
0x74: {  	_ =	shalt  }
0x75: {  	_ =	shalt  }
0x76: {  	_ =	shalt  }
0x77: {  	_ =	shalt  }
0x78: {  	_ =	shalt  }
0x79: {  	_ =	shalt  }
0x7a: {  	_ =	shalt  }
0x7b: {  	_ =	shalt  }
0x7c: {  	_ =	shalt  }
0x7d: {  	_ =	shalt  }
0x7e: {  	_ =	shalt  }
0x7f: {  	_ =	shalt  }
0x80: {  	_ =	shalt  }
0x81: {  	_ =	shalt  }
0x82: {  	_ =	shalt  }
0x83: {  	_ =	shalt  }
0x84: {  	_ =	shalt  }
0x85: {  	_ =	shalt  }
0x86: {  	_ =	shalt  }
0x87: {  	_ =	shalt  }
.Lfunc_end0:
.L_simem_size_0:
called_computation.1_lowered:
.L_overlay_start_0:
0x88: {  	s2 =	sld [smem:$0x3FD9]  }
0x89: {  	s3 =	sld [smem:$0x3FFE];
	_ =	sdelay $0x1  }
0x8a: {  	s1 =	srdreg.scid  }
0x8b: {  	s0 =	sand.u32 $0x1, s1  }
0x8c: {  	s17 =	sshll.u32 s0, $0xA;
	s2 =	sadd.s32 s3, s2  }
0x8d: {  	s2 =	sadd.s32 s2, s17  }
0x8e: {  	[smem:$0x3FB6] =	sst s2  }
0x8f: {  	_ = 	snop  }
0x90: {  	s2 =	sld [smem:$0x3FD0];
	(tm) =	ssettm $0x1  }
0x91: {  	s18 =	sld [smem:$0x3FFB];
	_ =	sdelay $0x3  }
0x92: {  	_ =	strace s18  }
0x93: {  	s3 =	sld [smem:$0x3FFC];
	_ =	sdelay $0x3  }
0x94: {  	_ =	strace s3  }
0x95: {  	s3 =	sld [smem:$0x3FFD];
	_ =	sdelay $0x3  }
0x96: {  	_ =	strace s3  }
0x97: {  	_ =	strace $0x8FFFFFFF  }
0x98: {  	s19 =	sld [smem:$0x3FDB];
	_ =	sdelay $0x1  }
0x99: {  	s4 =	simm.s32 $_scs_section_size  }
0x9a: {  	s5 =	simm.s32 $_size__tile_overlayer_lowered;
	s6 =	simm.s32 $_tile_overlayer_lowered  }
0x9b: {  	s22 =	simm.s32 $0x1BFF;
	s21 =	sshll.u32 s6, $0x1;
	s3 =	sadd.s32 s4, s19  }
0x9c: {  	s7 =	simm.s32 $0x0;
	s20 =	sshll.u32 s5, $0x1;
	s5 =	sadd.s32 s21, s3  }
0x9d: {  	[timem:s7], [sflag:s22] =	dma.local [hbm:s5], s20  }
0x9e: {  	_ =	swait.ge [sflag:s22], s20  }
0x9f: {  	s4 =	ssub.s32 $0x0, s20;
	[sflag:s22] =	ssyncset.done $0x0  }
0xa0: {  	[sflag:s22] =	ssyncadd.s32 s4;
	_ =	sdelay $0x1  }
0xa1: {  	s23 =	simm.s32 $0x1B8B  }
0xa2: {  	_ =	swait.ge [sflag:s23], $0x1  }
0xa3: {  	[sflag:s23] =	ssyncset.done $0x0  }
0xa4: {  	s25 =	simm.s32 $0x1B8E;
	s24 =	sld [smem:$0x3FFE];
	[sflag:s23] =	ssyncadd.s32 $0xFFFFFFFF  }
0xa5: {  	s26 =	simm.s32 $execute0_lowered;
	[smem:$0x3FD2] =	sst s25  }
0xa6: {  	s5 =	sshll.u32 s26, $0x1;
	_ =	strace $0x80000049;
	[dreg:$0x1] =	wrdreg $0xFFFFFFFF  }
0xa7: {  	s28 =	simm.s32 $_size_execute0_lowered;
	s3 =	sadd.s32 s3, s5;
	[dreg:$0x0] =	wrdreg $0x0  }
0xa8: {  	s5 =	sshll.u32 s28, $0x1;
	[dreg:$0x2] =	wrdreg s3  }
0xa9: {  	[dreg:$0x3] =	wrdreg s5  }
0xaa: {  	[dreg:$0x4] =	wrdreg $0xC0  }
0xab: {  	_ =	task [dreg:s7], $0x5FFFF  }
0xac: {  	[dreg:$0x1] =	wrdreg $0xFFFFFFFF  }
0xad: {  	[dreg:$0x0] =	wrdreg $0x60  }
0xae: {  	[dreg:$0x2] =	wrdreg s24  }
0xaf: {  	[dreg:$0x3] =	wrdreg s2  }
0xb0: {  	[dreg:$0x4] =	wrdreg $0x9  }
0xb1: {  	_ =	task.clear_ibuf [dreg:s7], $0x5FFFF;
	_ =	strace $0x90000049  }
0xb2: {  	s29 =	simm.s32 $0x9;
	_ =	strace $0x8000004B  }
0xb3: {  	_ =	swait.ge [sflag:s29], $0x1  }
0xb4: {  	[sflag:s29] =	ssyncadd.s32 $0xFFFFFFFF  }
0xb5: {  	_ =	strace $0x9000004B  }
0xb6: {  	_ =	sfence  }
0xb7: {  	s30 =	sld [smem:$0x0];
	_ =	sdelay $0x2  }
0xb8: {  	s31 =	sshll.u32 s1, $0xD;
	s1 =	sshrl.u32 s1, $0x2  }
0xb9: {  	s3 =	sand.u32 $0x4000, s31;
	s1 =	sadd.s32 s1, s30  }
0xba: {  	s0 =	sor.u32 s3, s0;
	s1 =	sshll.u32 s1, $0x11  }
0xbb: {  	s0 =	sor.u32 s1, s0  }
0xbc: {  	s0 =	sadd.s32 $0x8F2B, s0  }
0xbd: {  	[sflag:s0] =	ssyncadd.remote.s32 $0x1  }
0xbe: {  	_ =	sfence.sel $0xFFFF  }
0xbf: {  	[dreg:$0x0] =	wrdreg $0xFFFFFFFF;
	(pc) =	sbr.abs _section_cstart, $3  }
0xc0: {  	[dreg:$0x1] =	wrdreg $0xFFFFFFFF  }
0xc1: {  	_ =	task.clear_ibuf [dreg:s7], $0x2FFFF;
	_ =	strace $0x9FFFFFFF  }
0xc2: {  	(tm) =	ssettm $0x7FFFFFFF  }
0xc3: {  	_ =	shalt  }
tec
execute0_lowered:
.L_overlay_start_1:
0x0: {  	(tag) =	ssettag $0x1  }
0x1: {  	s1 =	srdreg.scid;
	s0 =	stileid.u32  }
0x2: {  	s1 =	sand.u32 $0x1, s1;
	s2 =	sshll.u32 s0, $0x1  }
0x3: {  	s4 =	sor.u32 s1, s2  }
0x4: {  	s5 =	rddreg [dreg:$0x0];
	s6 =	smul.u32 $0x140, s4  }
0x5: {  	s3 =	rddreg [dreg:$0x1];
	s2 =	simm.s32 $0x0;
	s7 =	smul.u32 $0x5000, s4  }
0x6: {  	s8 =	sadd.s32 $0xB200, s5;
	[smem:$0x7FF] =	sst s2  }
0x7: {  	s4 =	smul.u32 $0x28000, s4;
	s6 =	sadd.s32 s3, s6;
	s3 =	sadd.s32 s8, s7  }
0x8: {  	_ =	strace $0x8000004A;
	[dreg:$0x3] =	wrdreg s6;
	s18 =	sadd.s32 $0x500, s3  }
0x9: {  	s19 =	sadd.s32 $0xA00, s3;
	[dreg:$0x4] =	wrdreg s18  }
0xa: {  	s4 =	sshrl.u32 s4, $0x3;
	s20 =	sadd.s32 $0xF00, s3;
	[dreg:$0x5] =	wrdreg s19  }
0xb: {  	s31 =	sadd.s32 s8, s4;
	[dreg:$0x6] =	wrdreg s20  }
0xc: {  	s4 =	sadd.s32 $0x1400, s31;
	s25 =	rddreg [dreg:$0x3]  }
0xd: {  	s21 =	sadd.s32 $0x1900, s31;
	[dreg:$0x7] =	wrdreg s4  }
0xe: {  	s22 =	sadd.s32 $0x1E00, s31;
	[dreg:$0x8] =	wrdreg s21  }
0xf: {  	s23 =	sadd.s32 $0x2300, s31;
	[dreg:$0x9] =	wrdreg s22  }
0x10: {  	s24 =	sadd.s32 $0x2800, s31;
	[dreg:$0xa] =	wrdreg s23  }
0x11: {  	s26 =	sadd.s32 $0x2D00, s31;
	[dreg:$0xb] =	wrdreg s24  }
0x12: {  	[dreg:$0xc] =	wrdreg s26;
	s4 =	simm.s32 $0x3  }
0x13: {  	[tilespmem:s2], [sflag:$0x3] =	stream.linear.gather [hbm4b:s25+s2], $0xA00, $0x38;
	[tilespmem:$0x5A00] =	vst v63  }
0x14: {  	_ =	swait.ge [sflag:s4], $0xA00  }
0x15: {  	s5 =	sadd.s32 $0x3200, s5;
	[sflag:s4] =	ssyncset.done $0x0  }
0x16: {  	s7 =	simm.s32 $0xA00;
	s6 =	simm.s32 $0xA0;
	[sflag:s4] =	ssyncadd.s32 $0xFFFFF600  }
0x17: {  	[tilespmem:s7], [sflag:$0x1] =	stream.indirect.gather [hbm4b:s5+s6], $0x40, s2, s6, $0xb8;
	[tilespmem:$0x5A00] =	vst v63  }
0x18: {  	s9 =	simm.s32 $0x1;
	s8 =	simm.s32 $0x3200  }
0x19: {  	[tilespmem:s8], [sflag:$0x2] =	stream.indirect.gather [hbm4b:s5+s6], $0x40, s6, s6, $0xb8;
	[tilespmem:$0x5A00] =	vst v63  }
0x1a: {  	_ =	swait.ge [sflag:s9], $0x2800  }
0x1b: {  	[sflag:s9] =	ssyncset.done $0x0  }
0x1c: {  	[sflag:s9] =	ssyncadd.s32 $0xFFFFD800  }
0x1d: {  	[hbm4b:s3+s2] =	stream.linear.scatter [tilespmem:s7], [sflag:$0x3], $0x2800, $0x38;
	[tilespmem:$0x5A00] =	vst v63  }
0x1e: {  	_ =	swait.ge [sflag:s4], $0x2800  }
0x1f: {  	[sflag:s4] =	ssyncset.done $0x0  }
0x20: {  	s10 =	simm.s32 $0x140;
	s11 =	simm.s32 $0x2;
	[sflag:s4] =	ssyncadd.s32 $0xFFFFD800  }
0x21: {  	[tilespmem:s7], [sflag:$0x1] =	stream.indirect.gather [hbm4b:s5+s6], $0x40, s10, s6, $0xb8;
	[tilespmem:$0x5A00] =	vst v63  }
0x22: {  	_ =	swait.ge [sflag:s11], $0x2800  }
0x23: {  	[sflag:s11] =	ssyncset.done $0x0  }
0x24: {  	s12 =	rddreg [dreg:$0x4];
	[sflag:s11] =	ssyncadd.s32 $0xFFFFD800  }
0x25: {  	[hbm4b:s12+s2] =	stream.linear.scatter [tilespmem:s8], [sflag:$0x3], $0x2800, $0x38;
	[tilespmem:$0x5A00] =	vst v63  }
0x26: {  	_ =	swait.ge [sflag:s4], $0x2800  }
0x27: {  	[sflag:s4] =	ssyncset.done $0x0  }
0x28: {  	s12 =	simm.s32 $0x1E0;
	[sflag:s4] =	ssyncadd.s32 $0xFFFFD800  }
0x29: {  	[tilespmem:s8], [sflag:$0x2] =	stream.indirect.gather [hbm4b:s5+s6], $0x40, s12, s6, $0xb8;
	[tilespmem:$0x5A00] =	vst v63  }
0x2a: {  	_ =	swait.ge [sflag:s9], $0x2800  }
0x2b: {  	[sflag:s9] =	ssyncset.done $0x0  }
0x2c: {  	s13 =	rddreg [dreg:$0x5];
	[sflag:s9] =	ssyncadd.s32 $0xFFFFD800  }
0x2d: {  	[hbm4b:s13+s2] =	stream.linear.scatter [tilespmem:s7], [sflag:$0x3], $0x2800, $0x38;
	[tilespmem:$0x5A00] =	vst v63  }
0x2e: {  	_ =	swait.ge [sflag:s4], $0x2800  }
0x2f: {  	[sflag:s4] =	ssyncset.done $0x0  }
0x30: {  	s13 =	simm.s32 $0x280;
	[sflag:s4] =	ssyncadd.s32 $0xFFFFD800  }
0x31: {  	[tilespmem:s7], [sflag:$0x1] =	stream.indirect.gather [hbm4b:s5+s6], $0x40, s13, s6, $0xb8;
	[tilespmem:$0x5A00] =	vst v63  }
0x32: {  	_ =	swait.ge [sflag:s11], $0x2800  }
0x33: {  	[sflag:s11] =	ssyncset.done $0x0  }
0x34: {  	s14 =	rddreg [dreg:$0x6];
	[sflag:s11] =	ssyncadd.s32 $0xFFFFD800  }
0x35: {  	[hbm4b:s14+s2] =	stream.linear.scatter [tilespmem:s8], [sflag:$0x3], $0x2800, $0x38;
	[tilespmem:$0x5A00] =	vst v63  }
0x36: {  	_ =	swait.ge [sflag:s4], $0x2800  }
0x37: {  	[sflag:s4] =	ssyncset.done $0x0  }
0x38: {  	s14 =	simm.s32 $0x320;
	[sflag:s4] =	ssyncadd.s32 $0xFFFFD800  }
0x39: {  	[tilespmem:s8], [sflag:$0x2] =	stream.indirect.gather [hbm4b:s5+s6], $0x40, s14, s6, $0xb8;
	[tilespmem:$0x5A00] =	vst v63  }
0x3a: {  	_ =	swait.ge [sflag:s9], $0x2800  }
0x3b: {  	[sflag:s9] =	ssyncset.done $0x0  }
0x3c: {  	s15 =	rddreg [dreg:$0x7];
	[sflag:s9] =	ssyncadd.s32 $0xFFFFD800  }
0x3d: {  	[hbm4b:s15+s2] =	stream.linear.scatter [tilespmem:s7], [sflag:$0x3], $0x2800, $0x38;
	[tilespmem:$0x5A00] =	vst v63  }
0x3e: {  	_ =	swait.ge [sflag:s4], $0x2800  }
0x3f: {  	[sflag:s4] =	ssyncset.done $0x0  }
0x40: {  	s15 =	simm.s32 $0x3C0;
	[sflag:s4] =	ssyncadd.s32 $0xFFFFD800  }
0x41: {  	[tilespmem:s7], [sflag:$0x1] =	stream.indirect.gather [hbm4b:s5+s6], $0x40, s15, s6, $0xb8;
	[tilespmem:$0x5A00] =	vst v63  }
0x42: {  	_ =	swait.ge [sflag:s11], $0x2800  }
0x43: {  	[sflag:s11] =	ssyncset.done $0x0  }
0x44: {  	s16 =	rddreg [dreg:$0x8];
	[sflag:s11] =	ssyncadd.s32 $0xFFFFD800  }
0x45: {  	[hbm4b:s16+s2] =	stream.linear.scatter [tilespmem:s8], [sflag:$0x3], $0x2800, $0x38;
	[tilespmem:$0x5A00] =	vst v63  }
0x46: {  	_ =	swait.ge [sflag:s4], $0x2800  }
0x47: {  	[sflag:s4] =	ssyncset.done $0x0  }
0x48: {  	s16 =	simm.s32 $0x460;
	[sflag:s4] =	ssyncadd.s32 $0xFFFFD800  }
0x49: {  	[tilespmem:s8], [sflag:$0x2] =	stream.indirect.gather [hbm4b:s5+s6], $0x40, s16, s6, $0xb8;
	[tilespmem:$0x5A00] =	vst v63  }
0x4a: {  	_ =	swait.ge [sflag:s9], $0x2800  }
0x4b: {  	[sflag:s9] =	ssyncset.done $0x0  }
0x4c: {  	s17 =	rddreg [dreg:$0x9];
	[sflag:s9] =	ssyncadd.s32 $0xFFFFD800  }
0x4d: {  	[hbm4b:s17+s2] =	stream.linear.scatter [tilespmem:s7], [sflag:$0x3], $0x2800, $0x38;
	[tilespmem:$0x5A00] =	vst v63  }
0x4e: {  	_ =	swait.ge [sflag:s4], $0x2800  }
0x4f: {  	[sflag:s4] =	ssyncset.done $0x0  }
0x50: {  	s17 =	simm.s32 $0x500;
	[sflag:s4] =	ssyncadd.s32 $0xFFFFD800  }
0x51: {  	[tilespmem:s7], [sflag:$0x1] =	stream.indirect.gather [hbm4b:s5+s6], $0x40, s17, s6, $0xb8;
	[tilespmem:$0x5A00] =	vst v63  }
0x52: {  	_ =	swait.ge [sflag:s11], $0x2800  }
0x53: {  	[sflag:s11] =	ssyncset.done $0x0  }
0x54: {  	s18 =	rddreg [dreg:$0xa];
	[sflag:s11] =	ssyncadd.s32 $0xFFFFD800  }
0x55: {  	[hbm4b:s18+s2] =	stream.linear.scatter [tilespmem:s8], [sflag:$0x3], $0x2800, $0x38;
	[tilespmem:$0x5A00] =	vst v63  }
0x56: {  	_ =	swait.ge [sflag:s4], $0x2800  }
0x57: {  	[sflag:s4] =	ssyncset.done $0x0  }
0x58: {  	s18 =	simm.s32 $0x5A0;
	[sflag:s4] =	ssyncadd.s32 $0xFFFFD800  }
0x59: {  	[tilespmem:s8], [sflag:$0x2] =	stream.indirect.gather [hbm4b:s5+s6], $0x40, s18, s6, $0xb8;
	[tilespmem:$0x5A00] =	vst v63  }
0x5a: {  	_ =	swait.ge [sflag:s9], $0x2800  }
0x5b: {  	[sflag:s9] =	ssyncset.done $0x0  }
0x5c: {  	s19 =	rddreg [dreg:$0xb];
	[sflag:s9] =	ssyncadd.s32 $0xFFFFD800  }
0x5d: {  	[hbm4b:s19+s2] =	stream.linear.scatter [tilespmem:s7], [sflag:$0x3], $0x2800, $0x38;
	[tilespmem:$0x5A00] =	vst v63  }
0x5e: {  	_ =	swait.ge [sflag:s4], $0x2800  }
0x5f: {  	[sflag:s4] =	ssyncset.done $0x0  }
0x60: {  	s19 =	simm.s32 $0x640;
	[sflag:s4] =	ssyncadd.s32 $0xFFFFD800  }
0x61: {  	[tilespmem:s7], [sflag:$0x1] =	stream.indirect.gather [hbm4b:s5+s6], $0x40, s19, s6, $0xb8;
	[tilespmem:$0x5A00] =	vst v63  }
0x62: {  	_ =	swait.ge [sflag:s11], $0x2800  }
0x63: {  	[sflag:s11] =	ssyncset.done $0x0  }
0x64: {  	s20 =	rddreg [dreg:$0xc];
	[sflag:s11] =	ssyncadd.s32 $0xFFFFD800  }
0x65: {  	[hbm4b:s20+s2] =	stream.linear.scatter [tilespmem:s8], [sflag:$0x3], $0x2800, $0x38;
	[tilespmem:$0x5A00] =	vst v63  }
0x66: {  	_ =	swait.ge [sflag:s4], $0x2800  }
0x67: {  	[sflag:s4] =	ssyncset.done $0x0  }
0x68: {  	s20 =	simm.s32 $0x6E0;
	[sflag:s4] =	ssyncadd.s32 $0xFFFFD800  }
0x69: {  	[tilespmem:s8], [sflag:$0x2] =	stream.indirect.gather [hbm4b:s5+s6], $0x40, s20, s6, $0xb8;
	[tilespmem:$0x5A00] =	vst v63  }
0x6a: {  	_ =	swait.ge [sflag:s9], $0x2800  }
0x6b: {  	[sflag:s9] =	ssyncset.done $0x0  }
0x6c: {  	s21 =	sadd.s32 $0x3200, s31;
	[sflag:s9] =	ssyncadd.s32 $0xFFFFD800  }
0x6d: {  	[hbm4b:s21+s2] =	stream.linear.scatter [tilespmem:s7], [sflag:$0x3], $0x2800, $0x38;
	[tilespmem:$0x5A00] =	vst v63  }
0x6e: {  	_ =	swait.ge [sflag:s4], $0x2800  }
0x6f: {  	[sflag:s4] =	ssyncset.done $0x0  }
0x70: {  	s22 =	simm.s32 $0x780;
	[sflag:s4] =	ssyncadd.s32 $0xFFFFD800  }
0x71: {  	[tilespmem:s7], [sflag:$0x1] =	stream.indirect.gather [hbm4b:s5+s6], $0x40, s22, s6, $0xb8;
	[tilespmem:$0x5A00] =	vst v63  }
0x72: {  	_ =	swait.ge [sflag:s11], $0x2800  }
0x73: {  	[sflag:s11] =	ssyncset.done $0x0  }
0x74: {  	s23 =	sadd.s32 $0x3700, s31;
	[sflag:s11] =	ssyncadd.s32 $0xFFFFD800  }
0x75: {  	[hbm4b:s23+s2] =	stream.linear.scatter [tilespmem:s8], [sflag:$0x3], $0x2800, $0x38;
	[tilespmem:$0x5A00] =	vst v63  }
0x76: {  	_ =	swait.ge [sflag:s4], $0x2800  }
0x77: {  	[sflag:s4] =	ssyncset.done $0x0  }
0x78: {  	s24 =	simm.s32 $0x820;
	[sflag:s4] =	ssyncadd.s32 $0xFFFFD800  }
0x79: {  	[tilespmem:s8], [sflag:$0x2] =	stream.indirect.gather [hbm4b:s5+s6], $0x40, s24, s6, $0xb8;
	[tilespmem:$0x5A00] =	vst v63  }
0x7a: {  	_ =	swait.ge [sflag:s9], $0x2800  }
0x7b: {  	[sflag:s9] =	ssyncset.done $0x0  }
0x7c: {  	s25 =	sadd.s32 $0x3C00, s31;
	[sflag:s9] =	ssyncadd.s32 $0xFFFFD800  }
0x7d: {  	[hbm4b:s25+s2] =	stream.linear.scatter [tilespmem:s7], [sflag:$0x3], $0x2800, $0x38;
	[tilespmem:$0x5A00] =	vst v63  }
0x7e: {  	_ =	swait.ge [sflag:s4], $0x2800  }
0x7f: {  	[sflag:s4] =	ssyncset.done $0x0  }
0x80: {  	s26 =	simm.s32 $0x8C0;
	[sflag:s4] =	ssyncadd.s32 $0xFFFFD800  }
0x81: {  	[tilespmem:s7], [sflag:$0x1] =	stream.indirect.gather [hbm4b:s5+s6], $0x40, s26, s6, $0xb8;
	[tilespmem:$0x5A00] =	vst v63  }
0x82: {  	_ =	swait.ge [sflag:s11], $0x2800  }
0x83: {  	[sflag:s11] =	ssyncset.done $0x0  }
0x84: {  	s28 =	sadd.s32 $0x4100, s31;
	[sflag:s11] =	ssyncadd.s32 $0xFFFFD800  }
0x85: {  	[hbm4b:s28+s2] =	stream.linear.scatter [tilespmem:s8], [sflag:$0x3], $0x2800, $0x38;
	[tilespmem:$0x5A00] =	vst v63  }
0x86: {  	_ =	swait.ge [sflag:s4], $0x2800  }
0x87: {  	[sflag:s4] =	ssyncset.done $0x0  }
0x88: {  	s29 =	simm.s32 $0x960;
	[sflag:s4] =	ssyncadd.s32 $0xFFFFD800  }
0x89: {  	[tilespmem:s8], [sflag:$0x2] =	stream.indirect.gather [hbm4b:s5+s6], $0x40, s29, s6, $0xb8;
	[tilespmem:$0x5A00] =	vst v63  }
0x8a: {  	_ =	swait.ge [sflag:s9], $0x2800  }
0x8b: {  	s1 =	ssub.s32 $0x2, s1;
	[sflag:s9] =	ssyncset.done $0x0  }
0x8c: {  	s0 =	sshrl.u32 s1, $0x1;
	s30 =	sadd.s32 $0x4600, s31;
	[sflag:s9] =	ssyncadd.s32 $0xFFFFD800  }
0x8d: {  	[hbm4b:s30+s2] =	stream.linear.scatter [tilespmem:s7], [sflag:$0x3], $0x2800, $0x38;
	[tilespmem:$0x5A00] =	vst v63  }
0x8e: {  	s0 =	ssub.s32 s1, s0;
	_ =	swait.ge [sflag:s4], $0x2800  }
0x8f: {  	s0 =	smax.u32 s0, $0x1;
	[sflag:s4] =	ssyncset.done $0x0  }
0x90: {  	p0 =	sne.s32 s0, $0x1;
	[sflag:s4] =	ssyncadd.s32 $0xFFFFD800  }
.Ltmp0:
0x91: {  	_ =	swait.ge [sflag:s11], $0x2800;
	(pc) =	sbr.rel @!p0 .LBB2_2-.Ltmp0, $4  }
0x92: {  	[sflag:s11] =	ssyncset.done $0x0  }
0x93: {  	s31 =	sadd.s32 $0x4B00, s31;
	[sflag:s11] =	ssyncadd.s32 $0xFFFFD800  }
0x94: {  	[hbm4b:s31+s2] =	stream.linear.scatter [tilespmem:s8], [sflag:$0x3], $0x2800, $0x38;
	[tilespmem:$0x5A00] =	vst v63  }
0x95: {  	s1 =	sadd.s32 $0xFFFFFFFF, s0;
	_ =	swait.ge [sflag:s4], $0x2800  }
.LBB2_1:
0x96: {  	[sflag:s4] =	ssyncset.done $0x0  }
0x97: {  	s0 =	rddreg [dreg:$0x3];
	[sflag:s4] =	ssyncadd.s32 $0xFFFFD800  }
0x98: {  	[tilespmem:s2], [sflag:$0x3] =	stream.linear.gather [hbm4b:s0+s2], $0xA00, $0x38;
	[tilespmem:$0x5A00] =	vst v63  }
0x99: {  	_ =	swait.ge [sflag:s4], $0xA00  }
0x9a: {  	[sflag:s4] =	ssyncset.done $0x0  }
0x9b: {  	[sflag:s4] =	ssyncadd.s32 $0xFFFFF600  }
0x9c: {  	[tilespmem:s7], [sflag:$0x1] =	stream.indirect.gather [hbm4b:s5+s6], $0x40, s2, s6, $0xb8;
	[tilespmem:$0x5A00] =	vst v63  }
0x9d: {  	_ = 	snop  }
0x9e: {  	[tilespmem:s8], [sflag:$0x2] =	stream.indirect.gather [hbm4b:s5+s6], $0x40, s6, s6, $0xb8;
	[tilespmem:$0x5A00] =	vst v63  }
0x9f: {  	_ =	swait.ge [sflag:s9], $0x2800  }
0xa0: {  	[sflag:s9] =	ssyncset.done $0x0  }
0xa1: {  	[sflag:s9] =	ssyncadd.s32 $0xFFFFD800  }
0xa2: {  	[hbm4b:s3+s2] =	stream.linear.scatter [tilespmem:s7], [sflag:$0x3], $0x2800, $0x38;
	[tilespmem:$0x5A00] =	vst v63  }
0xa3: {  	_ =	swait.ge [sflag:s4], $0x2800  }
0xa4: {  	[sflag:s4] =	ssyncset.done $0x0  }
0xa5: {  	[sflag:s4] =	ssyncadd.s32 $0xFFFFD800  }
0xa6: {  	[tilespmem:s7], [sflag:$0x1] =	stream.indirect.gather [hbm4b:s5+s6], $0x40, s10, s6, $0xb8;
	[tilespmem:$0x5A00] =	vst v63  }
0xa7: {  	_ =	swait.ge [sflag:s11], $0x2800  }
0xa8: {  	[sflag:s11] =	ssyncset.done $0x0  }
0xa9: {  	s0 =	rddreg [dreg:$0x4];
	[sflag:s11] =	ssyncadd.s32 $0xFFFFD800  }
0xaa: {  	[hbm4b:s0+s2] =	stream.linear.scatter [tilespmem:s8], [sflag:$0x3], $0x2800, $0x38;
	[tilespmem:$0x5A00] =	vst v63  }
0xab: {  	_ =	swait.ge [sflag:s4], $0x2800  }
0xac: {  	[sflag:s4] =	ssyncset.done $0x0  }
0xad: {  	[sflag:s4] =	ssyncadd.s32 $0xFFFFD800  }
0xae: {  	[tilespmem:s8], [sflag:$0x2] =	stream.indirect.gather [hbm4b:s5+s6], $0x40, s12, s6, $0xb8;
	[tilespmem:$0x5A00] =	vst v63  }
0xaf: {  	_ =	swait.ge [sflag:s9], $0x2800  }
0xb0: {  	[sflag:s9] =	ssyncset.done $0x0  }
0xb1: {  	s0 =	rddreg [dreg:$0x5];
	[sflag:s9] =	ssyncadd.s32 $0xFFFFD800  }
0xb2: {  	[hbm4b:s0+s2] =	stream.linear.scatter [tilespmem:s7], [sflag:$0x3], $0x2800, $0x38;
	[tilespmem:$0x5A00] =	vst v63  }
0xb3: {  	_ =	swait.ge [sflag:s4], $0x2800  }
0xb4: {  	[sflag:s4] =	ssyncset.done $0x0  }
0xb5: {  	[sflag:s4] =	ssyncadd.s32 $0xFFFFD800  }
0xb6: {  	[tilespmem:s7], [sflag:$0x1] =	stream.indirect.gather [hbm4b:s5+s6], $0x40, s13, s6, $0xb8;
	[tilespmem:$0x5A00] =	vst v63  }
0xb7: {  	_ =	swait.ge [sflag:s11], $0x2800  }
0xb8: {  	[sflag:s11] =	ssyncset.done $0x0  }
0xb9: {  	s0 =	rddreg [dreg:$0x6];
	[sflag:s11] =	ssyncadd.s32 $0xFFFFD800  }
0xba: {  	[hbm4b:s0+s2] =	stream.linear.scatter [tilespmem:s8], [sflag:$0x3], $0x2800, $0x38;
	[tilespmem:$0x5A00] =	vst v63  }
0xbb: {  	_ =	swait.ge [sflag:s4], $0x2800  }
0xbc: {  	[sflag:s4] =	ssyncset.done $0x0  }
0xbd: {  	[sflag:s4] =	ssyncadd.s32 $0xFFFFD800  }
0xbe: {  	[tilespmem:s8], [sflag:$0x2] =	stream.indirect.gather [hbm4b:s5+s6], $0x40, s14, s6, $0xb8;
	[tilespmem:$0x5A00] =	vst v63  }
0xbf: {  	_ =	swait.ge [sflag:s9], $0x2800  }
0xc0: {  	[sflag:s9] =	ssyncset.done $0x0  }
0xc1: {  	s0 =	rddreg [dreg:$0x7];
	[sflag:s9] =	ssyncadd.s32 $0xFFFFD800  }
0xc2: {  	[hbm4b:s0+s2] =	stream.linear.scatter [tilespmem:s7], [sflag:$0x3], $0x2800, $0x38;
	[tilespmem:$0x5A00] =	vst v63  }
0xc3: {  	_ =	swait.ge [sflag:s4], $0x2800  }
0xc4: {  	[sflag:s4] =	ssyncset.done $0x0  }
0xc5: {  	[sflag:s4] =	ssyncadd.s32 $0xFFFFD800  }
0xc6: {  	[tilespmem:s7], [sflag:$0x1] =	stream.indirect.gather [hbm4b:s5+s6], $0x40, s15, s6, $0xb8;
	[tilespmem:$0x5A00] =	vst v63  }
0xc7: {  	_ =	swait.ge [sflag:s11], $0x2800  }
0xc8: {  	[sflag:s11] =	ssyncset.done $0x0  }
0xc9: {  	s0 =	rddreg [dreg:$0x8];
	[sflag:s11] =	ssyncadd.s32 $0xFFFFD800  }
0xca: {  	[hbm4b:s0+s2] =	stream.linear.scatter [tilespmem:s8], [sflag:$0x3], $0x2800, $0x38;
	[tilespmem:$0x5A00] =	vst v63  }
0xcb: {  	_ =	swait.ge [sflag:s4], $0x2800  }
0xcc: {  	[sflag:s4] =	ssyncset.done $0x0  }
0xcd: {  	[sflag:s4] =	ssyncadd.s32 $0xFFFFD800  }
0xce: {  	[tilespmem:s8], [sflag:$0x2] =	stream.indirect.gather [hbm4b:s5+s6], $0x40, s16, s6, $0xb8;
	[tilespmem:$0x5A00] =	vst v63  }
0xcf: {  	_ =	swait.ge [sflag:s9], $0x2800  }
0xd0: {  	[sflag:s9] =	ssyncset.done $0x0  }
0xd1: {  	s0 =	rddreg [dreg:$0x9];
	[sflag:s9] =	ssyncadd.s32 $0xFFFFD800  }
0xd2: {  	[hbm4b:s0+s2] =	stream.linear.scatter [tilespmem:s7], [sflag:$0x3], $0x2800, $0x38;
	[tilespmem:$0x5A00] =	vst v63  }
0xd3: {  	_ =	swait.ge [sflag:s4], $0x2800  }
0xd4: {  	[sflag:s4] =	ssyncset.done $0x0  }
0xd5: {  	[sflag:s4] =	ssyncadd.s32 $0xFFFFD800  }
0xd6: {  	[tilespmem:s7], [sflag:$0x1] =	stream.indirect.gather [hbm4b:s5+s6], $0x40, s17, s6, $0xb8;
	[tilespmem:$0x5A00] =	vst v63  }
0xd7: {  	_ =	swait.ge [sflag:s11], $0x2800  }
0xd8: {  	[sflag:s11] =	ssyncset.done $0x0  }
0xd9: {  	s0 =	rddreg [dreg:$0xa];
	[sflag:s11] =	ssyncadd.s32 $0xFFFFD800  }
0xda: {  	[hbm4b:s0+s2] =	stream.linear.scatter [tilespmem:s8], [sflag:$0x3], $0x2800, $0x38;
	[tilespmem:$0x5A00] =	vst v63  }
0xdb: {  	_ =	swait.ge [sflag:s4], $0x2800  }
0xdc: {  	[sflag:s4] =	ssyncset.done $0x0  }
0xdd: {  	[sflag:s4] =	ssyncadd.s32 $0xFFFFD800  }
0xde: {  	[tilespmem:s8], [sflag:$0x2] =	stream.indirect.gather [hbm4b:s5+s6], $0x40, s18, s6, $0xb8;
	[tilespmem:$0x5A00] =	vst v63  }
0xdf: {  	_ =	swait.ge [sflag:s9], $0x2800  }
0xe0: {  	[sflag:s9] =	ssyncset.done $0x0  }
0xe1: {  	s0 =	rddreg [dreg:$0xb];
	[sflag:s9] =	ssyncadd.s32 $0xFFFFD800  }
0xe2: {  	[hbm4b:s0+s2] =	stream.linear.scatter [tilespmem:s7], [sflag:$0x3], $0x2800, $0x38;
	[tilespmem:$0x5A00] =	vst v63  }
0xe3: {  	_ =	swait.ge [sflag:s4], $0x2800  }
0xe4: {  	[sflag:s4] =	ssyncset.done $0x0  }
0xe5: {  	[sflag:s4] =	ssyncadd.s32 $0xFFFFD800  }
0xe6: {  	[tilespmem:s7], [sflag:$0x1] =	stream.indirect.gather [hbm4b:s5+s6], $0x40, s19, s6, $0xb8;
	[tilespmem:$0x5A00] =	vst v63  }
0xe7: {  	_ =	swait.ge [sflag:s11], $0x2800  }
0xe8: {  	[sflag:s11] =	ssyncset.done $0x0  }
0xe9: {  	s0 =	rddreg [dreg:$0xc];
	[sflag:s11] =	ssyncadd.s32 $0xFFFFD800  }
0xea: {  	[hbm4b:s0+s2] =	stream.linear.scatter [tilespmem:s8], [sflag:$0x3], $0x2800, $0x38;
	[tilespmem:$0x5A00] =	vst v63  }
0xeb: {  	_ =	swait.ge [sflag:s4], $0x2800  }
0xec: {  	[sflag:s4] =	ssyncset.done $0x0  }
0xed: {  	[sflag:s4] =	ssyncadd.s32 $0xFFFFD800  }
0xee: {  	[tilespmem:s8], [sflag:$0x2] =	stream.indirect.gather [hbm4b:s5+s6], $0x40, s20, s6, $0xb8;
	[tilespmem:$0x5A00] =	vst v63  }
0xef: {  	_ =	swait.ge [sflag:s9], $0x2800  }
0xf0: {  	[sflag:s9] =	ssyncset.done $0x0  }
0xf1: {  	[sflag:s9] =	ssyncadd.s32 $0xFFFFD800  }
0xf2: {  	[hbm4b:s21+s2] =	stream.linear.scatter [tilespmem:s7], [sflag:$0x3], $0x2800, $0x38;
	[tilespmem:$0x5A00] =	vst v63  }
0xf3: {  	_ =	swait.ge [sflag:s4], $0x2800  }
0xf4: {  	[sflag:s4] =	ssyncset.done $0x0  }
0xf5: {  	[sflag:s4] =	ssyncadd.s32 $0xFFFFD800  }
0xf6: {  	[tilespmem:s7], [sflag:$0x1] =	stream.indirect.gather [hbm4b:s5+s6], $0x40, s22, s6, $0xb8;
	[tilespmem:$0x5A00] =	vst v63  }
0xf7: {  	_ =	swait.ge [sflag:s11], $0x2800  }
0xf8: {  	[sflag:s11] =	ssyncset.done $0x0  }
0xf9: {  	[sflag:s11] =	ssyncadd.s32 $0xFFFFD800  }
0xfa: {  	[hbm4b:s23+s2] =	stream.linear.scatter [tilespmem:s8], [sflag:$0x3], $0x2800, $0x38;
	[tilespmem:$0x5A00] =	vst v63  }
0xfb: {  	_ =	swait.ge [sflag:s4], $0x2800  }
0xfc: {  	[sflag:s4] =	ssyncset.done $0x0  }
0xfd: {  	[sflag:s4] =	ssyncadd.s32 $0xFFFFD800  }
0xfe: {  	[tilespmem:s8], [sflag:$0x2] =	stream.indirect.gather [hbm4b:s5+s6], $0x40, s24, s6, $0xb8;
	[tilespmem:$0x5A00] =	vst v63  }
0xff: {  	_ =	swait.ge [sflag:s9], $0x2800  }
0x100: {  	[sflag:s9] =	ssyncset.done $0x0  }
0x101: {  	[sflag:s9] =	ssyncadd.s32 $0xFFFFD800  }
0x102: {  	[hbm4b:s25+s2] =	stream.linear.scatter [tilespmem:s7], [sflag:$0x3], $0x2800, $0x38;
	[tilespmem:$0x5A00] =	vst v63  }
0x103: {  	_ =	swait.ge [sflag:s4], $0x2800  }
0x104: {  	[sflag:s4] =	ssyncset.done $0x0  }
0x105: {  	[sflag:s4] =	ssyncadd.s32 $0xFFFFD800  }
0x106: {  	[tilespmem:s7], [sflag:$0x1] =	stream.indirect.gather [hbm4b:s5+s6], $0x40, s26, s6, $0xb8;
	[tilespmem:$0x5A00] =	vst v63  }
0x107: {  	_ =	swait.ge [sflag:s11], $0x2800  }
0x108: {  	[sflag:s11] =	ssyncset.done $0x0  }
0x109: {  	[sflag:s11] =	ssyncadd.s32 $0xFFFFD800  }
0x10a: {  	[hbm4b:s28+s2] =	stream.linear.scatter [tilespmem:s8], [sflag:$0x3], $0x2800, $0x38;
	[tilespmem:$0x5A00] =	vst v63  }
0x10b: {  	_ =	swait.ge [sflag:s4], $0x2800  }
0x10c: {  	[sflag:s4] =	ssyncset.done $0x0  }
0x10d: {  	[sflag:s4] =	ssyncadd.s32 $0xFFFFD800  }
0x10e: {  	[tilespmem:s8], [sflag:$0x2] =	stream.indirect.gather [hbm4b:s5+s6], $0x40, s29, s6, $0xb8;
	[tilespmem:$0x5A00] =	vst v63  }
0x10f: {  	_ =	swait.ge [sflag:s9], $0x2800  }
0x110: {  	[sflag:s9] =	ssyncset.done $0x0  }
0x111: {  	[sflag:s9] =	ssyncadd.s32 $0xFFFFD800  }
0x112: {  	[hbm4b:s30+s2] =	stream.linear.scatter [tilespmem:s7], [sflag:$0x3], $0x2800, $0x38;
	[tilespmem:$0x5A00] =	vst v63  }
0x113: {  	_ =	swait.ge [sflag:s4], $0x2800  }
0x114: {  	[sflag:s4] =	ssyncset.done $0x0  }
0x115: {  	p0 =	sne.s32 s1, $0x1;
	[sflag:s4] =	ssyncadd.s32 $0xFFFFD800  }
.Ltmp1:
0x116: {  	_ =	swait.ge [sflag:s11], $0x2800;
	(pc) =	sbr.rel @p0 .LBB2_1-.Ltmp1, $4  }
0x117: {  	[sflag:s11] =	ssyncset.done $0x0  }
0x118: {  	[sflag:s11] =	ssyncadd.s32 $0xFFFFD800  }
0x119: {  	[hbm4b:s31+s2] =	stream.linear.scatter [tilespmem:s8], [sflag:$0x3], $0x2800, $0x38;
	[tilespmem:$0x5A00] =	vst v63  }
0x11a: {  	s1 =	sadd.s32 $0xFFFFFFFF, s1;
	_ =	swait.ge [sflag:s4], $0x2800  }
.LBB2_2:
0x11b: {  	[sflag:s4] =	ssyncset.done $0x0  }
0x11c: {  	[sflag:s4] =	ssyncadd.s32 $0xFFFFD800  }
0x11d: {  	_ =	sfence.sel $0x180000  }
0x11e: {  	[bflag:$0x0] =	sbarrier.arrive $0xFFFF  }
0x11f: {  	_ =	strace $0x9000004A  }
0x120: {  	s0 =	stileid.u32;
	[bflag:$0x2] =	sbarrier.arrive $0xFFFF  }
0x121: {  	p0 =	sne.s32 s0, $0x0;
	s0 =	rddreg [dreg:$0x2]  }
0x122: {  	s0 =	sadd.s32 @!p0 $0x100000, s0  }
0x123: {  	[sflag:s0] =	ssyncadd.tile.s32 @!p0 $0x1;
	_ =	shalt  }
.Lfunc_end2:
_tile_overlayer_lowered:
.L_overlay_start_2:
0x124: {  	(tag) =	ssettag $0x2  }
0x125: {  	s0 =	rddreg [dreg:$0x0];
	s2 =	stileid.u32  }
0x126: {  	s1 =	rddreg [dreg:$0x1];
	p0 =	sne.s32 s2, $0x0  }
0x127: {  	s3 =	rddreg [dreg:$0x2];
	[bflag:$0x3] =	sbarrier.arrive $0xFFFF;
	s2 =	simm.s32 @!p0 $0x1C03  }
0x128: {  	[timem:s3], [sflag:s2] =	dma.local @!p0 [hbm:s0], s1  }
0x129: {  	s0 =	simm.s32 @!p0 $0x3  }
0x12a: {  	_ =	swait.ge @!p0 [sflag:s0], s1  }
0x12b: {  	s1 =	ssub.s32 @!p0 $0x0, s1;
	[sflag:s0] =	ssyncset.done @!p0 $0x0  }
0x12c: {  	[sflag:s0] =	ssyncadd.s32 @!p0 s1  }
0x12d: {  	[bflag:$0x3] =	sbarrier.arrive $0xFFFF  }
0x12e: {  	_ =	shalt  }

// kernel: kernel.7.cloned.1.call-start
scs
__scs_entry_jumppad:
0x0: {  	(pc) =	sbr.rel $0x88, $3  }
0x1: {  	(tag) =	ssettag $0x0;
	lr =	simm.s32 $0x1  }
0x2: {  	[smem:$0x3F8F] =	sst lr;
	_ =	strace $0xD0000000  }
0x3: {  	_ = 	snop  }
0x4: {  	_ = 	snop  }
0x5: {  	_ = 	snop  }
0x6: {  	_ = 	snop  }
0x7: {  	_ = 	snop  }
__scs_overlays_trampoline_lowered:
0x8: {  	[smem:$0x3F9E] =	sst s0  }
0x9: {  	[smem:$0x3F9F] =	sst s1  }
0xa: {  	[smem:$0x3FA0] =	sst s2  }
0xb: {  	[smem:$0x3FA1] =	sst s3  }
0xc: {  	[smem:$0x3FA2] =	sst s4  }
0xd: {  	[smem:$0x3FA3] =	sst s5  }
0xe: {  	[smem:$0x3FA4] =	sst s6  }
0xf: {  	[smem:$0x3FA5] =	sst s7  }
0x10: {  	[smem:$0x3FA6] =	sst s8  }
0x11: {  	[smem:$0x3FA7] =	sst s9;
	s0 =	simm.s32 @!p0 $0x0  }
0x12: {  	s1 =	sld [smem:$0x3F8D];
	s0 =	simm.s32 @p0 $0x1  }
0x13: {  	[smem:$0x3FA8] =	sst s0;
	s0 =	simm.s32 @!p1 $0x0  }
0x14: {  	s2 =	sld [smem:$0x3F8C];
	s0 =	simm.s32 @p1 $0x1  }
0x15: {  	[smem:$0x3FA9] =	sst s0;
	s0 =	simm.s32 @!p2 $0x0  }
0x16: {  	s3 =	sld [smem:$0x3FDB];
	s0 =	simm.s32 @p2 $0x1  }
0x17: {  	s4 =	simm.s32 $0x1BF5;
	[smem:$0x3FAB] =	sst s0  }
0x18: {  	s0 =	sld [smem:$0x3F8E];
	_ =	swait.ge [sflag:s4], $0x0  }
0x19: {  	s7 =	sld [smem:$0x3F8F]  }
0x1a: {  	s8 =	sadd.s32 $0xFFFFE003, lr  }
0x1b: {  	s9 =	sadd.s32 $0xFFFFFEF7, lr;
	s5 =	simm.s32 $0xFFFFFFFF;
	p2 =	slt.u32 s8, $0xFFFFF086  }
0x1c: {  	p1 =	slt.u32 s9, $0xF7A;
	s5 =	simm.s32 @!p2 $0x0  }
0x1d: {  	s5 =	simm.s32 @p1 $0x1;
	p0 =	seq.s32 s7, s2  }
0x1e: {  	s7 =	smul.u32 @!p0 $0xF7A, s2;
	p2 =	seq.s32 @!p0 s5, $0x0  }
0x1f: {  	s9 =	smul.u32 $0xF7A, s1;
	s8 =	simm.s32 @!p0 $0x1BF5;
	p2 =	por !p2, p0  }
0x20: {  	[sflag:s8] =	ssyncset.s32 @!p0 $0xFFFFF086;
	s6 =	sadd.s32 @!p0 s3, s7;
	s7 =	simm.s32 @!p0 $0x108  }
0x21: {  	s3 =	sadd.s32 s3, s9;
	s6 =	sadd.s32 @!p0 $0x88, s6;
	s7 =	simm.s32 @p2 $0x1082  }
0x22: {  	[simem:s7], [sflag:s8] =	dma.local @!p0 [hbm:s6], $0xF7A  }
0x23: {  	s9 =	sor.u32 $0xD0000000, s2;
	s6 =	simm.s32 $0x108;
	_ =	swait.ge @!p0 [sflag:s8], $0x0  }
0x24: {  	s3 =	sadd.s32 $0x88, s3;
	s6 =	simm.s32 @!p1 $0x1082;
	[sflag:s4] =	ssyncset.s32 $0xFFFFF086  }
0x25: {  	[simem:s6], [sflag:s4] =	dma.local [hbm:s3], $0xF7A  }
0x26: {  	[smem:$0x3F8F] =	sst s1;
	(tag) =	ssettag s2;
	_ =	strace s9  }
0x27: {  	s1 =	sld [smem:$0x3F9F]  }
0x28: {  	s2 =	sld [smem:$0x3FA0]  }
0x29: {  	s4 =	sld [smem:$0x3FA2]  }
0x2a: {  	p0 =	seq.s32 s5, $0x0;
	s5 =	sld [smem:$0x3FA3]  }
0x2b: {  	s6 =	sld [smem:$0x3FA4]  }
0x2c: {  	s7 =	sld [smem:$0x3FA5]  }
0x2d: {  	s3 =	simm.s32 $0x108;
	s8 =	sld [smem:$0x3FA6]  }
0x2e: {  	s3 =	simm.s32 @!p0 $0x1082;
	s9 =	sld [smem:$0x3FA7]  }
0x2f: {  	lr =	sadd.s32 s0, s3;
	s0 =	sld [smem:$0x3F9E]  }
0x30: {  	s3 =	sld [smem:$0x3FA1]  }
0x31: {  	[smem:$0x3FAA] =	sst s10  }
0x32: {  	s10 =	sld [smem:$0x3FA8];
	_ =	sdelay $0x3  }
0x33: {  	p0 =	seq.s32 s10, $0x1;
	s10 =	sld [smem:$0x3FAA];
	_ =	sdelay $0x3  }
0x34: {  	[smem:$0x3FAA] =	sst s10  }
0x35: {  	s10 =	sld [smem:$0x3FA9];
	_ =	sdelay $0x3  }
0x36: {  	p1 =	seq.s32 s10, $0x1;
	s10 =	sld [smem:$0x3FAA];
	_ =	sdelay $0x3  }
0x37: {  	[smem:$0x3FAA] =	sst s10  }
0x38: {  	s10 =	sld [smem:$0x3FAB]  }
0x39: {  	_ = 	snop;
	(pc) =	sbr.ind lr, $3  }
0x3a: {  	_ = 	snop  }
0x3b: {  	_ = 	snop  }
0x3c: {  	p2 =	seq.s32 s10, $0x1;
	s10 =	sld [smem:$0x3FAA]  }
0x3d: {  	_ =	shalt  }
0x3e: {  	_ =	shalt  }
0x3f: {  	_ =	shalt  }
0x40: {  	_ =	shalt  }
0x41: {  	_ =	shalt  }
0x42: {  	_ =	shalt  }
0x43: {  	_ =	shalt  }
0x44: {  	_ =	shalt  }
0x45: {  	_ =	shalt  }
0x46: {  	_ =	shalt  }
0x47: {  	_ =	shalt  }
0x48: {  	_ =	shalt  }
0x49: {  	_ =	shalt  }
0x4a: {  	_ =	shalt  }
0x4b: {  	_ =	shalt  }
0x4c: {  	_ =	shalt  }
0x4d: {  	_ =	shalt  }
0x4e: {  	_ =	shalt  }
0x4f: {  	_ =	shalt  }
0x50: {  	_ =	shalt  }
0x51: {  	_ =	shalt  }
0x52: {  	_ =	shalt  }
0x53: {  	_ =	shalt  }
0x54: {  	_ =	shalt  }
0x55: {  	_ =	shalt  }
0x56: {  	_ =	shalt  }
0x57: {  	_ =	shalt  }
0x58: {  	_ =	shalt  }
0x59: {  	_ =	shalt  }
0x5a: {  	_ =	shalt  }
0x5b: {  	_ =	shalt  }
0x5c: {  	_ =	shalt  }
0x5d: {  	_ =	shalt  }
0x5e: {  	_ =	shalt  }
0x5f: {  	_ =	shalt  }
0x60: {  	_ =	shalt  }
0x61: {  	_ =	shalt  }
0x62: {  	_ =	shalt  }
0x63: {  	_ =	shalt  }
0x64: {  	_ =	shalt  }
0x65: {  	_ =	shalt  }
0x66: {  	_ =	shalt  }
0x67: {  	_ =	shalt  }
0x68: {  	_ =	shalt  }
0x69: {  	_ =	shalt  }
0x6a: {  	_ =	shalt  }
0x6b: {  	_ =	shalt  }
0x6c: {  	_ =	shalt  }
0x6d: {  	_ =	shalt  }
0x6e: {  	_ =	shalt  }
0x6f: {  	_ =	shalt  }
0x70: {  	_ =	shalt  }
0x71: {  	_ =	shalt  }
0x72: {  	_ =	shalt  }
0x73: {  	_ =	shalt  }
0x74: {  	_ =	shalt  }
0x75: {  	_ =	shalt  }
0x76: {  	_ =	shalt  }
0x77: {  	_ =	shalt  }
0x78: {  	_ =	shalt  }
0x79: {  	_ =	shalt  }
0x7a: {  	_ =	shalt  }
0x7b: {  	_ =	shalt  }
0x7c: {  	_ =	shalt  }
0x7d: {  	_ =	shalt  }
0x7e: {  	_ =	shalt  }
0x7f: {  	_ =	shalt  }
0x80: {  	_ =	shalt  }
0x81: {  	_ =	shalt  }
0x82: {  	_ =	shalt  }
0x83: {  	_ =	shalt  }
0x84: {  	_ =	shalt  }
0x85: {  	_ =	shalt  }
0x86: {  	_ =	shalt  }
0x87: {  	_ =	shalt  }
.Lfunc_end0:
.L_simem_size_0:
called_computation_lowered:
.L_overlay_start_0:
0x88: {  	s2 =	sld [smem:$0x3FD9]  }
0x89: {  	s3 =	sld [smem:$0x3FFE];
	_ =	sdelay $0x1  }
0x8a: {  	s1 =	srdreg.scid  }
0x8b: {  	s0 =	sand.u32 $0x1, s1  }
0x8c: {  	s17 =	sshll.u32 s0, $0xA;
	s2 =	sadd.s32 s3, s2  }
0x8d: {  	s2 =	sadd.s32 s2, s17  }
0x8e: {  	[smem:$0x3FB6] =	sst s2  }
0x8f: {  	_ = 	snop  }
0x90: {  	s2 =	sld [smem:$0x3FD0];
	(tm) =	ssettm $0x1  }
0x91: {  	s18 =	sld [smem:$0x3FFB];
	_ =	sdelay $0x3  }
0x92: {  	_ =	strace s18  }
0x93: {  	s3 =	sld [smem:$0x3FFC];
	_ =	sdelay $0x3  }
0x94: {  	_ =	strace s3  }
0x95: {  	s3 =	sld [smem:$0x3FFD];
	_ =	sdelay $0x3  }
0x96: {  	_ =	strace s3  }
0x97: {  	_ =	strace $0x8FFFFFFF  }
0x98: {  	s19 =	sld [smem:$0x3FDB];
	_ =	sdelay $0x1  }
0x99: {  	s4 =	simm.s32 $_scs_section_size  }
0x9a: {  	s5 =	simm.s32 $_size__tile_overlayer_lowered;
	s6 =	simm.s32 $_tile_overlayer_lowered  }
0x9b: {  	s22 =	simm.s32 $0x1BFF;
	s21 =	sshll.u32 s6, $0x1;
	s3 =	sadd.s32 s4, s19  }
0x9c: {  	s7 =	simm.s32 $0x0;
	s20 =	sshll.u32 s5, $0x1;
	s5 =	sadd.s32 s21, s3  }
0x9d: {  	[timem:s7], [sflag:s22] =	dma.local [hbm:s5], s20  }
0x9e: {  	_ =	swait.ge [sflag:s22], s20  }
0x9f: {  	s4 =	ssub.s32 $0x0, s20;
	[sflag:s22] =	ssyncset.done $0x0  }
0xa0: {  	[sflag:s22] =	ssyncadd.s32 s4;
	_ =	sdelay $0x1  }
0xa1: {  	s23 =	simm.s32 $0x1B8B  }
0xa2: {  	_ =	swait.ge [sflag:s23], $0x1  }
0xa3: {  	[sflag:s23] =	ssyncset.done $0x0  }
0xa4: {  	s25 =	simm.s32 $0x1B8E;
	s24 =	sld [smem:$0x3FFE];
	[sflag:s23] =	ssyncadd.s32 $0xFFFFFFFF  }
0xa5: {  	s26 =	simm.s32 $execute0_lowered;
	[smem:$0x3FD2] =	sst s25  }
0xa6: {  	s5 =	sshll.u32 s26, $0x1;
	_ =	strace $0x80000046;
	[dreg:$0x1] =	wrdreg $0xFFFFFFFF  }
0xa7: {  	s28 =	simm.s32 $_size_execute0_lowered;
	s3 =	sadd.s32 s3, s5;
	[dreg:$0x0] =	wrdreg $0x0  }
0xa8: {  	s5 =	sshll.u32 s28, $0x1;
	[dreg:$0x2] =	wrdreg s3  }
0xa9: {  	[dreg:$0x3] =	wrdreg s5  }
0xaa: {  	[dreg:$0x4] =	wrdreg $0xC0  }
0xab: {  	_ =	task [dreg:s7], $0x5FFFF  }
0xac: {  	[dreg:$0x1] =	wrdreg $0xFFFFFFFF  }
0xad: {  	[dreg:$0x0] =	wrdreg $0x60  }
0xae: {  	[dreg:$0x2] =	wrdreg s24  }
0xaf: {  	[dreg:$0x3] =	wrdreg s2  }
0xb0: {  	[dreg:$0x4] =	wrdreg $0x9  }
0xb1: {  	_ =	task.clear_ibuf [dreg:s7], $0x5FFFF;
	_ =	strace $0x90000046  }
0xb2: {  	s29 =	simm.s32 $0x9;
	_ =	strace $0x80000048  }
0xb3: {  	_ =	swait.ge [sflag:s29], $0x1  }
0xb4: {  	[sflag:s29] =	ssyncadd.s32 $0xFFFFFFFF  }
0xb5: {  	_ =	strace $0x90000048  }
0xb6: {  	_ =	sfence  }
0xb7: {  	s30 =	sld [smem:$0x0];
	_ =	sdelay $0x2  }
0xb8: {  	s31 =	sshll.u32 s1, $0xD;
	s1 =	sshrl.u32 s1, $0x2  }
0xb9: {  	s3 =	sand.u32 $0x4000, s31;
	s1 =	sadd.s32 s1, s30  }
0xba: {  	s0 =	sor.u32 s3, s0;
	s1 =	sshll.u32 s1, $0x11  }
0xbb: {  	s0 =	sor.u32 s1, s0  }
0xbc: {  	s0 =	sadd.s32 $0x8F2B, s0  }
0xbd: {  	[sflag:s0] =	ssyncadd.remote.s32 $0x1  }
0xbe: {  	_ =	sfence.sel $0xFFFF  }
0xbf: {  	[dreg:$0x0] =	wrdreg $0xFFFFFFFF;
	(pc) =	sbr.abs _section_cstart, $3  }
0xc0: {  	[dreg:$0x1] =	wrdreg $0xFFFFFFFF  }
0xc1: {  	_ =	task.clear_ibuf [dreg:s7], $0x2FFFF;
	_ =	strace $0x9FFFFFFF  }
0xc2: {  	(tm) =	ssettm $0x7FFFFFFF  }
0xc3: {  	_ =	shalt  }
tec
execute0_lowered:
.L_overlay_start_1:
0x0: {  	(tag) =	ssettag $0x1  }
0x1: {  	s1 =	srdreg.scid;
	s0 =	stileid.u32  }
0x2: {  	s1 =	sand.u32 $0x1, s1;
	s2 =	sshll.u32 s0, $0x1  }
0x3: {  	s4 =	sor.u32 s1, s2  }
0x4: {  	s5 =	rddreg [dreg:$0x0];
	s6 =	smul.u32 $0x140, s4  }
0x5: {  	s3 =	rddreg [dreg:$0x1];
	s2 =	simm.s32 $0x0;
	s7 =	smul.u32 $0x5000, s4  }
0x6: {  	s8 =	sadd.s32 $0xB200, s5;
	[smem:$0x7FF] =	sst s2  }
0x7: {  	s4 =	smul.u32 $0x28000, s4;
	s6 =	sadd.s32 s3, s6;
	s3 =	sadd.s32 s8, s7  }
0x8: {  	_ =	strace $0x80000047;
	[dreg:$0x3] =	wrdreg s6;
	s18 =	sadd.s32 $0x500, s3  }
0x9: {  	s19 =	sadd.s32 $0xA00, s3;
	[dreg:$0x4] =	wrdreg s18  }
0xa: {  	s4 =	sshrl.u32 s4, $0x3;
	s20 =	sadd.s32 $0xF00, s3;
	[dreg:$0x5] =	wrdreg s19  }
0xb: {  	s31 =	sadd.s32 s8, s4;
	[dreg:$0x6] =	wrdreg s20  }
0xc: {  	s4 =	sadd.s32 $0x1400, s31;
	s25 =	rddreg [dreg:$0x3]  }
0xd: {  	s21 =	sadd.s32 $0x1900, s31;
	[dreg:$0x7] =	wrdreg s4  }
0xe: {  	s22 =	sadd.s32 $0x1E00, s31;
	[dreg:$0x8] =	wrdreg s21  }
0xf: {  	s23 =	sadd.s32 $0x2300, s31;
	[dreg:$0x9] =	wrdreg s22  }
0x10: {  	s24 =	sadd.s32 $0x2800, s31;
	[dreg:$0xa] =	wrdreg s23  }
0x11: {  	s26 =	sadd.s32 $0x2D00, s31;
	[dreg:$0xb] =	wrdreg s24  }
0x12: {  	[dreg:$0xc] =	wrdreg s26;
	s4 =	simm.s32 $0x3  }
0x13: {  	[tilespmem:s2], [sflag:$0x3] =	stream.linear.gather [hbm4b:s25+s2], $0xA00, $0x38;
	[tilespmem:$0x5A00] =	vst v63  }
0x14: {  	_ =	swait.ge [sflag:s4], $0xA00  }
0x15: {  	s5 =	sadd.s32 $0x3200, s5;
	[sflag:s4] =	ssyncset.done $0x0  }
0x16: {  	s7 =	simm.s32 $0xA00;
	s6 =	simm.s32 $0xA0;
	[sflag:s4] =	ssyncadd.s32 $0xFFFFF600  }
0x17: {  	[tilespmem:s7], [sflag:$0x1] =	stream.indirect.gather [hbm4b:s5+s6], $0x40, s2, s6, $0xb8;
	[tilespmem:$0x5A00] =	vst v63  }
0x18: {  	s9 =	simm.s32 $0x1;
	s8 =	simm.s32 $0x3200  }
0x19: {  	[tilespmem:s8], [sflag:$0x2] =	stream.indirect.gather [hbm4b:s5+s6], $0x40, s6, s6, $0xb8;
	[tilespmem:$0x5A00] =	vst v63  }
0x1a: {  	_ =	swait.ge [sflag:s9], $0x2800  }
0x1b: {  	[sflag:s9] =	ssyncset.done $0x0  }
0x1c: {  	[sflag:s9] =	ssyncadd.s32 $0xFFFFD800  }
0x1d: {  	[hbm4b:s3+s2] =	stream.linear.scatter [tilespmem:s7], [sflag:$0x3], $0x2800, $0x38;
	[tilespmem:$0x5A00] =	vst v63  }
0x1e: {  	_ =	swait.ge [sflag:s4], $0x2800  }
0x1f: {  	[sflag:s4] =	ssyncset.done $0x0  }
0x20: {  	s10 =	simm.s32 $0x140;
	s11 =	simm.s32 $0x2;
	[sflag:s4] =	ssyncadd.s32 $0xFFFFD800  }
0x21: {  	[tilespmem:s7], [sflag:$0x1] =	stream.indirect.gather [hbm4b:s5+s6], $0x40, s10, s6, $0xb8;
	[tilespmem:$0x5A00] =	vst v63  }
0x22: {  	_ =	swait.ge [sflag:s11], $0x2800  }
0x23: {  	[sflag:s11] =	ssyncset.done $0x0  }
0x24: {  	s12 =	rddreg [dreg:$0x4];
	[sflag:s11] =	ssyncadd.s32 $0xFFFFD800  }
0x25: {  	[hbm4b:s12+s2] =	stream.linear.scatter [tilespmem:s8], [sflag:$0x3], $0x2800, $0x38;
	[tilespmem:$0x5A00] =	vst v63  }
0x26: {  	_ =	swait.ge [sflag:s4], $0x2800  }
0x27: {  	[sflag:s4] =	ssyncset.done $0x0  }
0x28: {  	s12 =	simm.s32 $0x1E0;
	[sflag:s4] =	ssyncadd.s32 $0xFFFFD800  }
0x29: {  	[tilespmem:s8], [sflag:$0x2] =	stream.indirect.gather [hbm4b:s5+s6], $0x40, s12, s6, $0xb8;
	[tilespmem:$0x5A00] =	vst v63  }
0x2a: {  	_ =	swait.ge [sflag:s9], $0x2800  }
0x2b: {  	[sflag:s9] =	ssyncset.done $0x0  }
0x2c: {  	s13 =	rddreg [dreg:$0x5];
	[sflag:s9] =	ssyncadd.s32 $0xFFFFD800  }
0x2d: {  	[hbm4b:s13+s2] =	stream.linear.scatter [tilespmem:s7], [sflag:$0x3], $0x2800, $0x38;
	[tilespmem:$0x5A00] =	vst v63  }
0x2e: {  	_ =	swait.ge [sflag:s4], $0x2800  }
0x2f: {  	[sflag:s4] =	ssyncset.done $0x0  }
0x30: {  	s13 =	simm.s32 $0x280;
	[sflag:s4] =	ssyncadd.s32 $0xFFFFD800  }
0x31: {  	[tilespmem:s7], [sflag:$0x1] =	stream.indirect.gather [hbm4b:s5+s6], $0x40, s13, s6, $0xb8;
	[tilespmem:$0x5A00] =	vst v63  }
0x32: {  	_ =	swait.ge [sflag:s11], $0x2800  }
0x33: {  	[sflag:s11] =	ssyncset.done $0x0  }
0x34: {  	s14 =	rddreg [dreg:$0x6];
	[sflag:s11] =	ssyncadd.s32 $0xFFFFD800  }
0x35: {  	[hbm4b:s14+s2] =	stream.linear.scatter [tilespmem:s8], [sflag:$0x3], $0x2800, $0x38;
	[tilespmem:$0x5A00] =	vst v63  }
0x36: {  	_ =	swait.ge [sflag:s4], $0x2800  }
0x37: {  	[sflag:s4] =	ssyncset.done $0x0  }
0x38: {  	s14 =	simm.s32 $0x320;
	[sflag:s4] =	ssyncadd.s32 $0xFFFFD800  }
0x39: {  	[tilespmem:s8], [sflag:$0x2] =	stream.indirect.gather [hbm4b:s5+s6], $0x40, s14, s6, $0xb8;
	[tilespmem:$0x5A00] =	vst v63  }
0x3a: {  	_ =	swait.ge [sflag:s9], $0x2800  }
0x3b: {  	[sflag:s9] =	ssyncset.done $0x0  }
0x3c: {  	s15 =	rddreg [dreg:$0x7];
	[sflag:s9] =	ssyncadd.s32 $0xFFFFD800  }
0x3d: {  	[hbm4b:s15+s2] =	stream.linear.scatter [tilespmem:s7], [sflag:$0x3], $0x2800, $0x38;
	[tilespmem:$0x5A00] =	vst v63  }
0x3e: {  	_ =	swait.ge [sflag:s4], $0x2800  }
0x3f: {  	[sflag:s4] =	ssyncset.done $0x0  }
0x40: {  	s15 =	simm.s32 $0x3C0;
	[sflag:s4] =	ssyncadd.s32 $0xFFFFD800  }
0x41: {  	[tilespmem:s7], [sflag:$0x1] =	stream.indirect.gather [hbm4b:s5+s6], $0x40, s15, s6, $0xb8;
	[tilespmem:$0x5A00] =	vst v63  }
0x42: {  	_ =	swait.ge [sflag:s11], $0x2800  }
0x43: {  	[sflag:s11] =	ssyncset.done $0x0  }
0x44: {  	s16 =	rddreg [dreg:$0x8];
	[sflag:s11] =	ssyncadd.s32 $0xFFFFD800  }
0x45: {  	[hbm4b:s16+s2] =	stream.linear.scatter [tilespmem:s8], [sflag:$0x3], $0x2800, $0x38;
	[tilespmem:$0x5A00] =	vst v63  }
0x46: {  	_ =	swait.ge [sflag:s4], $0x2800  }
0x47: {  	[sflag:s4] =	ssyncset.done $0x0  }
0x48: {  	s16 =	simm.s32 $0x460;
	[sflag:s4] =	ssyncadd.s32 $0xFFFFD800  }
0x49: {  	[tilespmem:s8], [sflag:$0x2] =	stream.indirect.gather [hbm4b:s5+s6], $0x40, s16, s6, $0xb8;
	[tilespmem:$0x5A00] =	vst v63  }
0x4a: {  	_ =	swait.ge [sflag:s9], $0x2800  }
0x4b: {  	[sflag:s9] =	ssyncset.done $0x0  }
0x4c: {  	s17 =	rddreg [dreg:$0x9];
	[sflag:s9] =	ssyncadd.s32 $0xFFFFD800  }
0x4d: {  	[hbm4b:s17+s2] =	stream.linear.scatter [tilespmem:s7], [sflag:$0x3], $0x2800, $0x38;
	[tilespmem:$0x5A00] =	vst v63  }
0x4e: {  	_ =	swait.ge [sflag:s4], $0x2800  }
0x4f: {  	[sflag:s4] =	ssyncset.done $0x0  }
0x50: {  	s17 =	simm.s32 $0x500;
	[sflag:s4] =	ssyncadd.s32 $0xFFFFD800  }
0x51: {  	[tilespmem:s7], [sflag:$0x1] =	stream.indirect.gather [hbm4b:s5+s6], $0x40, s17, s6, $0xb8;
	[tilespmem:$0x5A00] =	vst v63  }
0x52: {  	_ =	swait.ge [sflag:s11], $0x2800  }
0x53: {  	[sflag:s11] =	ssyncset.done $0x0  }
0x54: {  	s18 =	rddreg [dreg:$0xa];
	[sflag:s11] =	ssyncadd.s32 $0xFFFFD800  }
0x55: {  	[hbm4b:s18+s2] =	stream.linear.scatter [tilespmem:s8], [sflag:$0x3], $0x2800, $0x38;
	[tilespmem:$0x5A00] =	vst v63  }
0x56: {  	_ =	swait.ge [sflag:s4], $0x2800  }
0x57: {  	[sflag:s4] =	ssyncset.done $0x0  }
0x58: {  	s18 =	simm.s32 $0x5A0;
	[sflag:s4] =	ssyncadd.s32 $0xFFFFD800  }
0x59: {  	[tilespmem:s8], [sflag:$0x2] =	stream.indirect.gather [hbm4b:s5+s6], $0x40, s18, s6, $0xb8;
	[tilespmem:$0x5A00] =	vst v63  }
0x5a: {  	_ =	swait.ge [sflag:s9], $0x2800  }
0x5b: {  	[sflag:s9] =	ssyncset.done $0x0  }
0x5c: {  	s19 =	rddreg [dreg:$0xb];
	[sflag:s9] =	ssyncadd.s32 $0xFFFFD800  }
0x5d: {  	[hbm4b:s19+s2] =	stream.linear.scatter [tilespmem:s7], [sflag:$0x3], $0x2800, $0x38;
	[tilespmem:$0x5A00] =	vst v63  }
0x5e: {  	_ =	swait.ge [sflag:s4], $0x2800  }
0x5f: {  	[sflag:s4] =	ssyncset.done $0x0  }
0x60: {  	s19 =	simm.s32 $0x640;
	[sflag:s4] =	ssyncadd.s32 $0xFFFFD800  }
0x61: {  	[tilespmem:s7], [sflag:$0x1] =	stream.indirect.gather [hbm4b:s5+s6], $0x40, s19, s6, $0xb8;
	[tilespmem:$0x5A00] =	vst v63  }
0x62: {  	_ =	swait.ge [sflag:s11], $0x2800  }
0x63: {  	[sflag:s11] =	ssyncset.done $0x0  }
0x64: {  	s20 =	rddreg [dreg:$0xc];
	[sflag:s11] =	ssyncadd.s32 $0xFFFFD800  }
0x65: {  	[hbm4b:s20+s2] =	stream.linear.scatter [tilespmem:s8], [sflag:$0x3], $0x2800, $0x38;
	[tilespmem:$0x5A00] =	vst v63  }
0x66: {  	_ =	swait.ge [sflag:s4], $0x2800  }
0x67: {  	[sflag:s4] =	ssyncset.done $0x0  }
0x68: {  	s20 =	simm.s32 $0x6E0;
	[sflag:s4] =	ssyncadd.s32 $0xFFFFD800  }
0x69: {  	[tilespmem:s8], [sflag:$0x2] =	stream.indirect.gather [hbm4b:s5+s6], $0x40, s20, s6, $0xb8;
	[tilespmem:$0x5A00] =	vst v63  }
0x6a: {  	_ =	swait.ge [sflag:s9], $0x2800  }
0x6b: {  	[sflag:s9] =	ssyncset.done $0x0  }
0x6c: {  	s21 =	sadd.s32 $0x3200, s31;
	[sflag:s9] =	ssyncadd.s32 $0xFFFFD800  }
0x6d: {  	[hbm4b:s21+s2] =	stream.linear.scatter [tilespmem:s7], [sflag:$0x3], $0x2800, $0x38;
	[tilespmem:$0x5A00] =	vst v63  }
0x6e: {  	_ =	swait.ge [sflag:s4], $0x2800  }
0x6f: {  	[sflag:s4] =	ssyncset.done $0x0  }
0x70: {  	s22 =	simm.s32 $0x780;
	[sflag:s4] =	ssyncadd.s32 $0xFFFFD800  }
0x71: {  	[tilespmem:s7], [sflag:$0x1] =	stream.indirect.gather [hbm4b:s5+s6], $0x40, s22, s6, $0xb8;
	[tilespmem:$0x5A00] =	vst v63  }
0x72: {  	_ =	swait.ge [sflag:s11], $0x2800  }
0x73: {  	[sflag:s11] =	ssyncset.done $0x0  }
0x74: {  	s23 =	sadd.s32 $0x3700, s31;
	[sflag:s11] =	ssyncadd.s32 $0xFFFFD800  }
0x75: {  	[hbm4b:s23+s2] =	stream.linear.scatter [tilespmem:s8], [sflag:$0x3], $0x2800, $0x38;
	[tilespmem:$0x5A00] =	vst v63  }
0x76: {  	_ =	swait.ge [sflag:s4], $0x2800  }
0x77: {  	[sflag:s4] =	ssyncset.done $0x0  }
0x78: {  	s24 =	simm.s32 $0x820;
	[sflag:s4] =	ssyncadd.s32 $0xFFFFD800  }
0x79: {  	[tilespmem:s8], [sflag:$0x2] =	stream.indirect.gather [hbm4b:s5+s6], $0x40, s24, s6, $0xb8;
	[tilespmem:$0x5A00] =	vst v63  }
0x7a: {  	_ =	swait.ge [sflag:s9], $0x2800  }
0x7b: {  	[sflag:s9] =	ssyncset.done $0x0  }
0x7c: {  	s25 =	sadd.s32 $0x3C00, s31;
	[sflag:s9] =	ssyncadd.s32 $0xFFFFD800  }
0x7d: {  	[hbm4b:s25+s2] =	stream.linear.scatter [tilespmem:s7], [sflag:$0x3], $0x2800, $0x38;
	[tilespmem:$0x5A00] =	vst v63  }
0x7e: {  	_ =	swait.ge [sflag:s4], $0x2800  }
0x7f: {  	[sflag:s4] =	ssyncset.done $0x0  }
0x80: {  	s26 =	simm.s32 $0x8C0;
	[sflag:s4] =	ssyncadd.s32 $0xFFFFD800  }
0x81: {  	[tilespmem:s7], [sflag:$0x1] =	stream.indirect.gather [hbm4b:s5+s6], $0x40, s26, s6, $0xb8;
	[tilespmem:$0x5A00] =	vst v63  }
0x82: {  	_ =	swait.ge [sflag:s11], $0x2800  }
0x83: {  	[sflag:s11] =	ssyncset.done $0x0  }
0x84: {  	s28 =	sadd.s32 $0x4100, s31;
	[sflag:s11] =	ssyncadd.s32 $0xFFFFD800  }
0x85: {  	[hbm4b:s28+s2] =	stream.linear.scatter [tilespmem:s8], [sflag:$0x3], $0x2800, $0x38;
	[tilespmem:$0x5A00] =	vst v63  }
0x86: {  	_ =	swait.ge [sflag:s4], $0x2800  }
0x87: {  	[sflag:s4] =	ssyncset.done $0x0  }
0x88: {  	s29 =	simm.s32 $0x960;
	[sflag:s4] =	ssyncadd.s32 $0xFFFFD800  }
0x89: {  	[tilespmem:s8], [sflag:$0x2] =	stream.indirect.gather [hbm4b:s5+s6], $0x40, s29, s6, $0xb8;
	[tilespmem:$0x5A00] =	vst v63  }
0x8a: {  	_ =	swait.ge [sflag:s9], $0x2800  }
0x8b: {  	s1 =	ssub.s32 $0x2, s1;
	[sflag:s9] =	ssyncset.done $0x0  }
0x8c: {  	s0 =	sshrl.u32 s1, $0x1;
	s30 =	sadd.s32 $0x4600, s31;
	[sflag:s9] =	ssyncadd.s32 $0xFFFFD800  }
0x8d: {  	[hbm4b:s30+s2] =	stream.linear.scatter [tilespmem:s7], [sflag:$0x3], $0x2800, $0x38;
	[tilespmem:$0x5A00] =	vst v63  }
0x8e: {  	s0 =	ssub.s32 s1, s0;
	_ =	swait.ge [sflag:s4], $0x2800  }
0x8f: {  	s0 =	smax.u32 s0, $0x1;
	[sflag:s4] =	ssyncset.done $0x0  }
0x90: {  	p0 =	sne.s32 s0, $0x1;
	[sflag:s4] =	ssyncadd.s32 $0xFFFFD800  }
.Ltmp0:
0x91: {  	_ =	swait.ge [sflag:s11], $0x2800;
	(pc) =	sbr.rel @!p0 .LBB2_2-.Ltmp0, $4  }
0x92: {  	[sflag:s11] =	ssyncset.done $0x0  }
0x93: {  	s31 =	sadd.s32 $0x4B00, s31;
	[sflag:s11] =	ssyncadd.s32 $0xFFFFD800  }
0x94: {  	[hbm4b:s31+s2] =	stream.linear.scatter [tilespmem:s8], [sflag:$0x3], $0x2800, $0x38;
	[tilespmem:$0x5A00] =	vst v63  }
0x95: {  	s1 =	sadd.s32 $0xFFFFFFFF, s0;
	_ =	swait.ge [sflag:s4], $0x2800  }
.LBB2_1:
0x96: {  	[sflag:s4] =	ssyncset.done $0x0  }
0x97: {  	s0 =	rddreg [dreg:$0x3];
	[sflag:s4] =	ssyncadd.s32 $0xFFFFD800  }
0x98: {  	[tilespmem:s2], [sflag:$0x3] =	stream.linear.gather [hbm4b:s0+s2], $0xA00, $0x38;
	[tilespmem:$0x5A00] =	vst v63  }
0x99: {  	_ =	swait.ge [sflag:s4], $0xA00  }
0x9a: {  	[sflag:s4] =	ssyncset.done $0x0  }
0x9b: {  	[sflag:s4] =	ssyncadd.s32 $0xFFFFF600  }
0x9c: {  	[tilespmem:s7], [sflag:$0x1] =	stream.indirect.gather [hbm4b:s5+s6], $0x40, s2, s6, $0xb8;
	[tilespmem:$0x5A00] =	vst v63  }
0x9d: {  	_ = 	snop  }
0x9e: {  	[tilespmem:s8], [sflag:$0x2] =	stream.indirect.gather [hbm4b:s5+s6], $0x40, s6, s6, $0xb8;
	[tilespmem:$0x5A00] =	vst v63  }
0x9f: {  	_ =	swait.ge [sflag:s9], $0x2800  }
0xa0: {  	[sflag:s9] =	ssyncset.done $0x0  }
0xa1: {  	[sflag:s9] =	ssyncadd.s32 $0xFFFFD800  }
0xa2: {  	[hbm4b:s3+s2] =	stream.linear.scatter [tilespmem:s7], [sflag:$0x3], $0x2800, $0x38;
	[tilespmem:$0x5A00] =	vst v63  }
0xa3: {  	_ =	swait.ge [sflag:s4], $0x2800  }
0xa4: {  	[sflag:s4] =	ssyncset.done $0x0  }
0xa5: {  	[sflag:s4] =	ssyncadd.s32 $0xFFFFD800  }
0xa6: {  	[tilespmem:s7], [sflag:$0x1] =	stream.indirect.gather [hbm4b:s5+s6], $0x40, s10, s6, $0xb8;
	[tilespmem:$0x5A00] =	vst v63  }
0xa7: {  	_ =	swait.ge [sflag:s11], $0x2800  }
0xa8: {  	[sflag:s11] =	ssyncset.done $0x0  }
0xa9: {  	s0 =	rddreg [dreg:$0x4];
	[sflag:s11] =	ssyncadd.s32 $0xFFFFD800  }
0xaa: {  	[hbm4b:s0+s2] =	stream.linear.scatter [tilespmem:s8], [sflag:$0x3], $0x2800, $0x38;
	[tilespmem:$0x5A00] =	vst v63  }
0xab: {  	_ =	swait.ge [sflag:s4], $0x2800  }
0xac: {  	[sflag:s4] =	ssyncset.done $0x0  }
0xad: {  	[sflag:s4] =	ssyncadd.s32 $0xFFFFD800  }
0xae: {  	[tilespmem:s8], [sflag:$0x2] =	stream.indirect.gather [hbm4b:s5+s6], $0x40, s12, s6, $0xb8;
	[tilespmem:$0x5A00] =	vst v63  }
0xaf: {  	_ =	swait.ge [sflag:s9], $0x2800  }
0xb0: {  	[sflag:s9] =	ssyncset.done $0x0  }
0xb1: {  	s0 =	rddreg [dreg:$0x5];
	[sflag:s9] =	ssyncadd.s32 $0xFFFFD800  }
0xb2: {  	[hbm4b:s0+s2] =	stream.linear.scatter [tilespmem:s7], [sflag:$0x3], $0x2800, $0x38;
	[tilespmem:$0x5A00] =	vst v63  }
0xb3: {  	_ =	swait.ge [sflag:s4], $0x2800  }
0xb4: {  	[sflag:s4] =	ssyncset.done $0x0  }
0xb5: {  	[sflag:s4] =	ssyncadd.s32 $0xFFFFD800  }
0xb6: {  	[tilespmem:s7], [sflag:$0x1] =	stream.indirect.gather [hbm4b:s5+s6], $0x40, s13, s6, $0xb8;
	[tilespmem:$0x5A00] =	vst v63  }
0xb7: {  	_ =	swait.ge [sflag:s11], $0x2800  }
0xb8: {  	[sflag:s11] =	ssyncset.done $0x0  }
0xb9: {  	s0 =	rddreg [dreg:$0x6];
	[sflag:s11] =	ssyncadd.s32 $0xFFFFD800  }
0xba: {  	[hbm4b:s0+s2] =	stream.linear.scatter [tilespmem:s8], [sflag:$0x3], $0x2800, $0x38;
	[tilespmem:$0x5A00] =	vst v63  }
0xbb: {  	_ =	swait.ge [sflag:s4], $0x2800  }
0xbc: {  	[sflag:s4] =	ssyncset.done $0x0  }
0xbd: {  	[sflag:s4] =	ssyncadd.s32 $0xFFFFD800  }
0xbe: {  	[tilespmem:s8], [sflag:$0x2] =	stream.indirect.gather [hbm4b:s5+s6], $0x40, s14, s6, $0xb8;
	[tilespmem:$0x5A00] =	vst v63  }
0xbf: {  	_ =	swait.ge [sflag:s9], $0x2800  }
0xc0: {  	[sflag:s9] =	ssyncset.done $0x0  }
0xc1: {  	s0 =	rddreg [dreg:$0x7];
	[sflag:s9] =	ssyncadd.s32 $0xFFFFD800  }
0xc2: {  	[hbm4b:s0+s2] =	stream.linear.scatter [tilespmem:s7], [sflag:$0x3], $0x2800, $0x38;
	[tilespmem:$0x5A00] =	vst v63  }
0xc3: {  	_ =	swait.ge [sflag:s4], $0x2800  }
0xc4: {  	[sflag:s4] =	ssyncset.done $0x0  }
0xc5: {  	[sflag:s4] =	ssyncadd.s32 $0xFFFFD800  }
0xc6: {  	[tilespmem:s7], [sflag:$0x1] =	stream.indirect.gather [hbm4b:s5+s6], $0x40, s15, s6, $0xb8;
	[tilespmem:$0x5A00] =	vst v63  }
0xc7: {  	_ =	swait.ge [sflag:s11], $0x2800  }
0xc8: {  	[sflag:s11] =	ssyncset.done $0x0  }
0xc9: {  	s0 =	rddreg [dreg:$0x8];
	[sflag:s11] =	ssyncadd.s32 $0xFFFFD800  }
0xca: {  	[hbm4b:s0+s2] =	stream.linear.scatter [tilespmem:s8], [sflag:$0x3], $0x2800, $0x38;
	[tilespmem:$0x5A00] =	vst v63  }
0xcb: {  	_ =	swait.ge [sflag:s4], $0x2800  }
0xcc: {  	[sflag:s4] =	ssyncset.done $0x0  }
0xcd: {  	[sflag:s4] =	ssyncadd.s32 $0xFFFFD800  }
0xce: {  	[tilespmem:s8], [sflag:$0x2] =	stream.indirect.gather [hbm4b:s5+s6], $0x40, s16, s6, $0xb8;
	[tilespmem:$0x5A00] =	vst v63  }
0xcf: {  	_ =	swait.ge [sflag:s9], $0x2800  }
0xd0: {  	[sflag:s9] =	ssyncset.done $0x0  }
0xd1: {  	s0 =	rddreg [dreg:$0x9];
	[sflag:s9] =	ssyncadd.s32 $0xFFFFD800  }
0xd2: {  	[hbm4b:s0+s2] =	stream.linear.scatter [tilespmem:s7], [sflag:$0x3], $0x2800, $0x38;
	[tilespmem:$0x5A00] =	vst v63  }
0xd3: {  	_ =	swait.ge [sflag:s4], $0x2800  }
0xd4: {  	[sflag:s4] =	ssyncset.done $0x0  }
0xd5: {  	[sflag:s4] =	ssyncadd.s32 $0xFFFFD800  }
0xd6: {  	[tilespmem:s7], [sflag:$0x1] =	stream.indirect.gather [hbm4b:s5+s6], $0x40, s17, s6, $0xb8;
	[tilespmem:$0x5A00] =	vst v63  }
0xd7: {  	_ =	swait.ge [sflag:s11], $0x2800  }
0xd8: {  	[sflag:s11] =	ssyncset.done $0x0  }
0xd9: {  	s0 =	rddreg [dreg:$0xa];
	[sflag:s11] =	ssyncadd.s32 $0xFFFFD800  }
0xda: {  	[hbm4b:s0+s2] =	stream.linear.scatter [tilespmem:s8], [sflag:$0x3], $0x2800, $0x38;
	[tilespmem:$0x5A00] =	vst v63  }
0xdb: {  	_ =	swait.ge [sflag:s4], $0x2800  }
0xdc: {  	[sflag:s4] =	ssyncset.done $0x0  }
0xdd: {  	[sflag:s4] =	ssyncadd.s32 $0xFFFFD800  }
0xde: {  	[tilespmem:s8], [sflag:$0x2] =	stream.indirect.gather [hbm4b:s5+s6], $0x40, s18, s6, $0xb8;
	[tilespmem:$0x5A00] =	vst v63  }
0xdf: {  	_ =	swait.ge [sflag:s9], $0x2800  }
0xe0: {  	[sflag:s9] =	ssyncset.done $0x0  }
0xe1: {  	s0 =	rddreg [dreg:$0xb];
	[sflag:s9] =	ssyncadd.s32 $0xFFFFD800  }
0xe2: {  	[hbm4b:s0+s2] =	stream.linear.scatter [tilespmem:s7], [sflag:$0x3], $0x2800, $0x38;
	[tilespmem:$0x5A00] =	vst v63  }
0xe3: {  	_ =	swait.ge [sflag:s4], $0x2800  }
0xe4: {  	[sflag:s4] =	ssyncset.done $0x0  }
0xe5: {  	[sflag:s4] =	ssyncadd.s32 $0xFFFFD800  }
0xe6: {  	[tilespmem:s7], [sflag:$0x1] =	stream.indirect.gather [hbm4b:s5+s6], $0x40, s19, s6, $0xb8;
	[tilespmem:$0x5A00] =	vst v63  }
0xe7: {  	_ =	swait.ge [sflag:s11], $0x2800  }
0xe8: {  	[sflag:s11] =	ssyncset.done $0x0  }
0xe9: {  	s0 =	rddreg [dreg:$0xc];
	[sflag:s11] =	ssyncadd.s32 $0xFFFFD800  }
0xea: {  	[hbm4b:s0+s2] =	stream.linear.scatter [tilespmem:s8], [sflag:$0x3], $0x2800, $0x38;
	[tilespmem:$0x5A00] =	vst v63  }
0xeb: {  	_ =	swait.ge [sflag:s4], $0x2800  }
0xec: {  	[sflag:s4] =	ssyncset.done $0x0  }
0xed: {  	[sflag:s4] =	ssyncadd.s32 $0xFFFFD800  }
0xee: {  	[tilespmem:s8], [sflag:$0x2] =	stream.indirect.gather [hbm4b:s5+s6], $0x40, s20, s6, $0xb8;
	[tilespmem:$0x5A00] =	vst v63  }
0xef: {  	_ =	swait.ge [sflag:s9], $0x2800  }
0xf0: {  	[sflag:s9] =	ssyncset.done $0x0  }
0xf1: {  	[sflag:s9] =	ssyncadd.s32 $0xFFFFD800  }
0xf2: {  	[hbm4b:s21+s2] =	stream.linear.scatter [tilespmem:s7], [sflag:$0x3], $0x2800, $0x38;
	[tilespmem:$0x5A00] =	vst v63  }
0xf3: {  	_ =	swait.ge [sflag:s4], $0x2800  }
0xf4: {  	[sflag:s4] =	ssyncset.done $0x0  }
0xf5: {  	[sflag:s4] =	ssyncadd.s32 $0xFFFFD800  }
0xf6: {  	[tilespmem:s7], [sflag:$0x1] =	stream.indirect.gather [hbm4b:s5+s6], $0x40, s22, s6, $0xb8;
	[tilespmem:$0x5A00] =	vst v63  }
0xf7: {  	_ =	swait.ge [sflag:s11], $0x2800  }
0xf8: {  	[sflag:s11] =	ssyncset.done $0x0  }
0xf9: {  	[sflag:s11] =	ssyncadd.s32 $0xFFFFD800  }
0xfa: {  	[hbm4b:s23+s2] =	stream.linear.scatter [tilespmem:s8], [sflag:$0x3], $0x2800, $0x38;
	[tilespmem:$0x5A00] =	vst v63  }
0xfb: {  	_ =	swait.ge [sflag:s4], $0x2800  }
0xfc: {  	[sflag:s4] =	ssyncset.done $0x0  }
0xfd: {  	[sflag:s4] =	ssyncadd.s32 $0xFFFFD800  }
0xfe: {  	[tilespmem:s8], [sflag:$0x2] =	stream.indirect.gather [hbm4b:s5+s6], $0x40, s24, s6, $0xb8;
	[tilespmem:$0x5A00] =	vst v63  }
0xff: {  	_ =	swait.ge [sflag:s9], $0x2800  }
0x100: {  	[sflag:s9] =	ssyncset.done $0x0  }
0x101: {  	[sflag:s9] =	ssyncadd.s32 $0xFFFFD800  }
0x102: {  	[hbm4b:s25+s2] =	stream.linear.scatter [tilespmem:s7], [sflag:$0x3], $0x2800, $0x38;
	[tilespmem:$0x5A00] =	vst v63  }
0x103: {  	_ =	swait.ge [sflag:s4], $0x2800  }
0x104: {  	[sflag:s4] =	ssyncset.done $0x0  }
0x105: {  	[sflag:s4] =	ssyncadd.s32 $0xFFFFD800  }
0x106: {  	[tilespmem:s7], [sflag:$0x1] =	stream.indirect.gather [hbm4b:s5+s6], $0x40, s26, s6, $0xb8;
	[tilespmem:$0x5A00] =	vst v63  }
0x107: {  	_ =	swait.ge [sflag:s11], $0x2800  }
0x108: {  	[sflag:s11] =	ssyncset.done $0x0  }
0x109: {  	[sflag:s11] =	ssyncadd.s32 $0xFFFFD800  }
0x10a: {  	[hbm4b:s28+s2] =	stream.linear.scatter [tilespmem:s8], [sflag:$0x3], $0x2800, $0x38;
	[tilespmem:$0x5A00] =	vst v63  }
0x10b: {  	_ =	swait.ge [sflag:s4], $0x2800  }
0x10c: {  	[sflag:s4] =	ssyncset.done $0x0  }
0x10d: {  	[sflag:s4] =	ssyncadd.s32 $0xFFFFD800  }
0x10e: {  	[tilespmem:s8], [sflag:$0x2] =	stream.indirect.gather [hbm4b:s5+s6], $0x40, s29, s6, $0xb8;
	[tilespmem:$0x5A00] =	vst v63  }
0x10f: {  	_ =	swait.ge [sflag:s9], $0x2800  }
0x110: {  	[sflag:s9] =	ssyncset.done $0x0  }
0x111: {  	[sflag:s9] =	ssyncadd.s32 $0xFFFFD800  }
0x112: {  	[hbm4b:s30+s2] =	stream.linear.scatter [tilespmem:s7], [sflag:$0x3], $0x2800, $0x38;
	[tilespmem:$0x5A00] =	vst v63  }
0x113: {  	_ =	swait.ge [sflag:s4], $0x2800  }
0x114: {  	[sflag:s4] =	ssyncset.done $0x0  }
0x115: {  	p0 =	sne.s32 s1, $0x1;
	[sflag:s4] =	ssyncadd.s32 $0xFFFFD800  }
.Ltmp1:
0x116: {  	_ =	swait.ge [sflag:s11], $0x2800;
	(pc) =	sbr.rel @p0 .LBB2_1-.Ltmp1, $4  }
0x117: {  	[sflag:s11] =	ssyncset.done $0x0  }
0x118: {  	[sflag:s11] =	ssyncadd.s32 $0xFFFFD800  }
0x119: {  	[hbm4b:s31+s2] =	stream.linear.scatter [tilespmem:s8], [sflag:$0x3], $0x2800, $0x38;
	[tilespmem:$0x5A00] =	vst v63  }
0x11a: {  	s1 =	sadd.s32 $0xFFFFFFFF, s1;
	_ =	swait.ge [sflag:s4], $0x2800  }
.LBB2_2:
0x11b: {  	[sflag:s4] =	ssyncset.done $0x0  }
0x11c: {  	[sflag:s4] =	ssyncadd.s32 $0xFFFFD800  }
0x11d: {  	_ =	sfence.sel $0x180000  }
0x11e: {  	[bflag:$0x0] =	sbarrier.arrive $0xFFFF  }
0x11f: {  	_ =	strace $0x90000047  }
0x120: {  	s0 =	stileid.u32;
	[bflag:$0x2] =	sbarrier.arrive $0xFFFF  }
0x121: {  	p0 =	sne.s32 s0, $0x0;
	s0 =	rddreg [dreg:$0x2]  }
0x122: {  	s0 =	sadd.s32 @!p0 $0x100000, s0  }
0x123: {  	[sflag:s0] =	ssyncadd.tile.s32 @!p0 $0x1;
	_ =	shalt  }
.Lfunc_end2:
_tile_overlayer_lowered:
.L_overlay_start_2:
0x124: {  	(tag) =	ssettag $0x2  }
0x125: {  	s0 =	rddreg [dreg:$0x0];
	s2 =	stileid.u32  }
0x126: {  	s1 =	rddreg [dreg:$0x1];
	p0 =	sne.s32 s2, $0x0  }
0x127: {  	s3 =	rddreg [dreg:$0x2];
	[bflag:$0x3] =	sbarrier.arrive $0xFFFF;
	s2 =	simm.s32 @!p0 $0x1C03  }
0x128: {  	[timem:s3], [sflag:s2] =	dma.local @!p0 [hbm:s0], s1  }
0x129: {  	s0 =	simm.s32 @!p0 $0x3  }
0x12a: {  	_ =	swait.ge @!p0 [sflag:s0], s1  }
0x12b: {  	s1 =	ssub.s32 @!p0 $0x0, s1;
	[sflag:s0] =	ssyncset.done @!p0 $0x0  }
0x12c: {  	[sflag:s0] =	ssyncadd.s32 @!p0 s1  }
0x12d: {  	[bflag:$0x3] =	sbarrier.arrive $0xFFFF  }
0x12e: {  	_ =	shalt  }

</sc_bundles>
